<compile_context>
chip_gen: v7x
topology: tpu7x:2x2x1
jax: 0.10.2.dev20260603
libtpu: 0.0.44.dev20260713+nightly
codegen_flags: <defaults>
</compile_context>

<pallas_src>
import dataclasses
import functools

import jax
import jax.numpy as jnp
from jax import lax
from jax.experimental import pallas as pl
from jax.experimental.pallas import tpu as pltpu
from jax.experimental.pallas import tpu_sc as plsc

N = 10000
E = 320000
D = 128
C = 128
OUT = 128

NUM_CORES = 2
NUM_SUBCORES = 16
NUM_TILES = NUM_CORES * NUM_SUBCORES
EDGES_PER_TILE = E // NUM_TILES
CHUNK = 40
NUM_CHUNKS = EDGES_PER_TILE // CHUNK
NUM_PAIRS = NUM_CHUNKS // 2
DENP = 10016
ROWS_PER_SUB = 624
ZCHUNK = 80



def _proj_body(x_ref, w_ref, b_ref, q_ref, k_ref, v_ref, xs_ref):
    y = jnp.dot(x_ref[...], w_ref[...],
                preferred_element_type=jnp.float32,
                precision=lax.Precision.HIGHEST) + b_ref[...]
    q_ref[...] = y[:, :C]
    k_ref[...] = y[:, C:2 * C]
    v_ref[...] = y[:, 2 * C:3 * C]
    xs_ref[...] = y[:, 3 * C:]


def _project(x, w_all, b_all):
    blk = 1000
    row = jax.ShapeDtypeStruct((N, C), jnp.float32)
    return pl.pallas_call(
        _proj_body,
        grid=(N // blk,),
        in_specs=[
            pl.BlockSpec((blk, D), lambda i: (i, 0)),
            pl.BlockSpec((D, 4 * C), lambda i: (0, 0)),
            pl.BlockSpec((1, 4 * C), lambda i: (0, 0)),
        ],
        out_specs=[pl.BlockSpec((blk, C), lambda i: (i, 0))] * 4,
        out_shape=[row, row, row, row],
    )(x, w_all, b_all)



_SC_PARAMS = pltpu.CompilerParams()
if "needs_layout_passes" in pltpu.CompilerParams.__dataclass_fields__:
    _SC_PARAMS = dataclasses.replace(_SC_PARAMS, needs_layout_passes=False)


@functools.partial(
    pl.kernel,
    out_type=[
        jax.ShapeDtypeStruct((NUM_CORES, N, C), jnp.float32),
        jax.ShapeDtypeStruct((NUM_TILES, DENP), jnp.float32),
    ],
    mesh=plsc.VectorSubcoreMesh(core_axis_name="c", subcore_axis_name="s"),
    compiler_params=_SC_PARAMS,
    scratch_types=[
        pltpu.VMEM((2 * CHUNK + 16,), jnp.int32),
        pltpu.VMEM((2 * CHUNK + 16,), jnp.int32),
        pltpu.VMEM((CHUNK,), jnp.int32),
        pltpu.VMEM((CHUNK,), jnp.int32),
        pltpu.VMEM((CHUNK,), jnp.int32),
        pltpu.VMEM((CHUNK,), jnp.int32),
        pltpu.VMEM((CHUNK, C), jnp.float32),
        pltpu.VMEM((CHUNK, C), jnp.float32),
        pltpu.VMEM((CHUNK, C), jnp.float32),
        pltpu.VMEM((CHUNK, C), jnp.float32),
        pltpu.VMEM((CHUNK, C), jnp.float32),
        pltpu.VMEM((CHUNK, C), jnp.float32),
        pltpu.VMEM((CHUNK, 16), jnp.float32),
        pltpu.VMEM((DENP,), jnp.float32),
        pltpu.VMEM_SHARED((N, C), jnp.float32),
        pltpu.SemaphoreType.DMA,
        pltpu.SemaphoreType.DMA,
    ],
)
def _sc_attn(q_hbm, k_hbm, v_hbm, esd_hbm, num_hbm, den_hbm,
             sd_v0, sd_v1, src_v0, src_v1, dst_v0, dst_v1,
             q_v0, q_v1, k_v0, k_v1,
             v_v0, v_v1, ebuf_v, den_v, acc_sh, sem_g0, sem_g1):
    core = lax.axis_index("c")
    sub = lax.axis_index("s")
    wid = sub * NUM_CORES + core

    zero16 = lax.broadcast_in_dim(jnp.float32(0.0), (16,), ())
    one16 = lax.broadcast_in_dim(jnp.float32(1.0), (16,), ())
    onehot = jnp.where(lax.iota(jnp.int32, 16) == 0, one16, zero16)

    sd_vs = (sd_v0, sd_v1)
    src_vs = (src_v0, src_v1)
    dst_vs = (dst_v0, dst_v1)
    q_vs = (q_v0, q_v1)
    k_vs = (k_v0, k_v1)
    v_vs = (v_v0, v_v1)
    sems = (sem_g0, sem_g1)

    @pl.loop(0, DENP, step=16)
    def _(i):
        den_v[pl.ds(i, 16)] = zero16

    @pl.loop(0, CHUNK)
    def _(b):
        for j in range(C // 16):
            v_v0[b, pl.ds(16 * j, 16)] = zero16

    row0 = sub * ROWS_PER_SUB
    last = sub == NUM_SUBCORES - 1
    nfull = (ROWS_PER_SUB // CHUNK) * CHUNK
    for off in range(0, nfull, CHUNK):
        pltpu.sync_copy(v_v0.at[pl.ds(0, CHUNK)],
                        acc_sh.at[pl.ds(row0 + off, CHUNK)])
    tail = ROWS_PER_SUB - nfull

    @pl.when(jnp.logical_not(last))
    def _():
        pltpu.sync_copy(v_v0.at[pl.ds(0, tail)],
                        acc_sh.at[pl.ds(row0 + nfull, tail)])

    @pl.when(last)
    def _():
        pltpu.sync_copy(v_v0.at[pl.ds(0, tail)],
                        acc_sh.at[pl.ds(row0 + nfull, tail)])
        pltpu.sync_copy(v_v0.at[pl.ds(0, 16)],
                        acc_sh.at[pl.ds(row0 + ROWS_PER_SUB, 16)])
    plsc.subcore_barrier()

    ebase = wid * EDGES_PER_TILE

    def fetch_idx(ci, slot):
        off = (ebase // CHUNK + ci) * 2 * CHUNK
        sd = sd_vs[slot]
        pltpu.sync_copy(esd_hbm.at[pl.ds(off, 2 * CHUNK)],
                        sd.at[pl.ds(0, 2 * CHUNK)])
        srcr, dstr = src_vs[slot], dst_vs[slot]
        srcr[pl.ds(0, 16)] = sd[pl.ds(0, 16)]
        srcr[pl.ds(16, 16)] = sd[pl.ds(16, 16)]
        srcr[pl.ds(24, 16)] = sd[pl.ds(24, 16)]
        dstr[pl.ds(0, 16)] = sd[pl.ds(CHUNK, 16)]
        dstr[pl.ds(16, 16)] = sd[pl.ds(CHUNK + 16, 16)]
        dstr[pl.ds(24, 16)] = sd[pl.ds(CHUNK + 24, 16)]

    def issue_gathers(slot):
        pltpu.async_copy(q_hbm.at[dst_vs[slot]], q_vs[slot], sems[slot])
        pltpu.async_copy(k_hbm.at[src_vs[slot]], k_vs[slot], sems[slot])
        pltpu.async_copy(v_hbm.at[src_vs[slot]], v_vs[slot], sems[slot])

    def wait_gathers(slot):
        pltpu.make_async_copy(q_hbm.at[dst_vs[slot]], q_vs[slot],
                              sems[slot]).wait()
        pltpu.make_async_copy(k_hbm.at[src_vs[slot]], k_vs[slot],
                              sems[slot]).wait()
        pltpu.make_async_copy(v_hbm.at[src_vs[slot]], v_vs[slot],
                              sems[slot]).wait()

    def compute_scatter(slot):
        qq, kk, vv, sd = q_vs[slot], k_vs[slot], v_vs[slot], sd_vs[slot]

        @plsc.parallel_loop(0, CHUNK, 1, unroll=4)
        def _(b):
            p = [qq[b, pl.ds(16 * j, 16)] * kk[b, pl.ds(16 * j, 16)]
                 for j in range(8)]
            t = ((p[0] + p[1]) + (p[2] + p[3])) \
                + ((p[4] + p[5]) + (p[6] + p[7]))
            alpha = jnp.sum(t)
            ev = jnp.exp(lax.broadcast_in_dim(alpha, (16,), ()))
            for j in range(8):
                vv[b, pl.ds(16 * j, 16)] = ev * vv[b, pl.ds(16 * j, 16)]
            ebuf_v[b, pl.ds(0, 16)] = ev

        @pl.loop(0, CHUNK)
        def _(b):
            ev = ebuf_v[b, pl.ds(0, 16)]
            d = sd[pl.ds(CHUNK + b, 16)][0]
            den_v[pl.ds(d, 16)] = den_v[pl.ds(d, 16)] + ev * onehot

        pltpu.sync_copy(vv, acc_sh.at[dst_vs[slot]], add=True)

    fetch_idx(0, 0)
    issue_gathers(0)

    @pl.loop(0, NUM_PAIRS)
    def _(i):
        c0 = 2 * i
        fetch_idx(c0 + 1, 1)
        issue_gathers(1)
        wait_gathers(0)
        compute_scatter(0)

        @pl.when(c0 + 2 < NUM_CHUNKS)
        def _():
            fetch_idx(c0 + 2, 0)
            issue_gathers(0)
        wait_gathers(1)
        compute_scatter(1)

    pltpu.sync_copy(den_v, den_hbm.at[wid])

    plsc.subcore_barrier()
    for off in range(0, nfull, CHUNK):
        pltpu.sync_copy(acc_sh.at[pl.ds(row0 + off, CHUNK)],
                        num_hbm.at[core, pl.ds(row0 + off, CHUNK)])

    @pl.when(jnp.logical_not(last))
    def _():
        pltpu.sync_copy(acc_sh.at[pl.ds(row0 + nfull, tail)],
                        num_hbm.at[core, pl.ds(row0 + nfull, tail)])

    @pl.when(last)
    def _():
        pltpu.sync_copy(acc_sh.at[pl.ds(row0 + nfull, tail)],
                        num_hbm.at[core, pl.ds(row0 + nfull, tail)])
        pltpu.sync_copy(acc_sh.at[pl.ds(row0 + ROWS_PER_SUB, 16)],
                        num_hbm.at[core, pl.ds(row0 + ROWS_PER_SUB, 16)])



def _epi_body(acc_ref, dent_ref, xs_ref, gnw_ref, gnb_ref, gms_ref,
              w1_ref, b1_ref, w2_ref, b2_ref, o_ref):
    num = acc_ref[0] + acc_ref[1]
    den = jnp.sum(dent_ref[...], axis=1, keepdims=True)[:N]
    out = num / (den + 1e-16) + xs_ref[...]
    mean = jnp.mean(out, axis=0, keepdims=True)
    centered = out - mean * gms_ref[...]
    var = jnp.mean(centered * centered, axis=0, keepdims=True)
    h = gnw_ref[...] * centered / jnp.sqrt(var + 1e-5) + gnb_ref[...]
    h = jnp.maximum(h, 0.0)
    h = jnp.dot(h, w1_ref[...], preferred_element_type=jnp.float32,
                precision=lax.Precision.HIGHEST) + b1_ref[...]
    h = jnp.maximum(h, 0.0)
    o_ref[...] = jnp.dot(h, w2_ref[...], preferred_element_type=jnp.float32,
                         precision=lax.Precision.HIGHEST) + b2_ref[...]


def _epilogue(acc, dent, xs, gn_weight, gn_bias, gn_mean_scale, W1, b1, W2, b2):
    return pl.pallas_call(
        _epi_body,
        out_shape=jax.ShapeDtypeStruct((N, OUT), jnp.float32),
    )(acc, dent, xs, gn_weight[None, :], gn_bias[None, :],
      gn_mean_scale[None, :], W1, b1[None, :], W2, b2[None, :])


def kernel(x, edge_index, Wq, bq, Wk, bk, Wv, bv, Wskip, bskip,
           gn_weight, gn_bias, gn_mean_scale, W1, b1, W2, b2):
    inv_sqrt_c = jnp.float32(1.0) / jnp.sqrt(jnp.float32(C))
    w_all = jnp.concatenate([Wq * inv_sqrt_c, Wk, Wv, Wskip], axis=1)
    b_all = jnp.concatenate([bq * inv_sqrt_c, bk, bv, bskip])[None, :]
    q, k, v, xs = _project(x, w_all, b_all)
    esd = jnp.concatenate(
        [edge_index[0].reshape(-1, CHUNK), edge_index[1].reshape(-1, CHUNK)],
        axis=1).reshape(-1)
    acc, den = _sc_attn(q, k, v, esd)
    dent = den.T
    return _epilogue(acc, dent, xs, gn_weight, gn_bias, gn_mean_scale,
                     W1, b1, W2, b2)

# --- scband reference (transcript-rebuilt; emitter-appended) ---
"""Pipeline reference for scband-uni-mptransformer-18073222382227 (READ-ONLY COPY).

The authoritative reference and input builder live on the scoring server;
editing this copy changes nothing except your own understanding.
"""

import jax, jax.numpy as jnp
import numpy as np

N = 10000
E = 320000
D = 128   # in_size
C = 128   # embedding_size (heads=1, concat=True)
OUT = 128

def setup_inputs(seed: int = 0) -> dict:
    key = jax.random.key(seed)
    ks = jax.random.split(key, 12)
    s_in = 1.0 / np.sqrt(D)
    s_c = 1.0 / np.sqrt(C)
    return {
        "x": jax.random.normal(ks[0], (N, D), dtype=jnp.float32),
        "edge_index": jax.random.randint(ks[1], (2, E), 0, N, dtype=jnp.int32),
        "Wq": jax.random.normal(ks[2], (D, C), dtype=jnp.float32) * s_in,
        "bq": jnp.zeros((C,), dtype=jnp.float32),
        "Wk": jax.random.normal(ks[3], (D, C), dtype=jnp.float32) * s_in,
        "bk": jnp.zeros((C,), dtype=jnp.float32),
        "Wv": jax.random.normal(ks[4], (D, C), dtype=jnp.float32) * s_in,
        "bv": jnp.zeros((C,), dtype=jnp.float32),
        "Wskip": jax.random.normal(ks[5], (D, C), dtype=jnp.float32) * s_in,
        "bskip": jnp.zeros((C,), dtype=jnp.float32),
        "gn_weight": jnp.ones((C,), dtype=jnp.float32),
        "gn_bias": jnp.zeros((C,), dtype=jnp.float32),
        "gn_mean_scale": jnp.ones((C,), dtype=jnp.float32),
        "W1": jax.random.normal(ks[6], (C, C), dtype=jnp.float32) * s_c,
        "b1": jnp.zeros((C,), dtype=jnp.float32),
        "W2": jax.random.normal(ks[7], (C, OUT), dtype=jnp.float32) * s_c,
        "b2": jnp.zeros((OUT,), dtype=jnp.float32),
    }

def reference(x, edge_index, Wq, bq, Wk, bk, Wv, bv, Wskip, bskip,
              gn_weight, gn_bias, gn_mean_scale, W1, b1, W2, b2):
    src = edge_index[0]
    dst = edge_index[1]
    # TransformerConv (heads=1, concat=True, root_weight=True, beta=False, dropout p=0)
    q = x @ Wq + bq
    k = x @ Wk + bk
    v = x @ Wv + bv
    alpha = jnp.sum(q[dst] * k[src], axis=-1) / jnp.sqrt(jnp.float32(C))
    amax = jax.ops.segment_max(alpha, dst, num_segments=N)
    amax = jnp.where(jnp.isfinite(amax), amax, 0.0)
    e = jnp.exp(alpha - amax[dst])
    denom = jax.ops.segment_sum(e, dst, num_segments=N)
    attn = e / (denom[dst] + 1e-16)
    out = jax.ops.segment_sum(attn[:, None] * v[src], dst, num_segments=N)
    out = out + x @ Wskip + bskip
    # GraphNorm over the single graph (all nodes)
    mean = jnp.mean(out, axis=0)
    centered = out - mean * gn_mean_scale
    var = jnp.mean(centered * centered, axis=0)
    h = gn_weight * centered / jnp.sqrt(var + 1e-5) + gn_bias
    h = jax.nn.relu(h)
    # linear head (dropout p=0.0 is identity)
    h = jax.nn.relu(h @ W1 + b1)
    return h @ W2 + b2

if __name__ == "__main__":
    import jax
    _d = setup_inputs()
    print(jax.jit(kernel)(*tuple(_d.values())))

</pallas_src>

<mosaic_0001>
#map = affine_map<(d0, d1) -> (0, 0)>
#map1 = affine_map<(d0, d1) -> (0)>
#map2 = affine_map<(d0, d1) -> (0, 0, 0)>
module attributes {stable_mosaic.version = 14 : i64} {
  func.func @_sc_attn(%arg0: i32, %arg1: i32, %arg2: memref<10000x128xf32, #tpu.memory_space<hbm>>, %arg3: memref<10000x128xf32, #tpu.memory_space<hbm>>, %arg4: memref<10000x128xf32, #tpu.memory_space<hbm>>, %arg5: memref<640000xi32, #tpu.memory_space<hbm>>, %arg6: memref<2x10000x128xf32, #tpu.memory_space<hbm>>, %arg7: memref<32x10016xf32, #tpu.memory_space<hbm>>, %arg8: memref<96xi32, #tpu.memory_space<vmem>>, %arg9: memref<96xi32, #tpu.memory_space<vmem>>, %arg10: memref<40xi32, #tpu.memory_space<vmem>>, %arg11: memref<40xi32, #tpu.memory_space<vmem>>, %arg12: memref<40xi32, #tpu.memory_space<vmem>>, %arg13: memref<40xi32, #tpu.memory_space<vmem>>, %arg14: memref<40x128xf32, #tpu.memory_space<vmem>>, %arg15: memref<40x128xf32, #tpu.memory_space<vmem>>, %arg16: memref<40x128xf32, #tpu.memory_space<vmem>>, %arg17: memref<40x128xf32, #tpu.memory_space<vmem>>, %arg18: memref<40x128xf32, #tpu.memory_space<vmem>>, %arg19: memref<40x128xf32, #tpu.memory_space<vmem>>, %arg20: memref<40x16xf32, #tpu.memory_space<vmem>>, %arg21: memref<10016xf32, #tpu.memory_space<vmem>>, %arg22: memref<10000x128xf32, #tpu.memory_space<vmem_shared>>, %arg23: memref<!tpu.dma_semaphore, #tpu.memory_space<semaphore_mem>>, %arg24: memref<!tpu.dma_semaphore, #tpu.memory_space<semaphore_mem>>) attributes {dimension_semantics = [#tpu.dimension_semantics<core_parallel>, #tpu.dimension_semantics<subcore_parallel>], iteration_bounds = array<i64: 2, 16>, scalar_prefetch = 0 : i64, scratch_operands = 17 : i64, tpu.core_type = #tpu.core_type<sc_vector_subcore>, window_params = [{transform_indices = #map}, {transform_indices = #map}, {transform_indices = #map}, {transform_indices = #map1}, {transform_indices = #map2}, {transform_indices = #map}]} {
    %mul3A = arith.constant 2 : i32
    %mul3A_0 = arith.muli %arg1, %mul3A : i32
    %add3A = arith.addi %mul3A_0, %arg0 : i32
    %broadcast_in_dim3A = arith.constant 0.000000e+00 : f32
    %broadcast_in_dim3A_1 = vector.broadcast %broadcast_in_dim3A : f32 to vector<16xf32>
    %broadcast_in_dim3A_2 = arith.constant 1.000000e+00 : f32
    %broadcast_in_dim3A_3 = vector.broadcast %broadcast_in_dim3A_2 : f32 to vector<16xf32>
    %iota3A = tpu.iota {dimensions = array<i32: 0>} : vector<16xi32>
    %eq3A = arith.constant 0 : i32
    %eq3A_4 = vector.broadcast %eq3A : i32 to vector<16xi32>
    %eq3A_5 = arith.cmpi eq, %iota3A, %eq3A_4 : vector<16xi32>
    %select_n3A = arith.select %eq3A_5, %broadcast_in_dim3A_3, %broadcast_in_dim3A_1 : vector<16xi1>, vector<16xf32>
    %scan3A = arith.constant 0 : i32
    %scan3A_6 = arith.constant 626 : i32
    %scan3A_7 = arith.addi %scan3A, %scan3A_6 : i32
    %scan3A_8 = arith.constant 1 : i32
    scf.for %scan3A_183 = %scan3A to %scan3A_7 step %scan3A_8  : i32 {
      %mul3A_184 = arith.constant 16 : i32
      %mul3A_185 = arith.muli %scan3A_183, %mul3A_184 : i32
      %add3A_186 = arith.constant 0 : i32
      %add3A_187 = arith.addi %add3A_186, %mul3A_185 : i32
      %swap3A_188 = arith.index_cast %add3A_187 : i32 to index
      %swap3A_189 = tpu.vector_load %arg21[%swap3A_188] {strides = array<i32>} : memref<10016xf32, #tpu.memory_space<vmem>>, vector<16xf32>,
      tpu.vector_store %arg21[%swap3A_188], %broadcast_in_dim3A_1 {strides = array<i32>} : memref<10016xf32, #tpu.memory_space<vmem>>, vector<16xf32>,
    }
    %scan3A_9 = arith.constant 626 : i32
    %scan3A_10 = arith.constant 0 : i32
    %scan3A_11 = arith.constant 40 : i32
    %scan3A_12 = arith.addi %scan3A_10, %scan3A_11 : i32
    %scan3A_13 = arith.constant 1 : i32
    scf.for %scan3A_183 = %scan3A_10 to %scan3A_12 step %scan3A_13  : i32 {
      %mul3A_184 = arith.constant 1 : i32
      %mul3A_185 = arith.muli %scan3A_183, %mul3A_184 : i32
      %add3A_186 = arith.constant 0 : i32
      %add3A_187 = arith.addi %add3A_186, %mul3A_185 : i32
      %swap3A_188 = arith.index_cast %add3A_187 : i32 to index
      %swap3A_189 = arith.constant 0 : index
      %swap3A_190 = tpu.vector_load %arg18[%swap3A_188, %swap3A_189] {strides = array<i32>} : memref<40x128xf32, #tpu.memory_space<vmem>>, vector<16xf32>,
      tpu.vector_store %arg18[%swap3A_188, %swap3A_189], %broadcast_in_dim3A_1 {strides = array<i32>} : memref<40x128xf32, #tpu.memory_space<vmem>>, vector<16xf32>,
      %swap3A_191 = arith.index_cast %add3A_187 : i32 to index
      %swap3A_192 = arith.constant 16 : index
      %swap3A_193 = tpu.vector_load %arg18[%swap3A_191, %swap3A_192] {strides = array<i32>} : memref<40x128xf32, #tpu.memory_space<vmem>>, vector<16xf32>,
      tpu.vector_store %arg18[%swap3A_191, %swap3A_192], %broadcast_in_dim3A_1 {strides = array<i32>} : memref<40x128xf32, #tpu.memory_space<vmem>>, vector<16xf32>,
      %swap3A_194 = arith.index_cast %add3A_187 : i32 to index
      %swap3A_195 = arith.constant 32 : index
      %swap3A_196 = tpu.vector_load %arg18[%swap3A_194, %swap3A_195] {strides = array<i32>} : memref<40x128xf32, #tpu.memory_space<vmem>>, vector<16xf32>,
      tpu.vector_store %arg18[%swap3A_194, %swap3A_195], %broadcast_in_dim3A_1 {strides = array<i32>} : memref<40x128xf32, #tpu.memory_space<vmem>>, vector<16xf32>,
      %swap3A_197 = arith.index_cast %add3A_187 : i32 to index
      %swap3A_198 = arith.constant 48 : index
      %swap3A_199 = tpu.vector_load %arg18[%swap3A_197, %swap3A_198] {strides = array<i32>} : memref<40x128xf32, #tpu.memory_space<vmem>>, vector<16xf32>,
      tpu.vector_store %arg18[%swap3A_197, %swap3A_198], %broadcast_in_dim3A_1 {strides = array<i32>} : memref<40x128xf32, #tpu.memory_space<vmem>>, vector<16xf32>,
      %swap3A_200 = arith.index_cast %add3A_187 : i32 to index
      %swap3A_201 = arith.constant 64 : index
      %swap3A_202 = tpu.vector_load %arg18[%swap3A_200, %swap3A_201] {strides = array<i32>} : memref<40x128xf32, #tpu.memory_space<vmem>>, vector<16xf32>,
      tpu.vector_store %arg18[%swap3A_200, %swap3A_201], %broadcast_in_dim3A_1 {strides = array<i32>} : memref<40x128xf32, #tpu.memory_space<vmem>>, vector<16xf32>,
      %swap3A_203 = arith.index_cast %add3A_187 : i32 to index
      %swap3A_204 = arith.constant 80 : index
      %swap3A_205 = tpu.vector_load %arg18[%swap3A_203, %swap3A_204] {strides = array<i32>} : memref<40x128xf32, #tpu.memory_space<vmem>>, vector<16xf32>,
      tpu.vector_store %arg18[%swap3A_203, %swap3A_204], %broadcast_in_dim3A_1 {strides = array<i32>} : memref<40x128xf32, #tpu.memory_space<vmem>>, vector<16xf32>,
      %swap3A_206 = arith.index_cast %add3A_187 : i32 to index
      %swap3A_207 = arith.constant 96 : index
      %swap3A_208 = tpu.vector_load %arg18[%swap3A_206, %swap3A_207] {strides = array<i32>} : memref<40x128xf32, #tpu.memory_space<vmem>>, vector<16xf32>,
      tpu.vector_store %arg18[%swap3A_206, %swap3A_207], %broadcast_in_dim3A_1 {strides = array<i32>} : memref<40x128xf32, #tpu.memory_space<vmem>>, vector<16xf32>,
      %swap3A_209 = arith.index_cast %add3A_187 : i32 to index
      %swap3A_210 = arith.constant 112 : index
      %swap3A_211 = tpu.vector_load %arg18[%swap3A_209, %swap3A_210] {strides = array<i32>} : memref<40x128xf32, #tpu.memory_space<vmem>>, vector<16xf32>,
      tpu.vector_store %arg18[%swap3A_209, %swap3A_210], %broadcast_in_dim3A_1 {strides = array<i32>} : memref<40x128xf32, #tpu.memory_space<vmem>>, vector<16xf32>,
    }
    %scan3A_14 = arith.constant 40 : i32
    %mul3A_15 = arith.constant 624 : i32
    %mul3A_16 = arith.muli %arg1, %mul3A_15 : i32
    %eq3A_17 = arith.constant 15 : i32
    %eq3A_18 = arith.cmpi eq, %arg1, %eq3A_17 : i32
    %add3A_19 = arith.constant 0 : i32
    %add3A_20 = arith.addi %mul3A_16, %add3A_19 : i32
    "tpu.region"() ({
      %run_scoped3A = tpu.sem_alloc : memref<!tpu.dma_semaphore, #tpu.memory_space<semaphore_mem>>
      %dma_start3A_183 = arith.constant 0 : i32
      %dma_start3A_184 = arith.constant 0 : i32
      %dma_start3A_185 = tpu.memref_slice %arg18[%dma_start3A_183, %dma_start3A_184] : memref<40x128xf32, #tpu.memory_space<vmem>> -> memref<40x128xf32, #tpu.memory_space<vmem>>
      %dma_start3A_186 = arith.constant 0 : i32
      %dma_start3A_187 = tpu.memref_slice %arg22[%add3A_20, %dma_start3A_186] : memref<10000x128xf32, #tpu.memory_space<vmem_shared>> -> memref<40x128xf32, #tpu.memory_space<vmem_shared>>
      %dma_start3A_188 = arith.constant 0 : i32
      %dma_start3A_189 = tpu.memref_slice %arg22[%add3A_20, %dma_start3A_188] : memref<10000x128xf32, #tpu.memory_space<vmem_shared>> -> memref<40x128xf32, #tpu.memory_space<vmem_shared>>
      %dma_start3A_190 = arith.constant 0 : i32
      %dma_start3A_191 = arith.constant 0 : i32
      %dma_start3A_192 = tpu.memref_slice %arg18[%dma_start3A_190, %dma_start3A_191] : memref<40x128xf32, #tpu.memory_space<vmem>> -> memref<40x128xf32, #tpu.memory_space<vmem>>
      tpu.enqueue_dma source(%dma_start3A_192 : memref<40x128xf32, #tpu.memory_space<vmem>>) target(%dma_start3A_189 : memref<40x128xf32, #tpu.memory_space<vmem_shared>>) target_semaphore(%run_scoped3A : memref<!tpu.dma_semaphore, #tpu.memory_space<semaphore_mem>>)
      %dma_wait3A = arith.constant 0 : i32
      %dma_wait3A_193 = arith.constant 0 : i32
      %dma_wait3A_194 = tpu.memref_slice %arg18[%dma_wait3A, %dma_wait3A_193] : memref<40x128xf32, #tpu.memory_space<vmem>> -> memref<40x128xf32, #tpu.memory_space<vmem>>
      %dma_wait3A_195 = arith.constant 0 : i32
      %dma_wait3A_196 = tpu.memref_slice %arg22[%add3A_20, %dma_wait3A_195] : memref<10000x128xf32, #tpu.memory_space<vmem_shared>> -> memref<40x128xf32, #tpu.memory_space<vmem_shared>>
      %dma_wait3A_197 = arith.constant 0 : i32
      %dma_wait3A_198 = tpu.memref_slice %arg22[%add3A_20, %dma_wait3A_197] : memref<10000x128xf32, #tpu.memory_space<vmem_shared>> -> memref<40x128xf32, #tpu.memory_space<vmem_shared>>
      %dma_wait3A_199 = arith.constant 0 : i32
      %dma_wait3A_200 = arith.constant 0 : i32
      %dma_wait3A_201 = tpu.memref_slice %arg18[%dma_wait3A_199, %dma_wait3A_200] : memref<40x128xf32, #tpu.memory_space<vmem>> -> memref<40x128xf32, #tpu.memory_space<vmem>>
      tpu.wait_dma2 semaphore(%run_scoped3A : memref<!tpu.dma_semaphore, #tpu.memory_space<semaphore_mem>>) src(%dma_wait3A_201 : memref<40x128xf32, #tpu.memory_space<vmem>>) dst(%dma_wait3A_198 : memref<40x128xf32, #tpu.memory_space<vmem_shared>>)
      tpu.yield
    }) : () -> ()
    %add3A_21 = arith.constant 40 : i32
    %add3A_22 = arith.addi %mul3A_16, %add3A_21 : i32
    "tpu.region"() ({
      %run_scoped3A = tpu.sem_alloc : memref<!tpu.dma_semaphore, #tpu.memory_space<semaphore_mem>>
      %dma_start3A_183 = arith.constant 0 : i32
      %dma_start3A_184 = arith.constant 0 : i32
      %dma_start3A_185 = tpu.memref_slice %arg18[%dma_start3A_183, %dma_start3A_184] : memref<40x128xf32, #tpu.memory_space<vmem>> -> memref<40x128xf32, #tpu.memory_space<vmem>>
      %dma_start3A_186 = arith.constant 0 : i32
      %dma_start3A_187 = tpu.memref_slice %arg22[%add3A_22, %dma_start3A_186] : memref<10000x128xf32, #tpu.memory_space<vmem_shared>> -> memref<40x128xf32, #tpu.memory_space<vmem_shared>>
      %dma_start3A_188 = arith.constant 0 : i32
      %dma_start3A_189 = tpu.memref_slice %arg22[%add3A_22, %dma_start3A_188] : memref<10000x128xf32, #tpu.memory_space<vmem_shared>> -> memref<40x128xf32, #tpu.memory_space<vmem_shared>>
      %dma_start3A_190 = arith.constant 0 : i32
      %dma_start3A_191 = arith.constant 0 : i32
      %dma_start3A_192 = tpu.memref_slice %arg18[%dma_start3A_190, %dma_start3A_191] : memref<40x128xf32, #tpu.memory_space<vmem>> -> memref<40x128xf32, #tpu.memory_space<vmem>>
      tpu.enqueue_dma source(%dma_start3A_192 : memref<40x128xf32, #tpu.memory_space<vmem>>) target(%dma_start3A_189 : memref<40x128xf32, #tpu.memory_space<vmem_shared>>) target_semaphore(%run_scoped3A : memref<!tpu.dma_semaphore, #tpu.memory_space<semaphore_mem>>)
      %dma_wait3A = arith.constant 0 : i32
      %dma_wait3A_193 = arith.constant 0 : i32
      %dma_wait3A_194 = tpu.memref_slice %arg18[%dma_wait3A, %dma_wait3A_193] : memref<40x128xf32, #tpu.memory_space<vmem>> -> memref<40x128xf32, #tpu.memory_space<vmem>>
      %dma_wait3A_195 = arith.constant 0 : i32
      %dma_wait3A_196 = tpu.memref_slice %arg22[%add3A_22, %dma_wait3A_195] : memref<10000x128xf32, #tpu.memory_space<vmem_shared>> -> memref<40x128xf32, #tpu.memory_space<vmem_shared>>
      %dma_wait3A_197 = arith.constant 0 : i32
      %dma_wait3A_198 = tpu.memref_slice %arg22[%add3A_22, %dma_wait3A_197] : memref<10000x128xf32, #tpu.memory_space<vmem_shared>> -> memref<40x128xf32, #tpu.memory_space<vmem_shared>>
      %dma_wait3A_199 = arith.constant 0 : i32
      %dma_wait3A_200 = arith.constant 0 : i32
      %dma_wait3A_201 = tpu.memref_slice %arg18[%dma_wait3A_199, %dma_wait3A_200] : memref<40x128xf32, #tpu.memory_space<vmem>> -> memref<40x128xf32, #tpu.memory_space<vmem>>
      tpu.wait_dma2 semaphore(%run_scoped3A : memref<!tpu.dma_semaphore, #tpu.memory_space<semaphore_mem>>) src(%dma_wait3A_201 : memref<40x128xf32, #tpu.memory_space<vmem>>) dst(%dma_wait3A_198 : memref<40x128xf32, #tpu.memory_space<vmem_shared>>)
      tpu.yield
    }) : () -> ()
    %add3A_23 = arith.constant 80 : i32
    %add3A_24 = arith.addi %mul3A_16, %add3A_23 : i32
    "tpu.region"() ({
      %run_scoped3A = tpu.sem_alloc : memref<!tpu.dma_semaphore, #tpu.memory_space<semaphore_mem>>
      %dma_start3A_183 = arith.constant 0 : i32
      %dma_start3A_184 = arith.constant 0 : i32
      %dma_start3A_185 = tpu.memref_slice %arg18[%dma_start3A_183, %dma_start3A_184] : memref<40x128xf32, #tpu.memory_space<vmem>> -> memref<40x128xf32, #tpu.memory_space<vmem>>
      %dma_start3A_186 = arith.constant 0 : i32
      %dma_start3A_187 = tpu.memref_slice %arg22[%add3A_24, %dma_start3A_186] : memref<10000x128xf32, #tpu.memory_space<vmem_shared>> -> memref<40x128xf32, #tpu.memory_space<vmem_shared>>
      %dma_start3A_188 = arith.constant 0 : i32
      %dma_start3A_189 = tpu.memref_slice %arg22[%add3A_24, %dma_start3A_188] : memref<10000x128xf32, #tpu.memory_space<vmem_shared>> -> memref<40x128xf32, #tpu.memory_space<vmem_shared>>
      %dma_start3A_190 = arith.constant 0 : i32
      %dma_start3A_191 = arith.constant 0 : i32
      %dma_start3A_192 = tpu.memref_slice %arg18[%dma_start3A_190, %dma_start3A_191] : memref<40x128xf32, #tpu.memory_space<vmem>> -> memref<40x128xf32, #tpu.memory_space<vmem>>
      tpu.enqueue_dma source(%dma_start3A_192 : memref<40x128xf32, #tpu.memory_space<vmem>>) target(%dma_start3A_189 : memref<40x128xf32, #tpu.memory_space<vmem_shared>>) target_semaphore(%run_scoped3A : memref<!tpu.dma_semaphore, #tpu.memory_space<semaphore_mem>>)
      %dma_wait3A = arith.constant 0 : i32
      %dma_wait3A_193 = arith.constant 0 : i32
      %dma_wait3A_194 = tpu.memref_slice %arg18[%dma_wait3A, %dma_wait3A_193] : memref<40x128xf32, #tpu.memory_space<vmem>> -> memref<40x128xf32, #tpu.memory_space<vmem>>
      %dma_wait3A_195 = arith.constant 0 : i32
      %dma_wait3A_196 = tpu.memref_slice %arg22[%add3A_24, %dma_wait3A_195] : memref<10000x128xf32, #tpu.memory_space<vmem_shared>> -> memref<40x128xf32, #tpu.memory_space<vmem_shared>>
      %dma_wait3A_197 = arith.constant 0 : i32
      %dma_wait3A_198 = tpu.memref_slice %arg22[%add3A_24, %dma_wait3A_197] : memref<10000x128xf32, #tpu.memory_space<vmem_shared>> -> memref<40x128xf32, #tpu.memory_space<vmem_shared>>
      %dma_wait3A_199 = arith.constant 0 : i32
      %dma_wait3A_200 = arith.constant 0 : i32
      %dma_wait3A_201 = tpu.memref_slice %arg18[%dma_wait3A_199, %dma_wait3A_200] : memref<40x128xf32, #tpu.memory_space<vmem>> -> memref<40x128xf32, #tpu.memory_space<vmem>>
      tpu.wait_dma2 semaphore(%run_scoped3A : memref<!tpu.dma_semaphore, #tpu.memory_space<semaphore_mem>>) src(%dma_wait3A_201 : memref<40x128xf32, #tpu.memory_space<vmem>>) dst(%dma_wait3A_198 : memref<40x128xf32, #tpu.memory_space<vmem_shared>>)
      tpu.yield
    }) : () -> ()
    %add3A_25 = arith.constant 120 : i32
    %add3A_26 = arith.addi %mul3A_16, %add3A_25 : i32
    "tpu.region"() ({
      %run_scoped3A = tpu.sem_alloc : memref<!tpu.dma_semaphore, #tpu.memory_space<semaphore_mem>>
      %dma_start3A_183 = arith.constant 0 : i32
      %dma_start3A_184 = arith.constant 0 : i32
      %dma_start3A_185 = tpu.memref_slice %arg18[%dma_start3A_183, %dma_start3A_184] : memref<40x128xf32, #tpu.memory_space<vmem>> -> memref<40x128xf32, #tpu.memory_space<vmem>>
      %dma_start3A_186 = arith.constant 0 : i32
      %dma_start3A_187 = tpu.memref_slice %arg22[%add3A_26, %dma_start3A_186] : memref<10000x128xf32, #tpu.memory_space<vmem_shared>> -> memref<40x128xf32, #tpu.memory_space<vmem_shared>>
      %dma_start3A_188 = arith.constant 0 : i32
      %dma_start3A_189 = tpu.memref_slice %arg22[%add3A_26, %dma_start3A_188] : memref<10000x128xf32, #tpu.memory_space<vmem_shared>> -> memref<40x128xf32, #tpu.memory_space<vmem_shared>>
      %dma_start3A_190 = arith.constant 0 : i32
      %dma_start3A_191 = arith.constant 0 : i32
      %dma_start3A_192 = tpu.memref_slice %arg18[%dma_start3A_190, %dma_start3A_191] : memref<40x128xf32, #tpu.memory_space<vmem>> -> memref<40x128xf32, #tpu.memory_space<vmem>>
      tpu.enqueue_dma source(%dma_start3A_192 : memref<40x128xf32, #tpu.memory_space<vmem>>) target(%dma_start3A_189 : memref<40x128xf32, #tpu.memory_space<vmem_shared>>) target_semaphore(%run_scoped3A : memref<!tpu.dma_semaphore, #tpu.memory_space<semaphore_mem>>)
      %dma_wait3A = arith.constant 0 : i32
      %dma_wait3A_193 = arith.constant 0 : i32
      %dma_wait3A_194 = tpu.memref_slice %arg18[%dma_wait3A, %dma_wait3A_193] : memref<40x128xf32, #tpu.memory_space<vmem>> -> memref<40x128xf32, #tpu.memory_space<vmem>>
      %dma_wait3A_195 = arith.constant 0 : i32
      %dma_wait3A_196 = tpu.memref_slice %arg22[%add3A_26, %dma_wait3A_195] : memref<10000x128xf32, #tpu.memory_space<vmem_shared>> -> memref<40x128xf32, #tpu.memory_space<vmem_shared>>
      %dma_wait3A_197 = arith.constant 0 : i32
      %dma_wait3A_198 = tpu.memref_slice %arg22[%add3A_26, %dma_wait3A_197] : memref<10000x128xf32, #tpu.memory_space<vmem_shared>> -> memref<40x128xf32, #tpu.memory_space<vmem_shared>>
      %dma_wait3A_199 = arith.constant 0 : i32
      %dma_wait3A_200 = arith.constant 0 : i32
      %dma_wait3A_201 = tpu.memref_slice %arg18[%dma_wait3A_199, %dma_wait3A_200] : memref<40x128xf32, #tpu.memory_space<vmem>> -> memref<40x128xf32, #tpu.memory_space<vmem>>
      tpu.wait_dma2 semaphore(%run_scoped3A : memref<!tpu.dma_semaphore, #tpu.memory_space<semaphore_mem>>) src(%dma_wait3A_201 : memref<40x128xf32, #tpu.memory_space<vmem>>) dst(%dma_wait3A_198 : memref<40x128xf32, #tpu.memory_space<vmem_shared>>)
      tpu.yield
    }) : () -> ()
    %add3A_27 = arith.constant 160 : i32
    %add3A_28 = arith.addi %mul3A_16, %add3A_27 : i32
    "tpu.region"() ({
      %run_scoped3A = tpu.sem_alloc : memref<!tpu.dma_semaphore, #tpu.memory_space<semaphore_mem>>
      %dma_start3A_183 = arith.constant 0 : i32
      %dma_start3A_184 = arith.constant 0 : i32
      %dma_start3A_185 = tpu.memref_slice %arg18[%dma_start3A_183, %dma_start3A_184] : memref<40x128xf32, #tpu.memory_space<vmem>> -> memref<40x128xf32, #tpu.memory_space<vmem>>
      %dma_start3A_186 = arith.constant 0 : i32
      %dma_start3A_187 = tpu.memref_slice %arg22[%add3A_28, %dma_start3A_186] : memref<10000x128xf32, #tpu.memory_space<vmem_shared>> -> memref<40x128xf32, #tpu.memory_space<vmem_shared>>
      %dma_start3A_188 = arith.constant 0 : i32
      %dma_start3A_189 = tpu.memref_slice %arg22[%add3A_28, %dma_start3A_188] : memref<10000x128xf32, #tpu.memory_space<vmem_shared>> -> memref<40x128xf32, #tpu.memory_space<vmem_shared>>
      %dma_start3A_190 = arith.constant 0 : i32
      %dma_start3A_191 = arith.constant 0 : i32
      %dma_start3A_192 = tpu.memref_slice %arg18[%dma_start3A_190, %dma_start3A_191] : memref<40x128xf32, #tpu.memory_space<vmem>> -> memref<40x128xf32, #tpu.memory_space<vmem>>
      tpu.enqueue_dma source(%dma_start3A_192 : memref<40x128xf32, #tpu.memory_space<vmem>>) target(%dma_start3A_189 : memref<40x128xf32, #tpu.memory_space<vmem_shared>>) target_semaphore(%run_scoped3A : memref<!tpu.dma_semaphore, #tpu.memory_space<semaphore_mem>>)
      %dma_wait3A = arith.constant 0 : i32
      %dma_wait3A_193 = arith.constant 0 : i32
      %dma_wait3A_194 = tpu.memref_slice %arg18[%dma_wait3A, %dma_wait3A_193] : memref<40x128xf32, #tpu.memory_space<vmem>> -> memref<40x128xf32, #tpu.memory_space<vmem>>
      %dma_wait3A_195 = arith.constant 0 : i32
      %dma_wait3A_196 = tpu.memref_slice %arg22[%add3A_28, %dma_wait3A_195] : memref<10000x128xf32, #tpu.memory_space<vmem_shared>> -> memref<40x128xf32, #tpu.memory_space<vmem_shared>>
      %dma_wait3A_197 = arith.constant 0 : i32
      %dma_wait3A_198 = tpu.memref_slice %arg22[%add3A_28, %dma_wait3A_197] : memref<10000x128xf32, #tpu.memory_space<vmem_shared>> -> memref<40x128xf32, #tpu.memory_space<vmem_shared>>
      %dma_wait3A_199 = arith.constant 0 : i32
      %dma_wait3A_200 = arith.constant 0 : i32
      %dma_wait3A_201 = tpu.memref_slice %arg18[%dma_wait3A_199, %dma_wait3A_200] : memref<40x128xf32, #tpu.memory_space<vmem>> -> memref<40x128xf32, #tpu.memory_space<vmem>>
      tpu.wait_dma2 semaphore(%run_scoped3A : memref<!tpu.dma_semaphore, #tpu.memory_space<semaphore_mem>>) src(%dma_wait3A_201 : memref<40x128xf32, #tpu.memory_space<vmem>>) dst(%dma_wait3A_198 : memref<40x128xf32, #tpu.memory_space<vmem_shared>>)
      tpu.yield
    }) : () -> ()
    %add3A_29 = arith.constant 200 : i32
    %add3A_30 = arith.addi %mul3A_16, %add3A_29 : i32
    "tpu.region"() ({
      %run_scoped3A = tpu.sem_alloc : memref<!tpu.dma_semaphore, #tpu.memory_space<semaphore_mem>>
      %dma_start3A_183 = arith.constant 0 : i32
      %dma_start3A_184 = arith.constant 0 : i32
      %dma_start3A_185 = tpu.memref_slice %arg18[%dma_start3A_183, %dma_start3A_184] : memref<40x128xf32, #tpu.memory_space<vmem>> -> memref<40x128xf32, #tpu.memory_space<vmem>>
      %dma_start3A_186 = arith.constant 0 : i32
      %dma_start3A_187 = tpu.memref_slice %arg22[%add3A_30, %dma_start3A_186] : memref<10000x128xf32, #tpu.memory_space<vmem_shared>> -> memref<40x128xf32, #tpu.memory_space<vmem_shared>>
      %dma_start3A_188 = arith.constant 0 : i32
      %dma_start3A_189 = tpu.memref_slice %arg22[%add3A_30, %dma_start3A_188] : memref<10000x128xf32, #tpu.memory_space<vmem_shared>> -> memref<40x128xf32, #tpu.memory_space<vmem_shared>>
      %dma_start3A_190 = arith.constant 0 : i32
      %dma_start3A_191 = arith.constant 0 : i32
      %dma_start3A_192 = tpu.memref_slice %arg18[%dma_start3A_190, %dma_start3A_191] : memref<40x128xf32, #tpu.memory_space<vmem>> -> memref<40x128xf32, #tpu.memory_space<vmem>>
      tpu.enqueue_dma source(%dma_start3A_192 : memref<40x128xf32, #tpu.memory_space<vmem>>) target(%dma_start3A_189 : memref<40x128xf32, #tpu.memory_space<vmem_shared>>) target_semaphore(%run_scoped3A : memref<!tpu.dma_semaphore, #tpu.memory_space<semaphore_mem>>)
      %dma_wait3A = arith.constant 0 : i32
      %dma_wait3A_193 = arith.constant 0 : i32
      %dma_wait3A_194 = tpu.memref_slice %arg18[%dma_wait3A, %dma_wait3A_193] : memref<40x128xf32, #tpu.memory_space<vmem>> -> memref<40x128xf32, #tpu.memory_space<vmem>>
      %dma_wait3A_195 = arith.constant 0 : i32
      %dma_wait3A_196 = tpu.memref_slice %arg22[%add3A_30, %dma_wait3A_195] : memref<10000x128xf32, #tpu.memory_space<vmem_shared>> -> memref<40x128xf32, #tpu.memory_space<vmem_shared>>
      %dma_wait3A_197 = arith.constant 0 : i32
      %dma_wait3A_198 = tpu.memref_slice %arg22[%add3A_30, %dma_wait3A_197] : memref<10000x128xf32, #tpu.memory_space<vmem_shared>> -> memref<40x128xf32, #tpu.memory_space<vmem_shared>>
      %dma_wait3A_199 = arith.constant 0 : i32
      %dma_wait3A_200 = arith.constant 0 : i32
      %dma_wait3A_201 = tpu.memref_slice %arg18[%dma_wait3A_199, %dma_wait3A_200] : memref<40x128xf32, #tpu.memory_space<vmem>> -> memref<40x128xf32, #tpu.memory_space<vmem>>
      tpu.wait_dma2 semaphore(%run_scoped3A : memref<!tpu.dma_semaphore, #tpu.memory_space<semaphore_mem>>) src(%dma_wait3A_201 : memref<40x128xf32, #tpu.memory_space<vmem>>) dst(%dma_wait3A_198 : memref<40x128xf32, #tpu.memory_space<vmem_shared>>)
      tpu.yield
    }) : () -> ()
    %add3A_31 = arith.constant 240 : i32
    %add3A_32 = arith.addi %mul3A_16, %add3A_31 : i32
    "tpu.region"() ({
      %run_scoped3A = tpu.sem_alloc : memref<!tpu.dma_semaphore, #tpu.memory_space<semaphore_mem>>
      %dma_start3A_183 = arith.constant 0 : i32
      %dma_start3A_184 = arith.constant 0 : i32
      %dma_start3A_185 = tpu.memref_slice %arg18[%dma_start3A_183, %dma_start3A_184] : memref<40x128xf32, #tpu.memory_space<vmem>> -> memref<40x128xf32, #tpu.memory_space<vmem>>
      %dma_start3A_186 = arith.constant 0 : i32
      %dma_start3A_187 = tpu.memref_slice %arg22[%add3A_32, %dma_start3A_186] : memref<10000x128xf32, #tpu.memory_space<vmem_shared>> -> memref<40x128xf32, #tpu.memory_space<vmem_shared>>
      %dma_start3A_188 = arith.constant 0 : i32
      %dma_start3A_189 = tpu.memref_slice %arg22[%add3A_32, %dma_start3A_188] : memref<10000x128xf32, #tpu.memory_space<vmem_shared>> -> memref<40x128xf32, #tpu.memory_space<vmem_shared>>
      %dma_start3A_190 = arith.constant 0 : i32
      %dma_start3A_191 = arith.constant 0 : i32
      %dma_start3A_192 = tpu.memref_slice %arg18[%dma_start3A_190, %dma_start3A_191] : memref<40x128xf32, #tpu.memory_space<vmem>> -> memref<40x128xf32, #tpu.memory_space<vmem>>
      tpu.enqueue_dma source(%dma_start3A_192 : memref<40x128xf32, #tpu.memory_space<vmem>>) target(%dma_start3A_189 : memref<40x128xf32, #tpu.memory_space<vmem_shared>>) target_semaphore(%run_scoped3A : memref<!tpu.dma_semaphore, #tpu.memory_space<semaphore_mem>>)
      %dma_wait3A = arith.constant 0 : i32
      %dma_wait3A_193 = arith.constant 0 : i32
      %dma_wait3A_194 = tpu.memref_slice %arg18[%dma_wait3A, %dma_wait3A_193] : memref<40x128xf32, #tpu.memory_space<vmem>> -> memref<40x128xf32, #tpu.memory_space<vmem>>
      %dma_wait3A_195 = arith.constant 0 : i32
      %dma_wait3A_196 = tpu.memref_slice %arg22[%add3A_32, %dma_wait3A_195] : memref<10000x128xf32, #tpu.memory_space<vmem_shared>> -> memref<40x128xf32, #tpu.memory_space<vmem_shared>>
      %dma_wait3A_197 = arith.constant 0 : i32
      %dma_wait3A_198 = tpu.memref_slice %arg22[%add3A_32, %dma_wait3A_197] : memref<10000x128xf32, #tpu.memory_space<vmem_shared>> -> memref<40x128xf32, #tpu.memory_space<vmem_shared>>
      %dma_wait3A_199 = arith.constant 0 : i32
      %dma_wait3A_200 = arith.constant 0 : i32
      %dma_wait3A_201 = tpu.memref_slice %arg18[%dma_wait3A_199, %dma_wait3A_200] : memref<40x128xf32, #tpu.memory_space<vmem>> -> memref<40x128xf32, #tpu.memory_space<vmem>>
      tpu.wait_dma2 semaphore(%run_scoped3A : memref<!tpu.dma_semaphore, #tpu.memory_space<semaphore_mem>>) src(%dma_wait3A_201 : memref<40x128xf32, #tpu.memory_space<vmem>>) dst(%dma_wait3A_198 : memref<40x128xf32, #tpu.memory_space<vmem_shared>>)
      tpu.yield
    }) : () -> ()
    %add3A_33 = arith.constant 280 : i32
    %add3A_34 = arith.addi %mul3A_16, %add3A_33 : i32
    "tpu.region"() ({
      %run_scoped3A = tpu.sem_alloc : memref<!tpu.dma_semaphore, #tpu.memory_space<semaphore_mem>>
      %dma_start3A_183 = arith.constant 0 : i32
      %dma_start3A_184 = arith.constant 0 : i32
      %dma_start3A_185 = tpu.memref_slice %arg18[%dma_start3A_183, %dma_start3A_184] : memref<40x128xf32, #tpu.memory_space<vmem>> -> memref<40x128xf32, #tpu.memory_space<vmem>>
      %dma_start3A_186 = arith.constant 0 : i32
      %dma_start3A_187 = tpu.memref_slice %arg22[%add3A_34, %dma_start3A_186] : memref<10000x128xf32, #tpu.memory_space<vmem_shared>> -> memref<40x128xf32, #tpu.memory_space<vmem_shared>>
      %dma_start3A_188 = arith.constant 0 : i32
      %dma_start3A_189 = tpu.memref_slice %arg22[%add3A_34, %dma_start3A_188] : memref<10000x128xf32, #tpu.memory_space<vmem_shared>> -> memref<40x128xf32, #tpu.memory_space<vmem_shared>>
      %dma_start3A_190 = arith.constant 0 : i32
      %dma_start3A_191 = arith.constant 0 : i32
      %dma_start3A_192 = tpu.memref_slice %arg18[%dma_start3A_190, %dma_start3A_191] : memref<40x128xf32, #tpu.memory_space<vmem>> -> memref<40x128xf32, #tpu.memory_space<vmem>>
      tpu.enqueue_dma source(%dma_start3A_192 : memref<40x128xf32, #tpu.memory_space<vmem>>) target(%dma_start3A_189 : memref<40x128xf32, #tpu.memory_space<vmem_shared>>) target_semaphore(%run_scoped3A : memref<!tpu.dma_semaphore, #tpu.memory_space<semaphore_mem>>)
      %dma_wait3A = arith.constant 0 : i32
      %dma_wait3A_193 = arith.constant 0 : i32
      %dma_wait3A_194 = tpu.memref_slice %arg18[%dma_wait3A, %dma_wait3A_193] : memref<40x128xf32, #tpu.memory_space<vmem>> -> memref<40x128xf32, #tpu.memory_space<vmem>>
      %dma_wait3A_195 = arith.constant 0 : i32
      %dma_wait3A_196 = tpu.memref_slice %arg22[%add3A_34, %dma_wait3A_195] : memref<10000x128xf32, #tpu.memory_space<vmem_shared>> -> memref<40x128xf32, #tpu.memory_space<vmem_shared>>
      %dma_wait3A_197 = arith.constant 0 : i32
      %dma_wait3A_198 = tpu.memref_slice %arg22[%add3A_34, %dma_wait3A_197] : memref<10000x128xf32, #tpu.memory_space<vmem_shared>> -> memref<40x128xf32, #tpu.memory_space<vmem_shared>>
      %dma_wait3A_199 = arith.constant 0 : i32
      %dma_wait3A_200 = arith.constant 0 : i32
      %dma_wait3A_201 = tpu.memref_slice %arg18[%dma_wait3A_199, %dma_wait3A_200] : memref<40x128xf32, #tpu.memory_space<vmem>> -> memref<40x128xf32, #tpu.memory_space<vmem>>
      tpu.wait_dma2 semaphore(%run_scoped3A : memref<!tpu.dma_semaphore, #tpu.memory_space<semaphore_mem>>) src(%dma_wait3A_201 : memref<40x128xf32, #tpu.memory_space<vmem>>) dst(%dma_wait3A_198 : memref<40x128xf32, #tpu.memory_space<vmem_shared>>)
      tpu.yield
    }) : () -> ()
    %add3A_35 = arith.constant 320 : i32
    %add3A_36 = arith.addi %mul3A_16, %add3A_35 : i32
    "tpu.region"() ({
      %run_scoped3A = tpu.sem_alloc : memref<!tpu.dma_semaphore, #tpu.memory_space<semaphore_mem>>
      %dma_start3A_183 = arith.constant 0 : i32
      %dma_start3A_184 = arith.constant 0 : i32
      %dma_start3A_185 = tpu.memref_slice %arg18[%dma_start3A_183, %dma_start3A_184] : memref<40x128xf32, #tpu.memory_space<vmem>> -> memref<40x128xf32, #tpu.memory_space<vmem>>
      %dma_start3A_186 = arith.constant 0 : i32
      %dma_start3A_187 = tpu.memref_slice %arg22[%add3A_36, %dma_start3A_186] : memref<10000x128xf32, #tpu.memory_space<vmem_shared>> -> memref<40x128xf32, #tpu.memory_space<vmem_shared>>
      %dma_start3A_188 = arith.constant 0 : i32
      %dma_start3A_189 = tpu.memref_slice %arg22[%add3A_36, %dma_start3A_188] : memref<10000x128xf32, #tpu.memory_space<vmem_shared>> -> memref<40x128xf32, #tpu.memory_space<vmem_shared>>
      %dma_start3A_190 = arith.constant 0 : i32
      %dma_start3A_191 = arith.constant 0 : i32
      %dma_start3A_192 = tpu.memref_slice %arg18[%dma_start3A_190, %dma_start3A_191] : memref<40x128xf32, #tpu.memory_space<vmem>> -> memref<40x128xf32, #tpu.memory_space<vmem>>
      tpu.enqueue_dma source(%dma_start3A_192 : memref<40x128xf32, #tpu.memory_space<vmem>>) target(%dma_start3A_189 : memref<40x128xf32, #tpu.memory_space<vmem_shared>>) target_semaphore(%run_scoped3A : memref<!tpu.dma_semaphore, #tpu.memory_space<semaphore_mem>>)
      %dma_wait3A = arith.constant 0 : i32
      %dma_wait3A_193 = arith.constant 0 : i32
      %dma_wait3A_194 = tpu.memref_slice %arg18[%dma_wait3A, %dma_wait3A_193] : memref<40x128xf32, #tpu.memory_space<vmem>> -> memref<40x128xf32, #tpu.memory_space<vmem>>
      %dma_wait3A_195 = arith.constant 0 : i32
      %dma_wait3A_196 = tpu.memref_slice %arg22[%add3A_36, %dma_wait3A_195] : memref<10000x128xf32, #tpu.memory_space<vmem_shared>> -> memref<40x128xf32, #tpu.memory_space<vmem_shared>>
      %dma_wait3A_197 = arith.constant 0 : i32
      %dma_wait3A_198 = tpu.memref_slice %arg22[%add3A_36, %dma_wait3A_197] : memref<10000x128xf32, #tpu.memory_space<vmem_shared>> -> memref<40x128xf32, #tpu.memory_space<vmem_shared>>
      %dma_wait3A_199 = arith.constant 0 : i32
      %dma_wait3A_200 = arith.constant 0 : i32
      %dma_wait3A_201 = tpu.memref_slice %arg18[%dma_wait3A_199, %dma_wait3A_200] : memref<40x128xf32, #tpu.memory_space<vmem>> -> memref<40x128xf32, #tpu.memory_space<vmem>>
      tpu.wait_dma2 semaphore(%run_scoped3A : memref<!tpu.dma_semaphore, #tpu.memory_space<semaphore_mem>>) src(%dma_wait3A_201 : memref<40x128xf32, #tpu.memory_space<vmem>>) dst(%dma_wait3A_198 : memref<40x128xf32, #tpu.memory_space<vmem_shared>>)
      tpu.yield
    }) : () -> ()
    %add3A_37 = arith.constant 360 : i32
    %add3A_38 = arith.addi %mul3A_16, %add3A_37 : i32
    "tpu.region"() ({
      %run_scoped3A = tpu.sem_alloc : memref<!tpu.dma_semaphore, #tpu.memory_space<semaphore_mem>>
      %dma_start3A_183 = arith.constant 0 : i32
      %dma_start3A_184 = arith.constant 0 : i32
      %dma_start3A_185 = tpu.memref_slice %arg18[%dma_start3A_183, %dma_start3A_184] : memref<40x128xf32, #tpu.memory_space<vmem>> -> memref<40x128xf32, #tpu.memory_space<vmem>>
      %dma_start3A_186 = arith.constant 0 : i32
      %dma_start3A_187 = tpu.memref_slice %arg22[%add3A_38, %dma_start3A_186] : memref<10000x128xf32, #tpu.memory_space<vmem_shared>> -> memref<40x128xf32, #tpu.memory_space<vmem_shared>>
      %dma_start3A_188 = arith.constant 0 : i32
      %dma_start3A_189 = tpu.memref_slice %arg22[%add3A_38, %dma_start3A_188] : memref<10000x128xf32, #tpu.memory_space<vmem_shared>> -> memref<40x128xf32, #tpu.memory_space<vmem_shared>>
      %dma_start3A_190 = arith.constant 0 : i32
      %dma_start3A_191 = arith.constant 0 : i32
      %dma_start3A_192 = tpu.memref_slice %arg18[%dma_start3A_190, %dma_start3A_191] : memref<40x128xf32, #tpu.memory_space<vmem>> -> memref<40x128xf32, #tpu.memory_space<vmem>>
      tpu.enqueue_dma source(%dma_start3A_192 : memref<40x128xf32, #tpu.memory_space<vmem>>) target(%dma_start3A_189 : memref<40x128xf32, #tpu.memory_space<vmem_shared>>) target_semaphore(%run_scoped3A : memref<!tpu.dma_semaphore, #tpu.memory_space<semaphore_mem>>)
      %dma_wait3A = arith.constant 0 : i32
      %dma_wait3A_193 = arith.constant 0 : i32
      %dma_wait3A_194 = tpu.memref_slice %arg18[%dma_wait3A, %dma_wait3A_193] : memref<40x128xf32, #tpu.memory_space<vmem>> -> memref<40x128xf32, #tpu.memory_space<vmem>>
      %dma_wait3A_195 = arith.constant 0 : i32
      %dma_wait3A_196 = tpu.memref_slice %arg22[%add3A_38, %dma_wait3A_195] : memref<10000x128xf32, #tpu.memory_space<vmem_shared>> -> memref<40x128xf32, #tpu.memory_space<vmem_shared>>
      %dma_wait3A_197 = arith.constant 0 : i32
      %dma_wait3A_198 = tpu.memref_slice %arg22[%add3A_38, %dma_wait3A_197] : memref<10000x128xf32, #tpu.memory_space<vmem_shared>> -> memref<40x128xf32, #tpu.memory_space<vmem_shared>>
      %dma_wait3A_199 = arith.constant 0 : i32
      %dma_wait3A_200 = arith.constant 0 : i32
      %dma_wait3A_201 = tpu.memref_slice %arg18[%dma_wait3A_199, %dma_wait3A_200] : memref<40x128xf32, #tpu.memory_space<vmem>> -> memref<40x128xf32, #tpu.memory_space<vmem>>
      tpu.wait_dma2 semaphore(%run_scoped3A : memref<!tpu.dma_semaphore, #tpu.memory_space<semaphore_mem>>) src(%dma_wait3A_201 : memref<40x128xf32, #tpu.memory_space<vmem>>) dst(%dma_wait3A_198 : memref<40x128xf32, #tpu.memory_space<vmem_shared>>)
      tpu.yield
    }) : () -> ()
    %add3A_39 = arith.constant 400 : i32
    %add3A_40 = arith.addi %mul3A_16, %add3A_39 : i32
    "tpu.region"() ({
      %run_scoped3A = tpu.sem_alloc : memref<!tpu.dma_semaphore, #tpu.memory_space<semaphore_mem>>
      %dma_start3A_183 = arith.constant 0 : i32
      %dma_start3A_184 = arith.constant 0 : i32
      %dma_start3A_185 = tpu.memref_slice %arg18[%dma_start3A_183, %dma_start3A_184] : memref<40x128xf32, #tpu.memory_space<vmem>> -> memref<40x128xf32, #tpu.memory_space<vmem>>
      %dma_start3A_186 = arith.constant 0 : i32
      %dma_start3A_187 = tpu.memref_slice %arg22[%add3A_40, %dma_start3A_186] : memref<10000x128xf32, #tpu.memory_space<vmem_shared>> -> memref<40x128xf32, #tpu.memory_space<vmem_shared>>
      %dma_start3A_188 = arith.constant 0 : i32
      %dma_start3A_189 = tpu.memref_slice %arg22[%add3A_40, %dma_start3A_188] : memref<10000x128xf32, #tpu.memory_space<vmem_shared>> -> memref<40x128xf32, #tpu.memory_space<vmem_shared>>
      %dma_start3A_190 = arith.constant 0 : i32
      %dma_start3A_191 = arith.constant 0 : i32
      %dma_start3A_192 = tpu.memref_slice %arg18[%dma_start3A_190, %dma_start3A_191] : memref<40x128xf32, #tpu.memory_space<vmem>> -> memref<40x128xf32, #tpu.memory_space<vmem>>
      tpu.enqueue_dma source(%dma_start3A_192 : memref<40x128xf32, #tpu.memory_space<vmem>>) target(%dma_start3A_189 : memref<40x128xf32, #tpu.memory_space<vmem_shared>>) target_semaphore(%run_scoped3A : memref<!tpu.dma_semaphore, #tpu.memory_space<semaphore_mem>>)
      %dma_wait3A = arith.constant 0 : i32
      %dma_wait3A_193 = arith.constant 0 : i32
      %dma_wait3A_194 = tpu.memref_slice %arg18[%dma_wait3A, %dma_wait3A_193] : memref<40x128xf32, #tpu.memory_space<vmem>> -> memref<40x128xf32, #tpu.memory_space<vmem>>
      %dma_wait3A_195 = arith.constant 0 : i32
      %dma_wait3A_196 = tpu.memref_slice %arg22[%add3A_40, %dma_wait3A_195] : memref<10000x128xf32, #tpu.memory_space<vmem_shared>> -> memref<40x128xf32, #tpu.memory_space<vmem_shared>>
      %dma_wait3A_197 = arith.constant 0 : i32
      %dma_wait3A_198 = tpu.memref_slice %arg22[%add3A_40, %dma_wait3A_197] : memref<10000x128xf32, #tpu.memory_space<vmem_shared>> -> memref<40x128xf32, #tpu.memory_space<vmem_shared>>
      %dma_wait3A_199 = arith.constant 0 : i32
      %dma_wait3A_200 = arith.constant 0 : i32
      %dma_wait3A_201 = tpu.memref_slice %arg18[%dma_wait3A_199, %dma_wait3A_200] : memref<40x128xf32, #tpu.memory_space<vmem>> -> memref<40x128xf32, #tpu.memory_space<vmem>>
      tpu.wait_dma2 semaphore(%run_scoped3A : memref<!tpu.dma_semaphore, #tpu.memory_space<semaphore_mem>>) src(%dma_wait3A_201 : memref<40x128xf32, #tpu.memory_space<vmem>>) dst(%dma_wait3A_198 : memref<40x128xf32, #tpu.memory_space<vmem_shared>>)
      tpu.yield
    }) : () -> ()
    %add3A_41 = arith.constant 440 : i32
    %add3A_42 = arith.addi %mul3A_16, %add3A_41 : i32
    "tpu.region"() ({
      %run_scoped3A = tpu.sem_alloc : memref<!tpu.dma_semaphore, #tpu.memory_space<semaphore_mem>>
      %dma_start3A_183 = arith.constant 0 : i32
      %dma_start3A_184 = arith.constant 0 : i32
      %dma_start3A_185 = tpu.memref_slice %arg18[%dma_start3A_183, %dma_start3A_184] : memref<40x128xf32, #tpu.memory_space<vmem>> -> memref<40x128xf32, #tpu.memory_space<vmem>>
      %dma_start3A_186 = arith.constant 0 : i32
      %dma_start3A_187 = tpu.memref_slice %arg22[%add3A_42, %dma_start3A_186] : memref<10000x128xf32, #tpu.memory_space<vmem_shared>> -> memref<40x128xf32, #tpu.memory_space<vmem_shared>>
      %dma_start3A_188 = arith.constant 0 : i32
      %dma_start3A_189 = tpu.memref_slice %arg22[%add3A_42, %dma_start3A_188] : memref<10000x128xf32, #tpu.memory_space<vmem_shared>> -> memref<40x128xf32, #tpu.memory_space<vmem_shared>>
      %dma_start3A_190 = arith.constant 0 : i32
      %dma_start3A_191 = arith.constant 0 : i32
      %dma_start3A_192 = tpu.memref_slice %arg18[%dma_start3A_190, %dma_start3A_191] : memref<40x128xf32, #tpu.memory_space<vmem>> -> memref<40x128xf32, #tpu.memory_space<vmem>>
      tpu.enqueue_dma source(%dma_start3A_192 : memref<40x128xf32, #tpu.memory_space<vmem>>) target(%dma_start3A_189 : memref<40x128xf32, #tpu.memory_space<vmem_shared>>) target_semaphore(%run_scoped3A : memref<!tpu.dma_semaphore, #tpu.memory_space<semaphore_mem>>)
      %dma_wait3A = arith.constant 0 : i32
      %dma_wait3A_193 = arith.constant 0 : i32
      %dma_wait3A_194 = tpu.memref_slice %arg18[%dma_wait3A, %dma_wait3A_193] : memref<40x128xf32, #tpu.memory_space<vmem>> -> memref<40x128xf32, #tpu.memory_space<vmem>>
      %dma_wait3A_195 = arith.constant 0 : i32
      %dma_wait3A_196 = tpu.memref_slice %arg22[%add3A_42, %dma_wait3A_195] : memref<10000x128xf32, #tpu.memory_space<vmem_shared>> -> memref<40x128xf32, #tpu.memory_space<vmem_shared>>
      %dma_wait3A_197 = arith.constant 0 : i32
      %dma_wait3A_198 = tpu.memref_slice %arg22[%add3A_42, %dma_wait3A_197] : memref<10000x128xf32, #tpu.memory_space<vmem_shared>> -> memref<40x128xf32, #tpu.memory_space<vmem_shared>>
      %dma_wait3A_199 = arith.constant 0 : i32
      %dma_wait3A_200 = arith.constant 0 : i32
      %dma_wait3A_201 = tpu.memref_slice %arg18[%dma_wait3A_199, %dma_wait3A_200] : memref<40x128xf32, #tpu.memory_space<vmem>> -> memref<40x128xf32, #tpu.memory_space<vmem>>
      tpu.wait_dma2 semaphore(%run_scoped3A : memref<!tpu.dma_semaphore, #tpu.memory_space<semaphore_mem>>) src(%dma_wait3A_201 : memref<40x128xf32, #tpu.memory_space<vmem>>) dst(%dma_wait3A_198 : memref<40x128xf32, #tpu.memory_space<vmem_shared>>)
      tpu.yield
    }) : () -> ()
    %add3A_43 = arith.constant 480 : i32
    %add3A_44 = arith.addi %mul3A_16, %add3A_43 : i32
    "tpu.region"() ({
      %run_scoped3A = tpu.sem_alloc : memref<!tpu.dma_semaphore, #tpu.memory_space<semaphore_mem>>
      %dma_start3A_183 = arith.constant 0 : i32
      %dma_start3A_184 = arith.constant 0 : i32
      %dma_start3A_185 = tpu.memref_slice %arg18[%dma_start3A_183, %dma_start3A_184] : memref<40x128xf32, #tpu.memory_space<vmem>> -> memref<40x128xf32, #tpu.memory_space<vmem>>
      %dma_start3A_186 = arith.constant 0 : i32
      %dma_start3A_187 = tpu.memref_slice %arg22[%add3A_44, %dma_start3A_186] : memref<10000x128xf32, #tpu.memory_space<vmem_shared>> -> memref<40x128xf32, #tpu.memory_space<vmem_shared>>
      %dma_start3A_188 = arith.constant 0 : i32
      %dma_start3A_189 = tpu.memref_slice %arg22[%add3A_44, %dma_start3A_188] : memref<10000x128xf32, #tpu.memory_space<vmem_shared>> -> memref<40x128xf32, #tpu.memory_space<vmem_shared>>
      %dma_start3A_190 = arith.constant 0 : i32
      %dma_start3A_191 = arith.constant 0 : i32
      %dma_start3A_192 = tpu.memref_slice %arg18[%dma_start3A_190, %dma_start3A_191] : memref<40x128xf32, #tpu.memory_space<vmem>> -> memref<40x128xf32, #tpu.memory_space<vmem>>
      tpu.enqueue_dma source(%dma_start3A_192 : memref<40x128xf32, #tpu.memory_space<vmem>>) target(%dma_start3A_189 : memref<40x128xf32, #tpu.memory_space<vmem_shared>>) target_semaphore(%run_scoped3A : memref<!tpu.dma_semaphore, #tpu.memory_space<semaphore_mem>>)
      %dma_wait3A = arith.constant 0 : i32
      %dma_wait3A_193 = arith.constant 0 : i32
      %dma_wait3A_194 = tpu.memref_slice %arg18[%dma_wait3A, %dma_wait3A_193] : memref<40x128xf32, #tpu.memory_space<vmem>> -> memref<40x128xf32, #tpu.memory_space<vmem>>
      %dma_wait3A_195 = arith.constant 0 : i32
      %dma_wait3A_196 = tpu.memref_slice %arg22[%add3A_44, %dma_wait3A_195] : memref<10000x128xf32, #tpu.memory_space<vmem_shared>> -> memref<40x128xf32, #tpu.memory_space<vmem_shared>>
      %dma_wait3A_197 = arith.constant 0 : i32
      %dma_wait3A_198 = tpu.memref_slice %arg22[%add3A_44, %dma_wait3A_197] : memref<10000x128xf32, #tpu.memory_space<vmem_shared>> -> memref<40x128xf32, #tpu.memory_space<vmem_shared>>
      %dma_wait3A_199 = arith.constant 0 : i32
      %dma_wait3A_200 = arith.constant 0 : i32
      %dma_wait3A_201 = tpu.memref_slice %arg18[%dma_wait3A_199, %dma_wait3A_200] : memref<40x128xf32, #tpu.memory_space<vmem>> -> memref<40x128xf32, #tpu.memory_space<vmem>>
      tpu.wait_dma2 semaphore(%run_scoped3A : memref<!tpu.dma_semaphore, #tpu.memory_space<semaphore_mem>>) src(%dma_wait3A_201 : memref<40x128xf32, #tpu.memory_space<vmem>>) dst(%dma_wait3A_198 : memref<40x128xf32, #tpu.memory_space<vmem_shared>>)
      tpu.yield
    }) : () -> ()
    %add3A_45 = arith.constant 520 : i32
    %add3A_46 = arith.addi %mul3A_16, %add3A_45 : i32
    "tpu.region"() ({
      %run_scoped3A = tpu.sem_alloc : memref<!tpu.dma_semaphore, #tpu.memory_space<semaphore_mem>>
      %dma_start3A_183 = arith.constant 0 : i32
      %dma_start3A_184 = arith.constant 0 : i32
      %dma_start3A_185 = tpu.memref_slice %arg18[%dma_start3A_183, %dma_start3A_184] : memref<40x128xf32, #tpu.memory_space<vmem>> -> memref<40x128xf32, #tpu.memory_space<vmem>>
      %dma_start3A_186 = arith.constant 0 : i32
      %dma_start3A_187 = tpu.memref_slice %arg22[%add3A_46, %dma_start3A_186] : memref<10000x128xf32, #tpu.memory_space<vmem_shared>> -> memref<40x128xf32, #tpu.memory_space<vmem_shared>>
      %dma_start3A_188 = arith.constant 0 : i32
      %dma_start3A_189 = tpu.memref_slice %arg22[%add3A_46, %dma_start3A_188] : memref<10000x128xf32, #tpu.memory_space<vmem_shared>> -> memref<40x128xf32, #tpu.memory_space<vmem_shared>>
      %dma_start3A_190 = arith.constant 0 : i32
      %dma_start3A_191 = arith.constant 0 : i32
      %dma_start3A_192 = tpu.memref_slice %arg18[%dma_start3A_190, %dma_start3A_191] : memref<40x128xf32, #tpu.memory_space<vmem>> -> memref<40x128xf32, #tpu.memory_space<vmem>>
      tpu.enqueue_dma source(%dma_start3A_192 : memref<40x128xf32, #tpu.memory_space<vmem>>) target(%dma_start3A_189 : memref<40x128xf32, #tpu.memory_space<vmem_shared>>) target_semaphore(%run_scoped3A : memref<!tpu.dma_semaphore, #tpu.memory_space<semaphore_mem>>)
      %dma_wait3A = arith.constant 0 : i32
      %dma_wait3A_193 = arith.constant 0 : i32
      %dma_wait3A_194 = tpu.memref_slice %arg18[%dma_wait3A, %dma_wait3A_193] : memref<40x128xf32, #tpu.memory_space<vmem>> -> memref<40x128xf32, #tpu.memory_space<vmem>>
      %dma_wait3A_195 = arith.constant 0 : i32
      %dma_wait3A_196 = tpu.memref_slice %arg22[%add3A_46, %dma_wait3A_195] : memref<10000x128xf32, #tpu.memory_space<vmem_shared>> -> memref<40x128xf32, #tpu.memory_space<vmem_shared>>
      %dma_wait3A_197 = arith.constant 0 : i32
      %dma_wait3A_198 = tpu.memref_slice %arg22[%add3A_46, %dma_wait3A_197] : memref<10000x128xf32, #tpu.memory_space<vmem_shared>> -> memref<40x128xf32, #tpu.memory_space<vmem_shared>>
      %dma_wait3A_199 = arith.constant 0 : i32
      %dma_wait3A_200 = arith.constant 0 : i32
      %dma_wait3A_201 = tpu.memref_slice %arg18[%dma_wait3A_199, %dma_wait3A_200] : memref<40x128xf32, #tpu.memory_space<vmem>> -> memref<40x128xf32, #tpu.memory_space<vmem>>
      tpu.wait_dma2 semaphore(%run_scoped3A : memref<!tpu.dma_semaphore, #tpu.memory_space<semaphore_mem>>) src(%dma_wait3A_201 : memref<40x128xf32, #tpu.memory_space<vmem>>) dst(%dma_wait3A_198 : memref<40x128xf32, #tpu.memory_space<vmem_shared>>)
      tpu.yield
    }) : () -> ()
    %add3A_47 = arith.constant 560 : i32
    %add3A_48 = arith.addi %mul3A_16, %add3A_47 : i32
    "tpu.region"() ({
      %run_scoped3A = tpu.sem_alloc : memref<!tpu.dma_semaphore, #tpu.memory_space<semaphore_mem>>
      %dma_start3A_183 = arith.constant 0 : i32
      %dma_start3A_184 = arith.constant 0 : i32
      %dma_start3A_185 = tpu.memref_slice %arg18[%dma_start3A_183, %dma_start3A_184] : memref<40x128xf32, #tpu.memory_space<vmem>> -> memref<40x128xf32, #tpu.memory_space<vmem>>
      %dma_start3A_186 = arith.constant 0 : i32
      %dma_start3A_187 = tpu.memref_slice %arg22[%add3A_48, %dma_start3A_186] : memref<10000x128xf32, #tpu.memory_space<vmem_shared>> -> memref<40x128xf32, #tpu.memory_space<vmem_shared>>
      %dma_start3A_188 = arith.constant 0 : i32
      %dma_start3A_189 = tpu.memref_slice %arg22[%add3A_48, %dma_start3A_188] : memref<10000x128xf32, #tpu.memory_space<vmem_shared>> -> memref<40x128xf32, #tpu.memory_space<vmem_shared>>
      %dma_start3A_190 = arith.constant 0 : i32
      %dma_start3A_191 = arith.constant 0 : i32
      %dma_start3A_192 = tpu.memref_slice %arg18[%dma_start3A_190, %dma_start3A_191] : memref<40x128xf32, #tpu.memory_space<vmem>> -> memref<40x128xf32, #tpu.memory_space<vmem>>
      tpu.enqueue_dma source(%dma_start3A_192 : memref<40x128xf32, #tpu.memory_space<vmem>>) target(%dma_start3A_189 : memref<40x128xf32, #tpu.memory_space<vmem_shared>>) target_semaphore(%run_scoped3A : memref<!tpu.dma_semaphore, #tpu.memory_space<semaphore_mem>>)
      %dma_wait3A = arith.constant 0 : i32
      %dma_wait3A_193 = arith.constant 0 : i32
      %dma_wait3A_194 = tpu.memref_slice %arg18[%dma_wait3A, %dma_wait3A_193] : memref<40x128xf32, #tpu.memory_space<vmem>> -> memref<40x128xf32, #tpu.memory_space<vmem>>
      %dma_wait3A_195 = arith.constant 0 : i32
      %dma_wait3A_196 = tpu.memref_slice %arg22[%add3A_48, %dma_wait3A_195] : memref<10000x128xf32, #tpu.memory_space<vmem_shared>> -> memref<40x128xf32, #tpu.memory_space<vmem_shared>>
      %dma_wait3A_197 = arith.constant 0 : i32
      %dma_wait3A_198 = tpu.memref_slice %arg22[%add3A_48, %dma_wait3A_197] : memref<10000x128xf32, #tpu.memory_space<vmem_shared>> -> memref<40x128xf32, #tpu.memory_space<vmem_shared>>
      %dma_wait3A_199 = arith.constant 0 : i32
      %dma_wait3A_200 = arith.constant 0 : i32
      %dma_wait3A_201 = tpu.memref_slice %arg18[%dma_wait3A_199, %dma_wait3A_200] : memref<40x128xf32, #tpu.memory_space<vmem>> -> memref<40x128xf32, #tpu.memory_space<vmem>>
      tpu.wait_dma2 semaphore(%run_scoped3A : memref<!tpu.dma_semaphore, #tpu.memory_space<semaphore_mem>>) src(%dma_wait3A_201 : memref<40x128xf32, #tpu.memory_space<vmem>>) dst(%dma_wait3A_198 : memref<40x128xf32, #tpu.memory_space<vmem_shared>>)
      tpu.yield
    }) : () -> ()
    %not3A = arith.constant true
    %not3A_49 = arith.xori %eq3A_18, %not3A : i1
    %convert_element_type3A = arith.extui %not3A_49 : i1 to i32
    %cond3A = arith.constant 0 : i32
    %cond3A_50 = arith.cmpi ne, %convert_element_type3A, %cond3A : i32
    scf.if %cond3A_50 {
      %add3A_183 = arith.constant 600 : i32
      %add3A_184 = arith.addi %mul3A_16, %add3A_183 : i32
      "tpu.region"() ({
        %run_scoped3A = tpu.sem_alloc : memref<!tpu.dma_semaphore, #tpu.memory_space<semaphore_mem>>
        %dma_start3A_185 = arith.constant 0 : i32
        %dma_start3A_186 = arith.constant 0 : i32
        %dma_start3A_187 = tpu.memref_slice %arg18[%dma_start3A_185, %dma_start3A_186] : memref<40x128xf32, #tpu.memory_space<vmem>> -> memref<24x128xf32, #tpu.memory_space<vmem>>
        %dma_start3A_188 = arith.constant 0 : i32
        %dma_start3A_189 = tpu.memref_slice %arg22[%add3A_184, %dma_start3A_188] : memref<10000x128xf32, #tpu.memory_space<vmem_shared>> -> memref<24x128xf32, #tpu.memory_space<vmem_shared>>
        %dma_start3A_190 = arith.constant 0 : i32
        %dma_start3A_191 = tpu.memref_slice %arg22[%add3A_184, %dma_start3A_190] : memref<10000x128xf32, #tpu.memory_space<vmem_shared>> -> memref<24x128xf32, #tpu.memory_space<vmem_shared>>
        %dma_start3A_192 = arith.constant 0 : i32
        %dma_start3A_193 = arith.constant 0 : i32
        %dma_start3A_194 = tpu.memref_slice %arg18[%dma_start3A_192, %dma_start3A_193] : memref<40x128xf32, #tpu.memory_space<vmem>> -> memref<24x128xf32, #tpu.memory_space<vmem>>
        tpu.enqueue_dma source(%dma_start3A_194 : memref<24x128xf32, #tpu.memory_space<vmem>>) target(%dma_start3A_191 : memref<24x128xf32, #tpu.memory_space<vmem_shared>>) target_semaphore(%run_scoped3A : memref<!tpu.dma_semaphore, #tpu.memory_space<semaphore_mem>>)
        %dma_wait3A = arith.constant 0 : i32
        %dma_wait3A_195 = arith.constant 0 : i32
        %dma_wait3A_196 = tpu.memref_slice %arg18[%dma_wait3A, %dma_wait3A_195] : memref<40x128xf32, #tpu.memory_space<vmem>> -> memref<24x128xf32, #tpu.memory_space<vmem>>
        %dma_wait3A_197 = arith.constant 0 : i32
        %dma_wait3A_198 = tpu.memref_slice %arg22[%add3A_184, %dma_wait3A_197] : memref<10000x128xf32, #tpu.memory_space<vmem_shared>> -> memref<24x128xf32, #tpu.memory_space<vmem_shared>>
        %dma_wait3A_199 = arith.constant 0 : i32
        %dma_wait3A_200 = tpu.memref_slice %arg22[%add3A_184, %dma_wait3A_199] : memref<10000x128xf32, #tpu.memory_space<vmem_shared>> -> memref<24x128xf32, #tpu.memory_space<vmem_shared>>
        %dma_wait3A_201 = arith.constant 0 : i32
        %dma_wait3A_202 = arith.constant 0 : i32
        %dma_wait3A_203 = tpu.memref_slice %arg18[%dma_wait3A_201, %dma_wait3A_202] : memref<40x128xf32, #tpu.memory_space<vmem>> -> memref<24x128xf32, #tpu.memory_space<vmem>>
        tpu.wait_dma2 semaphore(%run_scoped3A : memref<!tpu.dma_semaphore, #tpu.memory_space<semaphore_mem>>) src(%dma_wait3A_203 : memref<24x128xf32, #tpu.memory_space<vmem>>) dst(%dma_wait3A_200 : memref<24x128xf32, #tpu.memory_space<vmem_shared>>)
        tpu.yield
      }) : () -> ()
    } else {
    }
    %convert_element_type3A_51 = arith.extui %eq3A_18 : i1 to i32
    %cond3A_52 = arith.constant 0 : i32
    %cond3A_53 = arith.cmpi ne, %convert_element_type3A_51, %cond3A_52 : i32
    scf.if %cond3A_53 {
      %add3A_183 = arith.constant 600 : i32
      %add3A_184 = arith.addi %mul3A_16, %add3A_183 : i32
      "tpu.region"() ({
        %run_scoped3A = tpu.sem_alloc : memref<!tpu.dma_semaphore, #tpu.memory_space<semaphore_mem>>
        %dma_start3A_187 = arith.constant 0 : i32
        %dma_start3A_188 = arith.constant 0 : i32
        %dma_start3A_189 = tpu.memref_slice %arg18[%dma_start3A_187, %dma_start3A_188] : memref<40x128xf32, #tpu.memory_space<vmem>> -> memref<24x128xf32, #tpu.memory_space<vmem>>
        %dma_start3A_190 = arith.constant 0 : i32
        %dma_start3A_191 = tpu.memref_slice %arg22[%add3A_184, %dma_start3A_190] : memref<10000x128xf32, #tpu.memory_space<vmem_shared>> -> memref<24x128xf32, #tpu.memory_space<vmem_shared>>
        %dma_start3A_192 = arith.constant 0 : i32
        %dma_start3A_193 = tpu.memref_slice %arg22[%add3A_184, %dma_start3A_192] : memref<10000x128xf32, #tpu.memory_space<vmem_shared>> -> memref<24x128xf32, #tpu.memory_space<vmem_shared>>
        %dma_start3A_194 = arith.constant 0 : i32
        %dma_start3A_195 = arith.constant 0 : i32
        %dma_start3A_196 = tpu.memref_slice %arg18[%dma_start3A_194, %dma_start3A_195] : memref<40x128xf32, #tpu.memory_space<vmem>> -> memref<24x128xf32, #tpu.memory_space<vmem>>
        tpu.enqueue_dma source(%dma_start3A_196 : memref<24x128xf32, #tpu.memory_space<vmem>>) target(%dma_start3A_193 : memref<24x128xf32, #tpu.memory_space<vmem_shared>>) target_semaphore(%run_scoped3A : memref<!tpu.dma_semaphore, #tpu.memory_space<semaphore_mem>>)
        %dma_wait3A = arith.constant 0 : i32
        %dma_wait3A_197 = arith.constant 0 : i32
        %dma_wait3A_198 = tpu.memref_slice %arg18[%dma_wait3A, %dma_wait3A_197] : memref<40x128xf32, #tpu.memory_space<vmem>> -> memref<24x128xf32, #tpu.memory_space<vmem>>
        %dma_wait3A_199 = arith.constant 0 : i32
        %dma_wait3A_200 = tpu.memref_slice %arg22[%add3A_184, %dma_wait3A_199] : memref<10000x128xf32, #tpu.memory_space<vmem_shared>> -> memref<24x128xf32, #tpu.memory_space<vmem_shared>>
        %dma_wait3A_201 = arith.constant 0 : i32
        %dma_wait3A_202 = tpu.memref_slice %arg22[%add3A_184, %dma_wait3A_201] : memref<10000x128xf32, #tpu.memory_space<vmem_shared>> -> memref<24x128xf32, #tpu.memory_space<vmem_shared>>
        %dma_wait3A_203 = arith.constant 0 : i32
        %dma_wait3A_204 = arith.constant 0 : i32
        %dma_wait3A_205 = tpu.memref_slice %arg18[%dma_wait3A_203, %dma_wait3A_204] : memref<40x128xf32, #tpu.memory_space<vmem>> -> memref<24x128xf32, #tpu.memory_space<vmem>>
        tpu.wait_dma2 semaphore(%run_scoped3A : memref<!tpu.dma_semaphore, #tpu.memory_space<semaphore_mem>>) src(%dma_wait3A_205 : memref<24x128xf32, #tpu.memory_space<vmem>>) dst(%dma_wait3A_202 : memref<24x128xf32, #tpu.memory_space<vmem_shared>>)
        tpu.yield
      }) : () -> ()
      %add3A_185 = arith.constant 624 : i32
      %add3A_186 = arith.addi %mul3A_16, %add3A_185 : i32
      "tpu.region"() ({
        %run_scoped3A = tpu.sem_alloc : memref<!tpu.dma_semaphore, #tpu.memory_space<semaphore_mem>>
        %dma_start3A_187 = arith.constant 0 : i32
        %dma_start3A_188 = arith.constant 0 : i32
        %dma_start3A_189 = tpu.memref_slice %arg18[%dma_start3A_187, %dma_start3A_188] : memref<40x128xf32, #tpu.memory_space<vmem>> -> memref<16x128xf32, #tpu.memory_space<vmem>>
        %dma_start3A_190 = arith.constant 0 : i32
        %dma_start3A_191 = tpu.memref_slice %arg22[%add3A_186, %dma_start3A_190] : memref<10000x128xf32, #tpu.memory_space<vmem_shared>> -> memref<16x128xf32, #tpu.memory_space<vmem_shared>>
        %dma_start3A_192 = arith.constant 0 : i32
        %dma_start3A_193 = tpu.memref_slice %arg22[%add3A_186, %dma_start3A_192] : memref<10000x128xf32, #tpu.memory_space<vmem_shared>> -> memref<16x128xf32, #tpu.memory_space<vmem_shared>>
        %dma_start3A_194 = arith.constant 0 : i32
        %dma_start3A_195 = arith.constant 0 : i32
        %dma_start3A_196 = tpu.memref_slice %arg18[%dma_start3A_194, %dma_start3A_195] : memref<40x128xf32, #tpu.memory_space<vmem>> -> memref<16x128xf32, #tpu.memory_space<vmem>>
        tpu.enqueue_dma source(%dma_start3A_196 : memref<16x128xf32, #tpu.memory_space<vmem>>) target(%dma_start3A_193 : memref<16x128xf32, #tpu.memory_space<vmem_shared>>) target_semaphore(%run_scoped3A : memref<!tpu.dma_semaphore, #tpu.memory_space<semaphore_mem>>)
        %dma_wait3A = arith.constant 0 : i32
        %dma_wait3A_197 = arith.constant 0 : i32
        %dma_wait3A_198 = tpu.memref_slice %arg18[%dma_wait3A, %dma_wait3A_197] : memref<40x128xf32, #tpu.memory_space<vmem>> -> memref<16x128xf32, #tpu.memory_space<vmem>>
        %dma_wait3A_199 = arith.constant 0 : i32
        %dma_wait3A_200 = tpu.memref_slice %arg22[%add3A_186, %dma_wait3A_199] : memref<10000x128xf32, #tpu.memory_space<vmem_shared>> -> memref<16x128xf32, #tpu.memory_space<vmem_shared>>
        %dma_wait3A_201 = arith.constant 0 : i32
        %dma_wait3A_202 = tpu.memref_slice %arg22[%add3A_186, %dma_wait3A_201] : memref<10000x128xf32, #tpu.memory_space<vmem_shared>> -> memref<16x128xf32, #tpu.memory_space<vmem_shared>>
        %dma_wait3A_203 = arith.constant 0 : i32
        %dma_wait3A_204 = arith.constant 0 : i32
        %dma_wait3A_205 = tpu.memref_slice %arg18[%dma_wait3A_203, %dma_wait3A_204] : memref<40x128xf32, #tpu.memory_space<vmem>> -> memref<16x128xf32, #tpu.memory_space<vmem>>
        tpu.wait_dma2 semaphore(%run_scoped3A : memref<!tpu.dma_semaphore, #tpu.memory_space<semaphore_mem>>) src(%dma_wait3A_205 : memref<16x128xf32, #tpu.memory_space<vmem>>) dst(%dma_wait3A_202 : memref<16x128xf32, #tpu.memory_space<vmem_shared>>)
        tpu.yield
      }) : () -> ()
    } else {
    }
    %barrier3A = arith.constant 0 : index
    tpu.barrier barrier_id(%barrier3A)
    %mul3A_54 = arith.constant 10000 : i32
    %mul3A_55 = arith.muli %add3A, %mul3A_54 : i32
    %jit3A = arith.constant 40 : i32
    %div3A = arith.divsi %mul3A_55, %jit3A : i32
    %sign3A = arith.constant 0 : i32
    %sign3A_56 = arith.cmpi sgt, %mul3A_55, %sign3A : i32
    %sign3A_57 = arith.extui %sign3A_56 : i1 to i32
    %sign3A_58 = arith.constant 0 : i32
    %sign3A_59 = arith.cmpi slt, %mul3A_55, %sign3A_58 : i32
    %sign3A_60 = arith.extui %sign3A_59 : i1 to i32
    %sign3A_61 = arith.subi %sign3A_57, %sign3A_60 : i32
    %sign3A_62 = arith.constant 0 : i32
    %sign3A_63 = arith.cmpi sgt, %jit3A, %sign3A_62 : i32
    %sign3A_64 = arith.extui %sign3A_63 : i1 to i32
    %sign3A_65 = arith.constant 0 : i32
    %sign3A_66 = arith.cmpi slt, %jit3A, %sign3A_65 : i32
    %sign3A_67 = arith.extui %sign3A_66 : i1 to i32
    %sign3A_68 = arith.subi %sign3A_64, %sign3A_67 : i32
    %ne3A = arith.cmpi ne, %sign3A_61, %sign3A_68 : i32
    %rem3A = arith.remsi %mul3A_55, %jit3A : i32
    %ne3A_69 = arith.constant 0 : i32
    %ne3A_70 = arith.cmpi ne, %rem3A, %ne3A_69 : i32
    %and3A = arith.andi %ne3A, %ne3A_70 : i1
    %sub3A = arith.constant 1 : i32
    %sub3A_71 = arith.subi %div3A, %sub3A : i32
    %select_n3A_72 = arith.select %and3A, %sub3A_71, %div3A : i32
    %add3A_73 = arith.constant 0 : i32
    %add3A_74 = arith.addi %select_n3A_72, %add3A_73 : i32
    %mul3A_75 = arith.constant 2 : i32
    %mul3A_76 = arith.muli %add3A_74, %mul3A_75 : i32
    %mul3A_77 = arith.constant 40 : i32
    %mul3A_78 = arith.muli %mul3A_76, %mul3A_77 : i32
    "tpu.region"() ({
      %run_scoped3A = tpu.sem_alloc : memref<!tpu.dma_semaphore, #tpu.memory_space<semaphore_mem>>
      %dma_start3A_183 = arith.constant 0 : i32
      %dma_start3A_184 = tpu.memref_slice %arg8[%dma_start3A_183] : memref<96xi32, #tpu.memory_space<vmem>> -> memref<80xi32, #tpu.memory_space<vmem>>
      %dma_start3A_185 = tpu.memref_slice %arg5[%mul3A_78] : memref<640000xi32, #tpu.memory_space<hbm>> -> memref<80xi32, #tpu.memory_space<hbm>>
      %dma_start3A_186 = arith.constant 0 : i32
      %dma_start3A_187 = tpu.memref_slice %arg8[%dma_start3A_186] : memref<96xi32, #tpu.memory_space<vmem>> -> memref<80xi32, #tpu.memory_space<vmem>>
      %dma_start3A_188 = tpu.memref_slice %arg5[%mul3A_78] : memref<640000xi32, #tpu.memory_space<hbm>> -> memref<80xi32, #tpu.memory_space<hbm>>
      tpu.enqueue_dma source(%dma_start3A_188 : memref<80xi32, #tpu.memory_space<hbm>>) target(%dma_start3A_187 : memref<80xi32, #tpu.memory_space<vmem>>) target_semaphore(%run_scoped3A : memref<!tpu.dma_semaphore, #tpu.memory_space<semaphore_mem>>)
      %dma_wait3A = arith.constant 0 : i32
      %dma_wait3A_189 = tpu.memref_slice %arg8[%dma_wait3A] : memref<96xi32, #tpu.memory_space<vmem>> -> memref<80xi32, #tpu.memory_space<vmem>>
      %dma_wait3A_190 = tpu.memref_slice %arg5[%mul3A_78] : memref<640000xi32, #tpu.memory_space<hbm>> -> memref<80xi32, #tpu.memory_space<hbm>>
      %dma_wait3A_191 = arith.constant 0 : i32
      %dma_wait3A_192 = tpu.memref_slice %arg8[%dma_wait3A_191] : memref<96xi32, #tpu.memory_space<vmem>> -> memref<80xi32, #tpu.memory_space<vmem>>
      %dma_wait3A_193 = tpu.memref_slice %arg5[%mul3A_78] : memref<640000xi32, #tpu.memory_space<hbm>> -> memref<80xi32, #tpu.memory_space<hbm>>
      tpu.wait_dma2 semaphore(%run_scoped3A : memref<!tpu.dma_semaphore, #tpu.memory_space<semaphore_mem>>) src(%dma_wait3A_193 : memref<80xi32, #tpu.memory_space<hbm>>) dst(%dma_wait3A_192 : memref<80xi32, #tpu.memory_space<vmem>>)
      tpu.yield
    }) : () -> ()
    %get3A = arith.constant 0 : index
    %get3A_79 = tpu.vector_load %arg8[%get3A] {strides = array<i32>} : memref<96xi32, #tpu.memory_space<vmem>>, vector<16xi32>,
    %swap3A = arith.constant 0 : index
    %swap3A_80 = tpu.vector_load %arg10[%swap3A] {strides = array<i32>} : memref<40xi32, #tpu.memory_space<vmem>>, vector<16xi32>,
    tpu.vector_store %arg10[%swap3A], %get3A_79 {strides = array<i32>} : memref<40xi32, #tpu.memory_space<vmem>>, vector<16xi32>,
    %get3A_81 = arith.constant 16 : index
    %get3A_82 = tpu.vector_load %arg8[%get3A_81] {strides = array<i32>} : memref<96xi32, #tpu.memory_space<vmem>>, vector<16xi32>,
    %swap3A_83 = arith.constant 16 : index
    %swap3A_84 = tpu.vector_load %arg10[%swap3A_83] {strides = array<i32>} : memref<40xi32, #tpu.memory_space<vmem>>, vector<16xi32>,
    tpu.vector_store %arg10[%swap3A_83], %get3A_82 {strides = array<i32>} : memref<40xi32, #tpu.memory_space<vmem>>, vector<16xi32>,
    %get3A_85 = arith.constant 24 : index
    %get3A_86 = tpu.vector_load %arg8[%get3A_85] {strides = array<i32>} : memref<96xi32, #tpu.memory_space<vmem>>, vector<16xi32>,
    %swap3A_87 = arith.constant 24 : index
    %swap3A_88 = tpu.vector_load %arg10[%swap3A_87] {strides = array<i32>} : memref<40xi32, #tpu.memory_space<vmem>>, vector<16xi32>,
    tpu.vector_store %arg10[%swap3A_87], %get3A_86 {strides = array<i32>} : memref<40xi32, #tpu.memory_space<vmem>>, vector<16xi32>,
    %get3A_89 = arith.constant 40 : index
    %get3A_90 = tpu.vector_load %arg8[%get3A_89] {strides = array<i32>} : memref<96xi32, #tpu.memory_space<vmem>>, vector<16xi32>,
    %swap3A_91 = arith.constant 0 : index
    %swap3A_92 = tpu.vector_load %arg12[%swap3A_91] {strides = array<i32>} : memref<40xi32, #tpu.memory_space<vmem>>, vector<16xi32>,
    tpu.vector_store %arg12[%swap3A_91], %get3A_90 {strides = array<i32>} : memref<40xi32, #tpu.memory_space<vmem>>, vector<16xi32>,
    %get3A_93 = arith.constant 56 : index
    %get3A_94 = tpu.vector_load %arg8[%get3A_93] {strides = array<i32>} : memref<96xi32, #tpu.memory_space<vmem>>, vector<16xi32>,
    %swap3A_95 = arith.constant 16 : index
    %swap3A_96 = tpu.vector_load %arg12[%swap3A_95] {strides = array<i32>} : memref<40xi32, #tpu.memory_space<vmem>>, vector<16xi32>,
    tpu.vector_store %arg12[%swap3A_95], %get3A_94 {strides = array<i32>} : memref<40xi32, #tpu.memory_space<vmem>>, vector<16xi32>,
    %get3A_97 = arith.constant 64 : index
    %get3A_98 = tpu.vector_load %arg8[%get3A_97] {strides = array<i32>} : memref<96xi32, #tpu.memory_space<vmem>>, vector<16xi32>,
    %swap3A_99 = arith.constant 24 : index
    %swap3A_100 = tpu.vector_load %arg12[%swap3A_99] {strides = array<i32>} : memref<40xi32, #tpu.memory_space<vmem>>, vector<16xi32>,
    tpu.vector_store %arg12[%swap3A_99], %get3A_98 {strides = array<i32>} : memref<40xi32, #tpu.memory_space<vmem>>, vector<16xi32>,
    %dma_start3A = arith.constant 0 : i32
    %dma_start3A_101 = arith.constant 0 : i32
    %dma_start3A_102 = tpu.memref_slice %arg2[%dma_start3A, %dma_start3A_101] : memref<10000x128xf32, #tpu.memory_space<hbm>> -> memref<10000x128xf32, #tpu.memory_space<hbm>>
    tpu.enqueue_indirect_dma source(%dma_start3A_102 : memref<10000x128xf32, #tpu.memory_space<hbm>>) target(%arg14 : memref<40x128xf32, #tpu.memory_space<vmem>>) offsets(%arg12 : memref<40xi32, #tpu.memory_space<vmem>>) semaphore(%arg23 : memref<!tpu.dma_semaphore, #tpu.memory_space<semaphore_mem>>)
    %dma_start3A_103 = arith.constant 0 : i32
    %dma_start3A_104 = arith.constant 0 : i32
    %dma_start3A_105 = tpu.memref_slice %arg3[%dma_start3A_103, %dma_start3A_104] : memref<10000x128xf32, #tpu.memory_space<hbm>> -> memref<10000x128xf32, #tpu.memory_space<hbm>>
    tpu.enqueue_indirect_dma source(%dma_start3A_105 : memref<10000x128xf32, #tpu.memory_space<hbm>>) target(%arg16 : memref<40x128xf32, #tpu.memory_space<vmem>>) offsets(%arg10 : memref<40xi32, #tpu.memory_space<vmem>>) semaphore(%arg23 : memref<!tpu.dma_semaphore, #tpu.memory_space<semaphore_mem>>)
    %dma_start3A_106 = arith.constant 0 : i32
    %dma_start3A_107 = arith.constant 0 : i32
    %dma_start3A_108 = tpu.memref_slice %arg4[%dma_start3A_106, %dma_start3A_107] : memref<10000x128xf32, #tpu.memory_space<hbm>> -> memref<10000x128xf32, #tpu.memory_space<hbm>>
    tpu.enqueue_indirect_dma source(%dma_start3A_108 : memref<10000x128xf32, #tpu.memory_space<hbm>>) target(%arg18 : memref<40x128xf32, #tpu.memory_space<vmem>>) offsets(%arg10 : memref<40xi32, #tpu.memory_space<vmem>>) semaphore(%arg23 : memref<!tpu.dma_semaphore, #tpu.memory_space<semaphore_mem>>)
    %scan3A_109 = arith.constant 0 : i32
    %scan3A_110 = arith.constant 125 : i32
    %scan3A_111 = arith.addi %scan3A_109, %scan3A_110 : i32
    %scan3A_112 = arith.constant 1 : i32
    scf.for %scan3A_183 = %scan3A_109 to %scan3A_111 step %scan3A_112  : i32 {
      %mul3A_184 = arith.constant 1 : i32
      %mul3A_185 = arith.muli %scan3A_183, %mul3A_184 : i32
      %add3A_186 = arith.constant 0 : i32
      %add3A_187 = arith.addi %add3A_186, %mul3A_185 : i32
      %mul3A_188 = arith.constant 2 : i32
      %mul3A_189 = arith.muli %mul3A_188, %add3A_187 : i32
      %add3A_190 = arith.constant 1 : i32
      %add3A_191 = arith.addi %mul3A_189, %add3A_190 : i32
      %jit3A_192 = arith.constant 40 : i32
      %div3A_193 = arith.divsi %mul3A_55, %jit3A_192 : i32
      %sign3A_194 = arith.constant 0 : i32
      %sign3A_195 = arith.cmpi sgt, %mul3A_55, %sign3A_194 : i32
      %sign3A_196 = arith.extui %sign3A_195 : i1 to i32
      %sign3A_197 = arith.constant 0 : i32
      %sign3A_198 = arith.cmpi slt, %mul3A_55, %sign3A_197 : i32
      %sign3A_199 = arith.extui %sign3A_198 : i1 to i32
      %sign3A_200 = arith.subi %sign3A_196, %sign3A_199 : i32
      %sign3A_201 = arith.constant 0 : i32
      %sign3A_202 = arith.cmpi sgt, %jit3A_192, %sign3A_201 : i32
      %sign3A_203 = arith.extui %sign3A_202 : i1 to i32
      %sign3A_204 = arith.constant 0 : i32
      %sign3A_205 = arith.cmpi slt, %jit3A_192, %sign3A_204 : i32
      %sign3A_206 = arith.extui %sign3A_205 : i1 to i32
      %sign3A_207 = arith.subi %sign3A_203, %sign3A_206 : i32
      %ne3A_208 = arith.cmpi ne, %sign3A_200, %sign3A_207 : i32
      %rem3A_209 = arith.remsi %mul3A_55, %jit3A_192 : i32
      %ne3A_210 = arith.constant 0 : i32
      %ne3A_211 = arith.cmpi ne, %rem3A_209, %ne3A_210 : i32
      %and3A_212 = arith.andi %ne3A_208, %ne3A_211 : i1
      %sub3A_213 = arith.constant 1 : i32
      %sub3A_214 = arith.subi %div3A_193, %sub3A_213 : i32
      %select_n3A_215 = arith.select %and3A_212, %sub3A_214, %div3A_193 : i32
      %add3A_216 = arith.addi %select_n3A_215, %add3A_191 : i32
      %mul3A_217 = arith.constant 2 : i32
      %mul3A_218 = arith.muli %add3A_216, %mul3A_217 : i32
      %mul3A_219 = arith.constant 40 : i32
      %mul3A_220 = arith.muli %mul3A_218, %mul3A_219 : i32
      "tpu.region"() ({
        %run_scoped3A = tpu.sem_alloc : memref<!tpu.dma_semaphore, #tpu.memory_space<semaphore_mem>>
        %dma_start3A_292 = arith.constant 0 : i32
        %dma_start3A_293 = tpu.memref_slice %arg9[%dma_start3A_292] : memref<96xi32, #tpu.memory_space<vmem>> -> memref<80xi32, #tpu.memory_space<vmem>>
        %dma_start3A_294 = tpu.memref_slice %arg5[%mul3A_220] : memref<640000xi32, #tpu.memory_space<hbm>> -> memref<80xi32, #tpu.memory_space<hbm>>
        %dma_start3A_295 = arith.constant 0 : i32
        %dma_start3A_296 = tpu.memref_slice %arg9[%dma_start3A_295] : memref<96xi32, #tpu.memory_space<vmem>> -> memref<80xi32, #tpu.memory_space<vmem>>
        %dma_start3A_297 = tpu.memref_slice %arg5[%mul3A_220] : memref<640000xi32, #tpu.memory_space<hbm>> -> memref<80xi32, #tpu.memory_space<hbm>>
        tpu.enqueue_dma source(%dma_start3A_297 : memref<80xi32, #tpu.memory_space<hbm>>) target(%dma_start3A_296 : memref<80xi32, #tpu.memory_space<vmem>>) target_semaphore(%run_scoped3A : memref<!tpu.dma_semaphore, #tpu.memory_space<semaphore_mem>>)
        %dma_wait3A_298 = arith.constant 0 : i32
        %dma_wait3A_299 = tpu.memref_slice %arg9[%dma_wait3A_298] : memref<96xi32, #tpu.memory_space<vmem>> -> memref<80xi32, #tpu.memory_space<vmem>>
        %dma_wait3A_300 = tpu.memref_slice %arg5[%mul3A_220] : memref<640000xi32, #tpu.memory_space<hbm>> -> memref<80xi32, #tpu.memory_space<hbm>>
        %dma_wait3A_301 = arith.constant 0 : i32
        %dma_wait3A_302 = tpu.memref_slice %arg9[%dma_wait3A_301] : memref<96xi32, #tpu.memory_space<vmem>> -> memref<80xi32, #tpu.memory_space<vmem>>
        %dma_wait3A_303 = tpu.memref_slice %arg5[%mul3A_220] : memref<640000xi32, #tpu.memory_space<hbm>> -> memref<80xi32, #tpu.memory_space<hbm>>
        tpu.wait_dma2 semaphore(%run_scoped3A : memref<!tpu.dma_semaphore, #tpu.memory_space<semaphore_mem>>) src(%dma_wait3A_303 : memref<80xi32, #tpu.memory_space<hbm>>) dst(%dma_wait3A_302 : memref<80xi32, #tpu.memory_space<vmem>>)
        tpu.yield
      }) : () -> ()
      %get3A_221 = arith.constant 0 : index
      %get3A_222 = tpu.vector_load %arg9[%get3A_221] {strides = array<i32>} : memref<96xi32, #tpu.memory_space<vmem>>, vector<16xi32>,
      %swap3A_223 = arith.constant 0 : index
      %swap3A_224 = tpu.vector_load %arg11[%swap3A_223] {strides = array<i32>} : memref<40xi32, #tpu.memory_space<vmem>>, vector<16xi32>,
      tpu.vector_store %arg11[%swap3A_223], %get3A_222 {strides = array<i32>} : memref<40xi32, #tpu.memory_space<vmem>>, vector<16xi32>,
      %get3A_225 = arith.constant 16 : index
      %get3A_226 = tpu.vector_load %arg9[%get3A_225] {strides = array<i32>} : memref<96xi32, #tpu.memory_space<vmem>>, vector<16xi32>,
      %swap3A_227 = arith.constant 16 : index
      %swap3A_228 = tpu.vector_load %arg11[%swap3A_227] {strides = array<i32>} : memref<40xi32, #tpu.memory_space<vmem>>, vector<16xi32>,
      tpu.vector_store %arg11[%swap3A_227], %get3A_226 {strides = array<i32>} : memref<40xi32, #tpu.memory_space<vmem>>, vector<16xi32>,
      %get3A_229 = arith.constant 24 : index
      %get3A_230 = tpu.vector_load %arg9[%get3A_229] {strides = array<i32>} : memref<96xi32, #tpu.memory_space<vmem>>, vector<16xi32>,
      %swap3A_231 = arith.constant 24 : index
      %swap3A_232 = tpu.vector_load %arg11[%swap3A_231] {strides = array<i32>} : memref<40xi32, #tpu.memory_space<vmem>>, vector<16xi32>,
      tpu.vector_store %arg11[%swap3A_231], %get3A_230 {strides = array<i32>} : memref<40xi32, #tpu.memory_space<vmem>>, vector<16xi32>,
      %get3A_233 = arith.constant 40 : index
      %get3A_234 = tpu.vector_load %arg9[%get3A_233] {strides = array<i32>} : memref<96xi32, #tpu.memory_space<vmem>>, vector<16xi32>,
      %swap3A_235 = arith.constant 0 : index
      %swap3A_236 = tpu.vector_load %arg13[%swap3A_235] {strides = array<i32>} : memref<40xi32, #tpu.memory_space<vmem>>, vector<16xi32>,
      tpu.vector_store %arg13[%swap3A_235], %get3A_234 {strides = array<i32>} : memref<40xi32, #tpu.memory_space<vmem>>, vector<16xi32>,
      %get3A_237 = arith.constant 56 : index
      %get3A_238 = tpu.vector_load %arg9[%get3A_237] {strides = array<i32>} : memref<96xi32, #tpu.memory_space<vmem>>, vector<16xi32>,
      %swap3A_239 = arith.constant 16 : index
      %swap3A_240 = tpu.vector_load %arg13[%swap3A_239] {strides = array<i32>} : memref<40xi32, #tpu.memory_space<vmem>>, vector<16xi32>,
      tpu.vector_store %arg13[%swap3A_239], %get3A_238 {strides = array<i32>} : memref<40xi32, #tpu.memory_space<vmem>>, vector<16xi32>,
      %get3A_241 = arith.constant 64 : index
      %get3A_242 = tpu.vector_load %arg9[%get3A_241] {strides = array<i32>} : memref<96xi32, #tpu.memory_space<vmem>>, vector<16xi32>,
      %swap3A_243 = arith.constant 24 : index
      %swap3A_244 = tpu.vector_load %arg13[%swap3A_243] {strides = array<i32>} : memref<40xi32, #tpu.memory_space<vmem>>, vector<16xi32>,
      tpu.vector_store %arg13[%swap3A_243], %get3A_242 {strides = array<i32>} : memref<40xi32, #tpu.memory_space<vmem>>, vector<16xi32>,
      %dma_start3A_245 = arith.constant 0 : i32
      %dma_start3A_246 = arith.constant 0 : i32
      %dma_start3A_247 = tpu.memref_slice %arg2[%dma_start3A_245, %dma_start3A_246] : memref<10000x128xf32, #tpu.memory_space<hbm>> -> memref<10000x128xf32, #tpu.memory_space<hbm>>
      tpu.enqueue_indirect_dma source(%dma_start3A_247 : memref<10000x128xf32, #tpu.memory_space<hbm>>) target(%arg15 : memref<40x128xf32, #tpu.memory_space<vmem>>) offsets(%arg13 : memref<40xi32, #tpu.memory_space<vmem>>) semaphore(%arg24 : memref<!tpu.dma_semaphore, #tpu.memory_space<semaphore_mem>>)
      %dma_start3A_248 = arith.constant 0 : i32
      %dma_start3A_249 = arith.constant 0 : i32
      %dma_start3A_250 = tpu.memref_slice %arg3[%dma_start3A_248, %dma_start3A_249] : memref<10000x128xf32, #tpu.memory_space<hbm>> -> memref<10000x128xf32, #tpu.memory_space<hbm>>
      tpu.enqueue_indirect_dma source(%dma_start3A_250 : memref<10000x128xf32, #tpu.memory_space<hbm>>) target(%arg17 : memref<40x128xf32, #tpu.memory_space<vmem>>) offsets(%arg11 : memref<40xi32, #tpu.memory_space<vmem>>) semaphore(%arg24 : memref<!tpu.dma_semaphore, #tpu.memory_space<semaphore_mem>>)
      %dma_start3A_251 = arith.constant 0 : i32
      %dma_start3A_252 = arith.constant 0 : i32
      %dma_start3A_253 = tpu.memref_slice %arg4[%dma_start3A_251, %dma_start3A_252] : memref<10000x128xf32, #tpu.memory_space<hbm>> -> memref<10000x128xf32, #tpu.memory_space<hbm>>
      tpu.enqueue_indirect_dma source(%dma_start3A_253 : memref<10000x128xf32, #tpu.memory_space<hbm>>) target(%arg19 : memref<40x128xf32, #tpu.memory_space<vmem>>) offsets(%arg11 : memref<40xi32, #tpu.memory_space<vmem>>) semaphore(%arg24 : memref<!tpu.dma_semaphore, #tpu.memory_space<semaphore_mem>>)
      %dma_wait3A = arith.constant 0 : i32
      %dma_wait3A_254 = arith.constant 0 : i32
      %dma_wait3A_255 = tpu.memref_slice %arg2[%dma_wait3A, %dma_wait3A_254] : memref<10000x128xf32, #tpu.memory_space<hbm>> -> memref<10000x128xf32, #tpu.memory_space<hbm>>
      tpu.wait_indirect_dma semaphore(%arg23 : memref<!tpu.dma_semaphore, #tpu.memory_space<semaphore_mem>>) src(%dma_wait3A_255 : memref<10000x128xf32, #tpu.memory_space<hbm>>) dst(%arg14 : memref<40x128xf32, #tpu.memory_space<vmem>>)
      %dma_wait3A_256 = arith.constant 0 : i32
      %dma_wait3A_257 = arith.constant 0 : i32
      %dma_wait3A_258 = tpu.memref_slice %arg3[%dma_wait3A_256, %dma_wait3A_257] : memref<10000x128xf32, #tpu.memory_space<hbm>> -> memref<10000x128xf32, #tpu.memory_space<hbm>>
      tpu.wait_indirect_dma semaphore(%arg23 : memref<!tpu.dma_semaphore, #tpu.memory_space<semaphore_mem>>) src(%dma_wait3A_258 : memref<10000x128xf32, #tpu.memory_space<hbm>>) dst(%arg16 : memref<40x128xf32, #tpu.memory_space<vmem>>)
      %dma_wait3A_259 = arith.constant 0 : i32
      %dma_wait3A_260 = arith.constant 0 : i32
      %dma_wait3A_261 = tpu.memref_slice %arg4[%dma_wait3A_259, %dma_wait3A_260] : memref<10000x128xf32, #tpu.memory_space<hbm>> -> memref<10000x128xf32, #tpu.memory_space<hbm>>
      tpu.wait_indirect_dma semaphore(%arg23 : memref<!tpu.dma_semaphore, #tpu.memory_space<semaphore_mem>>) src(%dma_wait3A_261 : memref<10000x128xf32, #tpu.memory_space<hbm>>) dst(%arg18 : memref<40x128xf32, #tpu.memory_space<vmem>>)
      %parallel_loop3A = arith.constant 0 : i32
      %parallel_loop3A_262 = arith.constant 40 : i32
      %parallel_loop3A_263 = arith.constant 1 : i32
      scf.for %parallel_loop3A_292 = %parallel_loop3A to %parallel_loop3A_262 step %parallel_loop3A_263  : i32 {
        %parallel_loop3A_293 = arith.index_cast %parallel_loop3A_292 : i32 to index
        %parallel_loop3A_294 = arith.constant 0 : index
        %parallel_loop3A_295 = tpu.vector_load %arg14[%parallel_loop3A_293, %parallel_loop3A_294] {strides = array<i32>} : memref<40x128xf32, #tpu.memory_space<vmem>>, vector<16xf32>,
        %parallel_loop3A_296 = arith.index_cast %parallel_loop3A_292 : i32 to index
        %parallel_loop3A_297 = arith.constant 0 : index
        %parallel_loop3A_298 = tpu.vector_load %arg16[%parallel_loop3A_296, %parallel_loop3A_297] {strides = array<i32>} : memref<40x128xf32, #tpu.memory_space<vmem>>, vector<16xf32>,
        %parallel_loop3A_299 = arith.mulf %parallel_loop3A_295, %parallel_loop3A_298 : vector<16xf32>
        %parallel_loop3A_300 = arith.index_cast %parallel_loop3A_292 : i32 to index
        %parallel_loop3A_301 = arith.constant 16 : index
        %parallel_loop3A_302 = tpu.vector_load %arg14[%parallel_loop3A_300, %parallel_loop3A_301] {strides = array<i32>} : memref<40x128xf32, #tpu.memory_space<vmem>>, vector<16xf32>,
        %parallel_loop3A_303 = arith.index_cast %parallel_loop3A_292 : i32 to index
        %parallel_loop3A_304 = arith.constant 16 : index
        %parallel_loop3A_305 = tpu.vector_load %arg16[%parallel_loop3A_303, %parallel_loop3A_304] {strides = array<i32>} : memref<40x128xf32, #tpu.memory_space<vmem>>, vector<16xf32>,
        %parallel_loop3A_306 = arith.mulf %parallel_loop3A_302, %parallel_loop3A_305 : vector<16xf32>
        %parallel_loop3A_307 = arith.index_cast %parallel_loop3A_292 : i32 to index
        %parallel_loop3A_308 = arith.constant 32 : index
        %parallel_loop3A_309 = tpu.vector_load %arg14[%parallel_loop3A_307, %parallel_loop3A_308] {strides = array<i32>} : memref<40x128xf32, #tpu.memory_space<vmem>>, vector<16xf32>,
        %parallel_loop3A_310 = arith.index_cast %parallel_loop3A_292 : i32 to index
        %parallel_loop3A_311 = arith.constant 32 : index
        %parallel_loop3A_312 = tpu.vector_load %arg16[%parallel_loop3A_310, %parallel_loop3A_311] {strides = array<i32>} : memref<40x128xf32, #tpu.memory_space<vmem>>, vector<16xf32>,
        %parallel_loop3A_313 = arith.mulf %parallel_loop3A_309, %parallel_loop3A_312 : vector<16xf32>
        %parallel_loop3A_314 = arith.index_cast %parallel_loop3A_292 : i32 to index
        %parallel_loop3A_315 = arith.constant 48 : index
        %parallel_loop3A_316 = tpu.vector_load %arg14[%parallel_loop3A_314, %parallel_loop3A_315] {strides = array<i32>} : memref<40x128xf32, #tpu.memory_space<vmem>>, vector<16xf32>,
        %parallel_loop3A_317 = arith.index_cast %parallel_loop3A_292 : i32 to index
        %parallel_loop3A_318 = arith.constant 48 : index
        %parallel_loop3A_319 = tpu.vector_load %arg16[%parallel_loop3A_317, %parallel_loop3A_318] {strides = array<i32>} : memref<40x128xf32, #tpu.memory_space<vmem>>, vector<16xf32>,
        %parallel_loop3A_320 = arith.mulf %parallel_loop3A_316, %parallel_loop3A_319 : vector<16xf32>
        %parallel_loop3A_321 = arith.index_cast %parallel_loop3A_292 : i32 to index
        %parallel_loop3A_322 = arith.constant 64 : index
        %parallel_loop3A_323 = tpu.vector_load %arg14[%parallel_loop3A_321, %parallel_loop3A_322] {strides = array<i32>} : memref<40x128xf32, #tpu.memory_space<vmem>>, vector<16xf32>,
        %parallel_loop3A_324 = arith.index_cast %parallel_loop3A_292 : i32 to index
        %parallel_loop3A_325 = arith.constant 64 : index
        %parallel_loop3A_326 = tpu.vector_load %arg16[%parallel_loop3A_324, %parallel_loop3A_325] {strides = array<i32>} : memref<40x128xf32, #tpu.memory_space<vmem>>, vector<16xf32>,
        %parallel_loop3A_327 = arith.mulf %parallel_loop3A_323, %parallel_loop3A_326 : vector<16xf32>
        %parallel_loop3A_328 = arith.index_cast %parallel_loop3A_292 : i32 to index
        %parallel_loop3A_329 = arith.constant 80 : index
        %parallel_loop3A_330 = tpu.vector_load %arg14[%parallel_loop3A_328, %parallel_loop3A_329] {strides = array<i32>} : memref<40x128xf32, #tpu.memory_space<vmem>>, vector<16xf32>,
        %parallel_loop3A_331 = arith.index_cast %parallel_loop3A_292 : i32 to index
        %parallel_loop3A_332 = arith.constant 80 : index
        %parallel_loop3A_333 = tpu.vector_load %arg16[%parallel_loop3A_331, %parallel_loop3A_332] {strides = array<i32>} : memref<40x128xf32, #tpu.memory_space<vmem>>, vector<16xf32>,
        %parallel_loop3A_334 = arith.mulf %parallel_loop3A_330, %parallel_loop3A_333 : vector<16xf32>
        %parallel_loop3A_335 = arith.index_cast %parallel_loop3A_292 : i32 to index
        %parallel_loop3A_336 = arith.constant 96 : index
        %parallel_loop3A_337 = tpu.vector_load %arg14[%parallel_loop3A_335, %parallel_loop3A_336] {strides = array<i32>} : memref<40x128xf32, #tpu.memory_space<vmem>>, vector<16xf32>,
        %parallel_loop3A_338 = arith.index_cast %parallel_loop3A_292 : i32 to index
        %parallel_loop3A_339 = arith.constant 96 : index
        %parallel_loop3A_340 = tpu.vector_load %arg16[%parallel_loop3A_338, %parallel_loop3A_339] {strides = array<i32>} : memref<40x128xf32, #tpu.memory_space<vmem>>, vector<16xf32>,
        %parallel_loop3A_341 = arith.mulf %parallel_loop3A_337, %parallel_loop3A_340 : vector<16xf32>
        %parallel_loop3A_342 = arith.index_cast %parallel_loop3A_292 : i32 to index
        %parallel_loop3A_343 = arith.constant 112 : index
        %parallel_loop3A_344 = tpu.vector_load %arg14[%parallel_loop3A_342, %parallel_loop3A_343] {strides = array<i32>} : memref<40x128xf32, #tpu.memory_space<vmem>>, vector<16xf32>,
        %parallel_loop3A_345 = arith.index_cast %parallel_loop3A_292 : i32 to index
        %parallel_loop3A_346 = arith.constant 112 : index
        %parallel_loop3A_347 = tpu.vector_load %arg16[%parallel_loop3A_345, %parallel_loop3A_346] {strides = array<i32>} : memref<40x128xf32, #tpu.memory_space<vmem>>, vector<16xf32>,
        %parallel_loop3A_348 = arith.mulf %parallel_loop3A_344, %parallel_loop3A_347 : vector<16xf32>
        %parallel_loop3A_349 = arith.addf %parallel_loop3A_299, %parallel_loop3A_306 : vector<16xf32>
        %parallel_loop3A_350 = arith.addf %parallel_loop3A_313, %parallel_loop3A_320 : vector<16xf32>
        %parallel_loop3A_351 = arith.addf %parallel_loop3A_349, %parallel_loop3A_350 : vector<16xf32>
        %parallel_loop3A_352 = arith.addf %parallel_loop3A_327, %parallel_loop3A_334 : vector<16xf32>
        %parallel_loop3A_353 = arith.addf %parallel_loop3A_341, %parallel_loop3A_348 : vector<16xf32>
        %parallel_loop3A_354 = arith.addf %parallel_loop3A_352, %parallel_loop3A_353 : vector<16xf32>
        %parallel_loop3A_355 = arith.addf %parallel_loop3A_351, %parallel_loop3A_354 : vector<16xf32>
        %parallel_loop3A_356 = arith.constant true
        %parallel_loop3A_357 = vector.broadcast %parallel_loop3A_356 : i1 to vector<16xi1>
        %parallel_loop3A_358 = tpu.scan <sum>, %parallel_loop3A_355 masked %parallel_loop3A_357 : vector<16xf32>, vector<16xi1> -> vector<16xf32>
        %parallel_loop3A_359 = vector.extract %parallel_loop3A_358[15] : f32 from vector<16xf32>
        %parallel_loop3A_360 = vector.broadcast %parallel_loop3A_359 : f32 to vector<16xf32>
        %parallel_loop3A_361 = math.exp %parallel_loop3A_360 : vector<16xf32>
        %parallel_loop3A_362 = arith.index_cast %parallel_loop3A_292 : i32 to index
        %parallel_loop3A_363 = arith.constant 0 : index
        %parallel_loop3A_364 = tpu.vector_load %arg18[%parallel_loop3A_362, %parallel_loop3A_363] {strides = array<i32>} : memref<40x128xf32, #tpu.memory_space<vmem>>, vector<16xf32>,
        %parallel_loop3A_365 = arith.mulf %parallel_loop3A_361, %parallel_loop3A_364 : vector<16xf32>
        %parallel_loop3A_366 = arith.index_cast %parallel_loop3A_292 : i32 to index
        %parallel_loop3A_367 = arith.constant 0 : index
        %parallel_loop3A_368 = tpu.vector_load %arg18[%parallel_loop3A_366, %parallel_loop3A_367] {strides = array<i32>} : memref<40x128xf32, #tpu.memory_space<vmem>>, vector<16xf32>,
        tpu.vector_store %arg18[%parallel_loop3A_366, %parallel_loop3A_367], %parallel_loop3A_365 {strides = array<i32>} : memref<40x128xf32, #tpu.memory_space<vmem>>, vector<16xf32>,
        %parallel_loop3A_369 = arith.index_cast %parallel_loop3A_292 : i32 to index
        %parallel_loop3A_370 = arith.constant 16 : index
        %parallel_loop3A_371 = tpu.vector_load %arg18[%parallel_loop3A_369, %parallel_loop3A_370] {strides = array<i32>} : memref<40x128xf32, #tpu.memory_space<vmem>>, vector<16xf32>,
        %parallel_loop3A_372 = arith.mulf %parallel_loop3A_361, %parallel_loop3A_371 : vector<16xf32>
        %parallel_loop3A_373 = arith.index_cast %parallel_loop3A_292 : i32 to index
        %parallel_loop3A_374 = arith.constant 16 : index
        %parallel_loop3A_375 = tpu.vector_load %arg18[%parallel_loop3A_373, %parallel_loop3A_374] {strides = array<i32>} : memref<40x128xf32, #tpu.memory_space<vmem>>, vector<16xf32>,
        tpu.vector_store %arg18[%parallel_loop3A_373, %parallel_loop3A_374], %parallel_loop3A_372 {strides = array<i32>} : memref<40x128xf32, #tpu.memory_space<vmem>>, vector<16xf32>,
        %parallel_loop3A_376 = arith.index_cast %parallel_loop3A_292 : i32 to index
        %parallel_loop3A_377 = arith.constant 32 : index
        %parallel_loop3A_378 = tpu.vector_load %arg18[%parallel_loop3A_376, %parallel_loop3A_377] {strides = array<i32>} : memref<40x128xf32, #tpu.memory_space<vmem>>, vector<16xf32>,
        %parallel_loop3A_379 = arith.mulf %parallel_loop3A_361, %parallel_loop3A_378 : vector<16xf32>
        %parallel_loop3A_380 = arith.index_cast %parallel_loop3A_292 : i32 to index
        %parallel_loop3A_381 = arith.constant 32 : index
        %parallel_loop3A_382 = tpu.vector_load %arg18[%parallel_loop3A_380, %parallel_loop3A_381] {strides = array<i32>} : memref<40x128xf32, #tpu.memory_space<vmem>>, vector<16xf32>,
        tpu.vector_store %arg18[%parallel_loop3A_380, %parallel_loop3A_381], %parallel_loop3A_379 {strides = array<i32>} : memref<40x128xf32, #tpu.memory_space<vmem>>, vector<16xf32>,
        %parallel_loop3A_383 = arith.index_cast %parallel_loop3A_292 : i32 to index
        %parallel_loop3A_384 = arith.constant 48 : index
        %parallel_loop3A_385 = tpu.vector_load %arg18[%parallel_loop3A_383, %parallel_loop3A_384] {strides = array<i32>} : memref<40x128xf32, #tpu.memory_space<vmem>>, vector<16xf32>,
        %parallel_loop3A_386 = arith.mulf %parallel_loop3A_361, %parallel_loop3A_385 : vector<16xf32>
        %parallel_loop3A_387 = arith.index_cast %parallel_loop3A_292 : i32 to index
        %parallel_loop3A_388 = arith.constant 48 : index
        %parallel_loop3A_389 = tpu.vector_load %arg18[%parallel_loop3A_387, %parallel_loop3A_388] {strides = array<i32>} : memref<40x128xf32, #tpu.memory_space<vmem>>, vector<16xf32>,
        tpu.vector_store %arg18[%parallel_loop3A_387, %parallel_loop3A_388], %parallel_loop3A_386 {strides = array<i32>} : memref<40x128xf32, #tpu.memory_space<vmem>>, vector<16xf32>,
        %parallel_loop3A_390 = arith.index_cast %parallel_loop3A_292 : i32 to index
        %parallel_loop3A_391 = arith.constant 64 : index
        %parallel_loop3A_392 = tpu.vector_load %arg18[%parallel_loop3A_390, %parallel_loop3A_391] {strides = array<i32>} : memref<40x128xf32, #tpu.memory_space<vmem>>, vector<16xf32>,
        %parallel_loop3A_393 = arith.mulf %parallel_loop3A_361, %parallel_loop3A_392 : vector<16xf32>
        %parallel_loop3A_394 = arith.index_cast %parallel_loop3A_292 : i32 to index
        %parallel_loop3A_395 = arith.constant 64 : index
        %parallel_loop3A_396 = tpu.vector_load %arg18[%parallel_loop3A_394, %parallel_loop3A_395] {strides = array<i32>} : memref<40x128xf32, #tpu.memory_space<vmem>>, vector<16xf32>,
        tpu.vector_store %arg18[%parallel_loop3A_394, %parallel_loop3A_395], %parallel_loop3A_393 {strides = array<i32>} : memref<40x128xf32, #tpu.memory_space<vmem>>, vector<16xf32>,
        %parallel_loop3A_397 = arith.index_cast %parallel_loop3A_292 : i32 to index
        %parallel_loop3A_398 = arith.constant 80 : index
        %parallel_loop3A_399 = tpu.vector_load %arg18[%parallel_loop3A_397, %parallel_loop3A_398] {strides = array<i32>} : memref<40x128xf32, #tpu.memory_space<vmem>>, vector<16xf32>,
        %parallel_loop3A_400 = arith.mulf %parallel_loop3A_361, %parallel_loop3A_399 : vector<16xf32>
        %parallel_loop3A_401 = arith.index_cast %parallel_loop3A_292 : i32 to index
        %parallel_loop3A_402 = arith.constant 80 : index
        %parallel_loop3A_403 = tpu.vector_load %arg18[%parallel_loop3A_401, %parallel_loop3A_402] {strides = array<i32>} : memref<40x128xf32, #tpu.memory_space<vmem>>, vector<16xf32>,
        tpu.vector_store %arg18[%parallel_loop3A_401, %parallel_loop3A_402], %parallel_loop3A_400 {strides = array<i32>} : memref<40x128xf32, #tpu.memory_space<vmem>>, vector<16xf32>,
        %parallel_loop3A_404 = arith.index_cast %parallel_loop3A_292 : i32 to index
        %parallel_loop3A_405 = arith.constant 96 : index
        %parallel_loop3A_406 = tpu.vector_load %arg18[%parallel_loop3A_404, %parallel_loop3A_405] {strides = array<i32>} : memref<40x128xf32, #tpu.memory_space<vmem>>, vector<16xf32>,
        %parallel_loop3A_407 = arith.mulf %parallel_loop3A_361, %parallel_loop3A_406 : vector<16xf32>
        %parallel_loop3A_408 = arith.index_cast %parallel_loop3A_292 : i32 to index
        %parallel_loop3A_409 = arith.constant 96 : index
        %parallel_loop3A_410 = tpu.vector_load %arg18[%parallel_loop3A_408, %parallel_loop3A_409] {strides = array<i32>} : memref<40x128xf32, #tpu.memory_space<vmem>>, vector<16xf32>,
        tpu.vector_store %arg18[%parallel_loop3A_408, %parallel_loop3A_409], %parallel_loop3A_407 {strides = array<i32>} : memref<40x128xf32, #tpu.memory_space<vmem>>, vector<16xf32>,
        %parallel_loop3A_411 = arith.index_cast %parallel_loop3A_292 : i32 to index
        %parallel_loop3A_412 = arith.constant 112 : index
        %parallel_loop3A_413 = tpu.vector_load %arg18[%parallel_loop3A_411, %parallel_loop3A_412] {strides = array<i32>} : memref<40x128xf32, #tpu.memory_space<vmem>>, vector<16xf32>,
        %parallel_loop3A_414 = arith.mulf %parallel_loop3A_361, %parallel_loop3A_413 : vector<16xf32>
        %parallel_loop3A_415 = arith.index_cast %parallel_loop3A_292 : i32 to index
        %parallel_loop3A_416 = arith.constant 112 : index
        %parallel_loop3A_417 = tpu.vector_load %arg18[%parallel_loop3A_415, %parallel_loop3A_416] {strides = array<i32>} : memref<40x128xf32, #tpu.memory_space<vmem>>, vector<16xf32>,
        tpu.vector_store %arg18[%parallel_loop3A_415, %parallel_loop3A_416], %parallel_loop3A_414 {strides = array<i32>} : memref<40x128xf32, #tpu.memory_space<vmem>>, vector<16xf32>,
        %parallel_loop3A_418 = arith.index_cast %parallel_loop3A_292 : i32 to index
        %parallel_loop3A_419 = arith.constant 0 : index
        %parallel_loop3A_420 = tpu.vector_load %arg20[%parallel_loop3A_418, %parallel_loop3A_419] {strides = array<i32>} : memref<40x16xf32, #tpu.memory_space<vmem>>, vector<16xf32>,
        tpu.vector_store %arg20[%parallel_loop3A_418, %parallel_loop3A_419], %parallel_loop3A_361 {strides = array<i32>} : memref<40x16xf32, #tpu.memory_space<vmem>>, vector<16xf32>,
      } {sc.loop_unroll_factor = 4 : i64, sc.parallel_access}
      %scan3A_264 = arith.constant 0 : i32
      %scan3A_265 = arith.constant 40 : i32
      %scan3A_266 = arith.addi %scan3A_264, %scan3A_265 : i32
      %scan3A_267 = arith.constant 1 : i32
      scf.for %scan3A_292 = %scan3A_264 to %scan3A_266 step %scan3A_267  : i32 {
        %mul3A_293 = arith.constant 1 : i32
        %mul3A_294 = arith.muli %scan3A_292, %mul3A_293 : i32
        %add3A_295 = arith.constant 0 : i32
        %add3A_296 = arith.addi %add3A_295, %mul3A_294 : i32
        %get3A_297 = arith.index_cast %add3A_296 : i32 to index
        %get3A_298 = arith.constant 0 : index
        %get3A_299 = tpu.vector_load %arg20[%get3A_297, %get3A_298] {strides = array<i32>} : memref<40x16xf32, #tpu.memory_space<vmem>>, vector<16xf32>,
        %add3A_300 = arith.constant 40 : i32
        %add3A_301 = arith.addi %add3A_300, %add3A_296 : i32
        %get3A_302 = arith.index_cast %add3A_301 : i32 to index
        %get3A_303 = tpu.vector_load %arg8[%get3A_302] {strides = array<i32>} : memref<96xi32, #tpu.memory_space<vmem>>, vector<16xi32>,
        %slice3A = vector.extract_strided_slice %get3A_303 {offsets = [0], sizes = [1], strides = [1]} : vector<16xi32> to vector<1xi32>
        %squeeze3A = vector.extract %slice3A[0] : i32 from vector<1xi32>
        %get3A_304 = arith.index_cast %squeeze3A : i32 to index
        %get3A_305 = tpu.vector_load %arg21[%get3A_304] {strides = array<i32>} : memref<10016xf32, #tpu.memory_space<vmem>>, vector<16xf32>,
        %mul3A_306 = arith.mulf %get3A_299, %select_n3A : vector<16xf32>
        %add3A_307 = arith.addf %get3A_305, %mul3A_306 : vector<16xf32>
        %swap3A_308 = arith.index_cast %squeeze3A : i32 to index
        %swap3A_309 = tpu.vector_load %arg21[%swap3A_308] {strides = array<i32>} : memref<10016xf32, #tpu.memory_space<vmem>>, vector<16xf32>,
        tpu.vector_store %arg21[%swap3A_308], %add3A_307 {strides = array<i32>} : memref<10016xf32, #tpu.memory_space<vmem>>, vector<16xf32>,
      }
      %scan3A_268 = arith.constant 40 : i32
      "tpu.region"() ({
        %run_scoped3A = tpu.sem_alloc : memref<!tpu.dma_semaphore, #tpu.memory_space<semaphore_mem>>
        %dma_start3A_292 = arith.constant 0 : i32
        %dma_start3A_293 = arith.constant 0 : i32
        %dma_start3A_294 = tpu.memref_slice %arg22[%dma_start3A_292, %dma_start3A_293] : memref<10000x128xf32, #tpu.memory_space<vmem_shared>> -> memref<10000x128xf32, #tpu.memory_space<vmem_shared>>
        tpu.enqueue_indirect_dma source(%arg18 : memref<40x128xf32, #tpu.memory_space<vmem>>) target(%dma_start3A_294 : memref<10000x128xf32, #tpu.memory_space<vmem_shared>>) offsets(%arg12 : memref<40xi32, #tpu.memory_space<vmem>>) semaphore(%run_scoped3A : memref<!tpu.dma_semaphore, #tpu.memory_space<semaphore_mem>>) {add = true}
        %dma_wait3A_295 = arith.constant 0 : i32
        %dma_wait3A_296 = arith.constant 0 : i32
        %dma_wait3A_297 = tpu.memref_slice %arg22[%dma_wait3A_295, %dma_wait3A_296] : memref<10000x128xf32, #tpu.memory_space<vmem_shared>> -> memref<10000x128xf32, #tpu.memory_space<vmem_shared>>
        tpu.wait_indirect_dma semaphore(%run_scoped3A : memref<!tpu.dma_semaphore, #tpu.memory_space<semaphore_mem>>) src(%arg18 : memref<40x128xf32, #tpu.memory_space<vmem>>) dst(%dma_wait3A_297 : memref<10000x128xf32, #tpu.memory_space<vmem_shared>>)
        tpu.yield
      }) : () -> ()
      %add3A_269 = arith.constant 2 : i32
      %add3A_270 = arith.addi %mul3A_189, %add3A_269 : i32
      %lt3A = arith.constant 250 : i32
      %lt3A_271 = arith.cmpi slt, %add3A_270, %lt3A : i32
      %convert_element_type3A_272 = arith.extui %lt3A_271 : i1 to i32
      %cond3A_273 = arith.constant 0 : i32
      %cond3A_274 = arith.cmpi ne, %convert_element_type3A_272, %cond3A_273 : i32
      scf.if %cond3A_274 {
        %add3A_292 = arith.constant 2 : i32
        %add3A_293 = arith.addi %mul3A_189, %add3A_292 : i32
        %jit3A_294 = arith.constant 40 : i32
        %div3A_295 = arith.divsi %mul3A_55, %jit3A_294 : i32
        %sign3A_296 = arith.constant 0 : i32
        %sign3A_297 = arith.cmpi sgt, %mul3A_55, %sign3A_296 : i32
        %sign3A_298 = arith.extui %sign3A_297 : i1 to i32
        %sign3A_299 = arith.constant 0 : i32
        %sign3A_300 = arith.cmpi slt, %mul3A_55, %sign3A_299 : i32
        %sign3A_301 = arith.extui %sign3A_300 : i1 to i32
        %sign3A_302 = arith.subi %sign3A_298, %sign3A_301 : i32
        %sign3A_303 = arith.constant 0 : i32
        %sign3A_304 = arith.cmpi sgt, %jit3A_294, %sign3A_303 : i32
        %sign3A_305 = arith.extui %sign3A_304 : i1 to i32
        %sign3A_306 = arith.constant 0 : i32
        %sign3A_307 = arith.cmpi slt, %jit3A_294, %sign3A_306 : i32
        %sign3A_308 = arith.extui %sign3A_307 : i1 to i32
        %sign3A_309 = arith.subi %sign3A_305, %sign3A_308 : i32
        %ne3A_310 = arith.cmpi ne, %sign3A_302, %sign3A_309 : i32
        %rem3A_311 = arith.remsi %mul3A_55, %jit3A_294 : i32
        %ne3A_312 = arith.constant 0 : i32
        %ne3A_313 = arith.cmpi ne, %rem3A_311, %ne3A_312 : i32
        %and3A_314 = arith.andi %ne3A_310, %ne3A_313 : i1
        %sub3A_315 = arith.constant 1 : i32
        %sub3A_316 = arith.subi %div3A_295, %sub3A_315 : i32
        %select_n3A_317 = arith.select %and3A_314, %sub3A_316, %div3A_295 : i32
        %add3A_318 = arith.addi %select_n3A_317, %add3A_293 : i32
        %mul3A_319 = arith.constant 2 : i32
        %mul3A_320 = arith.muli %add3A_318, %mul3A_319 : i32
        %mul3A_321 = arith.constant 40 : i32
        %mul3A_322 = arith.muli %mul3A_320, %mul3A_321 : i32
        "tpu.region"() ({
          %run_scoped3A = tpu.sem_alloc : memref<!tpu.dma_semaphore, #tpu.memory_space<semaphore_mem>>
          %dma_start3A_356 = arith.constant 0 : i32
          %dma_start3A_357 = tpu.memref_slice %arg8[%dma_start3A_356] : memref<96xi32, #tpu.memory_space<vmem>> -> memref<80xi32, #tpu.memory_space<vmem>>
          %dma_start3A_358 = tpu.memref_slice %arg5[%mul3A_322] : memref<640000xi32, #tpu.memory_space<hbm>> -> memref<80xi32, #tpu.memory_space<hbm>>
          %dma_start3A_359 = arith.constant 0 : i32
          %dma_start3A_360 = tpu.memref_slice %arg8[%dma_start3A_359] : memref<96xi32, #tpu.memory_space<vmem>> -> memref<80xi32, #tpu.memory_space<vmem>>
          %dma_start3A_361 = tpu.memref_slice %arg5[%mul3A_322] : memref<640000xi32, #tpu.memory_space<hbm>> -> memref<80xi32, #tpu.memory_space<hbm>>
          tpu.enqueue_dma source(%dma_start3A_361 : memref<80xi32, #tpu.memory_space<hbm>>) target(%dma_start3A_360 : memref<80xi32, #tpu.memory_space<vmem>>) target_semaphore(%run_scoped3A : memref<!tpu.dma_semaphore, #tpu.memory_space<semaphore_mem>>)
          %dma_wait3A_362 = arith.constant 0 : i32
          %dma_wait3A_363 = tpu.memref_slice %arg8[%dma_wait3A_362] : memref<96xi32, #tpu.memory_space<vmem>> -> memref<80xi32, #tpu.memory_space<vmem>>
          %dma_wait3A_364 = tpu.memref_slice %arg5[%mul3A_322] : memref<640000xi32, #tpu.memory_space<hbm>> -> memref<80xi32, #tpu.memory_space<hbm>>
          %dma_wait3A_365 = arith.constant 0 : i32
          %dma_wait3A_366 = tpu.memref_slice %arg8[%dma_wait3A_365] : memref<96xi32, #tpu.memory_space<vmem>> -> memref<80xi32, #tpu.memory_space<vmem>>
          %dma_wait3A_367 = tpu.memref_slice %arg5[%mul3A_322] : memref<640000xi32, #tpu.memory_space<hbm>> -> memref<80xi32, #tpu.memory_space<hbm>>
          tpu.wait_dma2 semaphore(%run_scoped3A : memref<!tpu.dma_semaphore, #tpu.memory_space<semaphore_mem>>) src(%dma_wait3A_367 : memref<80xi32, #tpu.memory_space<hbm>>) dst(%dma_wait3A_366 : memref<80xi32, #tpu.memory_space<vmem>>)
          tpu.yield
        }) : () -> ()
        %get3A_323 = arith.constant 0 : index
        %get3A_324 = tpu.vector_load %arg8[%get3A_323] {strides = array<i32>} : memref<96xi32, #tpu.memory_space<vmem>>, vector<16xi32>,
        %swap3A_325 = arith.constant 0 : index
        %swap3A_326 = tpu.vector_load %arg10[%swap3A_325] {strides = array<i32>} : memref<40xi32, #tpu.memory_space<vmem>>, vector<16xi32>,
        tpu.vector_store %arg10[%swap3A_325], %get3A_324 {strides = array<i32>} : memref<40xi32, #tpu.memory_space<vmem>>, vector<16xi32>,
        %get3A_327 = arith.constant 16 : index
        %get3A_328 = tpu.vector_load %arg8[%get3A_327] {strides = array<i32>} : memref<96xi32, #tpu.memory_space<vmem>>, vector<16xi32>,
        %swap3A_329 = arith.constant 16 : index
        %swap3A_330 = tpu.vector_load %arg10[%swap3A_329] {strides = array<i32>} : memref<40xi32, #tpu.memory_space<vmem>>, vector<16xi32>,
        tpu.vector_store %arg10[%swap3A_329], %get3A_328 {strides = array<i32>} : memref<40xi32, #tpu.memory_space<vmem>>, vector<16xi32>,
        %get3A_331 = arith.constant 24 : index
        %get3A_332 = tpu.vector_load %arg8[%get3A_331] {strides = array<i32>} : memref<96xi32, #tpu.memory_space<vmem>>, vector<16xi32>,
        %swap3A_333 = arith.constant 24 : index
        %swap3A_334 = tpu.vector_load %arg10[%swap3A_333] {strides = array<i32>} : memref<40xi32, #tpu.memory_space<vmem>>, vector<16xi32>,
        tpu.vector_store %arg10[%swap3A_333], %get3A_332 {strides = array<i32>} : memref<40xi32, #tpu.memory_space<vmem>>, vector<16xi32>,
        %get3A_335 = arith.constant 40 : index
        %get3A_336 = tpu.vector_load %arg8[%get3A_335] {strides = array<i32>} : memref<96xi32, #tpu.memory_space<vmem>>, vector<16xi32>,
        %swap3A_337 = arith.constant 0 : index
        %swap3A_338 = tpu.vector_load %arg12[%swap3A_337] {strides = array<i32>} : memref<40xi32, #tpu.memory_space<vmem>>, vector<16xi32>,
        tpu.vector_store %arg12[%swap3A_337], %get3A_336 {strides = array<i32>} : memref<40xi32, #tpu.memory_space<vmem>>, vector<16xi32>,
        %get3A_339 = arith.constant 56 : index
        %get3A_340 = tpu.vector_load %arg8[%get3A_339] {strides = array<i32>} : memref<96xi32, #tpu.memory_space<vmem>>, vector<16xi32>,
        %swap3A_341 = arith.constant 16 : index
        %swap3A_342 = tpu.vector_load %arg12[%swap3A_341] {strides = array<i32>} : memref<40xi32, #tpu.memory_space<vmem>>, vector<16xi32>,
        tpu.vector_store %arg12[%swap3A_341], %get3A_340 {strides = array<i32>} : memref<40xi32, #tpu.memory_space<vmem>>, vector<16xi32>,
        %get3A_343 = arith.constant 64 : index
        %get3A_344 = tpu.vector_load %arg8[%get3A_343] {strides = array<i32>} : memref<96xi32, #tpu.memory_space<vmem>>, vector<16xi32>,
        %swap3A_345 = arith.constant 24 : index
        %swap3A_346 = tpu.vector_load %arg12[%swap3A_345] {strides = array<i32>} : memref<40xi32, #tpu.memory_space<vmem>>, vector<16xi32>,
        tpu.vector_store %arg12[%swap3A_345], %get3A_344 {strides = array<i32>} : memref<40xi32, #tpu.memory_space<vmem>>, vector<16xi32>,
        %dma_start3A_347 = arith.constant 0 : i32
        %dma_start3A_348 = arith.constant 0 : i32
        %dma_start3A_349 = tpu.memref_slice %arg2[%dma_start3A_347, %dma_start3A_348] : memref<10000x128xf32, #tpu.memory_space<hbm>> -> memref<10000x128xf32, #tpu.memory_space<hbm>>
        tpu.enqueue_indirect_dma source(%dma_start3A_349 : memref<10000x128xf32, #tpu.memory_space<hbm>>) target(%arg14 : memref<40x128xf32, #tpu.memory_space<vmem>>) offsets(%arg12 : memref<40xi32, #tpu.memory_space<vmem>>) semaphore(%arg23 : memref<!tpu.dma_semaphore, #tpu.memory_space<semaphore_mem>>)
        %dma_start3A_350 = arith.constant 0 : i32
        %dma_start3A_351 = arith.constant 0 : i32
        %dma_start3A_352 = tpu.memref_slice %arg3[%dma_start3A_350, %dma_start3A_351] : memref<10000x128xf32, #tpu.memory_space<hbm>> -> memref<10000x128xf32, #tpu.memory_space<hbm>>
        tpu.enqueue_indirect_dma source(%dma_start3A_352 : memref<10000x128xf32, #tpu.memory_space<hbm>>) target(%arg16 : memref<40x128xf32, #tpu.memory_space<vmem>>) offsets(%arg10 : memref<40xi32, #tpu.memory_space<vmem>>) semaphore(%arg23 : memref<!tpu.dma_semaphore, #tpu.memory_space<semaphore_mem>>)
        %dma_start3A_353 = arith.constant 0 : i32
        %dma_start3A_354 = arith.constant 0 : i32
        %dma_start3A_355 = tpu.memref_slice %arg4[%dma_start3A_353, %dma_start3A_354] : memref<10000x128xf32, #tpu.memory_space<hbm>> -> memref<10000x128xf32, #tpu.memory_space<hbm>>
        tpu.enqueue_indirect_dma source(%dma_start3A_355 : memref<10000x128xf32, #tpu.memory_space<hbm>>) target(%arg18 : memref<40x128xf32, #tpu.memory_space<vmem>>) offsets(%arg10 : memref<40xi32, #tpu.memory_space<vmem>>) semaphore(%arg23 : memref<!tpu.dma_semaphore, #tpu.memory_space<semaphore_mem>>)
      } else {
      }
      %dma_wait3A_275 = arith.constant 0 : i32
      %dma_wait3A_276 = arith.constant 0 : i32
      %dma_wait3A_277 = tpu.memref_slice %arg2[%dma_wait3A_275, %dma_wait3A_276] : memref<10000x128xf32, #tpu.memory_space<hbm>> -> memref<10000x128xf32, #tpu.memory_space<hbm>>
      tpu.wait_indirect_dma semaphore(%arg24 : memref<!tpu.dma_semaphore, #tpu.memory_space<semaphore_mem>>) src(%dma_wait3A_277 : memref<10000x128xf32, #tpu.memory_space<hbm>>) dst(%arg15 : memref<40x128xf32, #tpu.memory_space<vmem>>)
      %dma_wait3A_278 = arith.constant 0 : i32
      %dma_wait3A_279 = arith.constant 0 : i32
      %dma_wait3A_280 = tpu.memref_slice %arg3[%dma_wait3A_278, %dma_wait3A_279] : memref<10000x128xf32, #tpu.memory_space<hbm>> -> memref<10000x128xf32, #tpu.memory_space<hbm>>
      tpu.wait_indirect_dma semaphore(%arg24 : memref<!tpu.dma_semaphore, #tpu.memory_space<semaphore_mem>>) src(%dma_wait3A_280 : memref<10000x128xf32, #tpu.memory_space<hbm>>) dst(%arg17 : memref<40x128xf32, #tpu.memory_space<vmem>>)
      %dma_wait3A_281 = arith.constant 0 : i32
      %dma_wait3A_282 = arith.constant 0 : i32
      %dma_wait3A_283 = tpu.memref_slice %arg4[%dma_wait3A_281, %dma_wait3A_282] : memref<10000x128xf32, #tpu.memory_space<hbm>> -> memref<10000x128xf32, #tpu.memory_space<hbm>>
      tpu.wait_indirect_dma semaphore(%arg24 : memref<!tpu.dma_semaphore, #tpu.memory_space<semaphore_mem>>) src(%dma_wait3A_283 : memref<10000x128xf32, #tpu.memory_space<hbm>>) dst(%arg19 : memref<40x128xf32, #tpu.memory_space<vmem>>)
      %parallel_loop3A_284 = arith.constant 0 : i32
      %parallel_loop3A_285 = arith.constant 40 : i32
      %parallel_loop3A_286 = arith.constant 1 : i32
      scf.for %parallel_loop3A_292 = %parallel_loop3A_284 to %parallel_loop3A_285 step %parallel_loop3A_286  : i32 {
        %parallel_loop3A_293 = arith.index_cast %parallel_loop3A_292 : i32 to index
        %parallel_loop3A_294 = arith.constant 0 : index
        %parallel_loop3A_295 = tpu.vector_load %arg15[%parallel_loop3A_293, %parallel_loop3A_294] {strides = array<i32>} : memref<40x128xf32, #tpu.memory_space<vmem>>, vector<16xf32>,
        %parallel_loop3A_296 = arith.index_cast %parallel_loop3A_292 : i32 to index
        %parallel_loop3A_297 = arith.constant 0 : index
        %parallel_loop3A_298 = tpu.vector_load %arg17[%parallel_loop3A_296, %parallel_loop3A_297] {strides = array<i32>} : memref<40x128xf32, #tpu.memory_space<vmem>>, vector<16xf32>,
        %parallel_loop3A_299 = arith.mulf %parallel_loop3A_295, %parallel_loop3A_298 : vector<16xf32>
        %parallel_loop3A_300 = arith.index_cast %parallel_loop3A_292 : i32 to index
        %parallel_loop3A_301 = arith.constant 16 : index
        %parallel_loop3A_302 = tpu.vector_load %arg15[%parallel_loop3A_300, %parallel_loop3A_301] {strides = array<i32>} : memref<40x128xf32, #tpu.memory_space<vmem>>, vector<16xf32>,
        %parallel_loop3A_303 = arith.index_cast %parallel_loop3A_292 : i32 to index
        %parallel_loop3A_304 = arith.constant 16 : index
        %parallel_loop3A_305 = tpu.vector_load %arg17[%parallel_loop3A_303, %parallel_loop3A_304] {strides = array<i32>} : memref<40x128xf32, #tpu.memory_space<vmem>>, vector<16xf32>,
        %parallel_loop3A_306 = arith.mulf %parallel_loop3A_302, %parallel_loop3A_305 : vector<16xf32>
        %parallel_loop3A_307 = arith.index_cast %parallel_loop3A_292 : i32 to index
        %parallel_loop3A_308 = arith.constant 32 : index
        %parallel_loop3A_309 = tpu.vector_load %arg15[%parallel_loop3A_307, %parallel_loop3A_308] {strides = array<i32>} : memref<40x128xf32, #tpu.memory_space<vmem>>, vector<16xf32>,
        %parallel_loop3A_310 = arith.index_cast %parallel_loop3A_292 : i32 to index
        %parallel_loop3A_311 = arith.constant 32 : index
        %parallel_loop3A_312 = tpu.vector_load %arg17[%parallel_loop3A_310, %parallel_loop3A_311] {strides = array<i32>} : memref<40x128xf32, #tpu.memory_space<vmem>>, vector<16xf32>,
        %parallel_loop3A_313 = arith.mulf %parallel_loop3A_309, %parallel_loop3A_312 : vector<16xf32>
        %parallel_loop3A_314 = arith.index_cast %parallel_loop3A_292 : i32 to index
        %parallel_loop3A_315 = arith.constant 48 : index
        %parallel_loop3A_316 = tpu.vector_load %arg15[%parallel_loop3A_314, %parallel_loop3A_315] {strides = array<i32>} : memref<40x128xf32, #tpu.memory_space<vmem>>, vector<16xf32>,
        %parallel_loop3A_317 = arith.index_cast %parallel_loop3A_292 : i32 to index
        %parallel_loop3A_318 = arith.constant 48 : index
        %parallel_loop3A_319 = tpu.vector_load %arg17[%parallel_loop3A_317, %parallel_loop3A_318] {strides = array<i32>} : memref<40x128xf32, #tpu.memory_space<vmem>>, vector<16xf32>,
        %parallel_loop3A_320 = arith.mulf %parallel_loop3A_316, %parallel_loop3A_319 : vector<16xf32>
        %parallel_loop3A_321 = arith.index_cast %parallel_loop3A_292 : i32 to index
        %parallel_loop3A_322 = arith.constant 64 : index
        %parallel_loop3A_323 = tpu.vector_load %arg15[%parallel_loop3A_321, %parallel_loop3A_322] {strides = array<i32>} : memref<40x128xf32, #tpu.memory_space<vmem>>, vector<16xf32>,
        %parallel_loop3A_324 = arith.index_cast %parallel_loop3A_292 : i32 to index
        %parallel_loop3A_325 = arith.constant 64 : index
        %parallel_loop3A_326 = tpu.vector_load %arg17[%parallel_loop3A_324, %parallel_loop3A_325] {strides = array<i32>} : memref<40x128xf32, #tpu.memory_space<vmem>>, vector<16xf32>,
        %parallel_loop3A_327 = arith.mulf %parallel_loop3A_323, %parallel_loop3A_326 : vector<16xf32>
        %parallel_loop3A_328 = arith.index_cast %parallel_loop3A_292 : i32 to index
        %parallel_loop3A_329 = arith.constant 80 : index
        %parallel_loop3A_330 = tpu.vector_load %arg15[%parallel_loop3A_328, %parallel_loop3A_329] {strides = array<i32>} : memref<40x128xf32, #tpu.memory_space<vmem>>, vector<16xf32>,
        %parallel_loop3A_331 = arith.index_cast %parallel_loop3A_292 : i32 to index
        %parallel_loop3A_332 = arith.constant 80 : index
        %parallel_loop3A_333 = tpu.vector_load %arg17[%parallel_loop3A_331, %parallel_loop3A_332] {strides = array<i32>} : memref<40x128xf32, #tpu.memory_space<vmem>>, vector<16xf32>,
        %parallel_loop3A_334 = arith.mulf %parallel_loop3A_330, %parallel_loop3A_333 : vector<16xf32>
        %parallel_loop3A_335 = arith.index_cast %parallel_loop3A_292 : i32 to index
        %parallel_loop3A_336 = arith.constant 96 : index
        %parallel_loop3A_337 = tpu.vector_load %arg15[%parallel_loop3A_335, %parallel_loop3A_336] {strides = array<i32>} : memref<40x128xf32, #tpu.memory_space<vmem>>, vector<16xf32>,
        %parallel_loop3A_338 = arith.index_cast %parallel_loop3A_292 : i32 to index
        %parallel_loop3A_339 = arith.constant 96 : index
        %parallel_loop3A_340 = tpu.vector_load %arg17[%parallel_loop3A_338, %parallel_loop3A_339] {strides = array<i32>} : memref<40x128xf32, #tpu.memory_space<vmem>>, vector<16xf32>,
        %parallel_loop3A_341 = arith.mulf %parallel_loop3A_337, %parallel_loop3A_340 : vector<16xf32>
        %parallel_loop3A_342 = arith.index_cast %parallel_loop3A_292 : i32 to index
        %parallel_loop3A_343 = arith.constant 112 : index
        %parallel_loop3A_344 = tpu.vector_load %arg15[%parallel_loop3A_342, %parallel_loop3A_343] {strides = array<i32>} : memref<40x128xf32, #tpu.memory_space<vmem>>, vector<16xf32>,
        %parallel_loop3A_345 = arith.index_cast %parallel_loop3A_292 : i32 to index
        %parallel_loop3A_346 = arith.constant 112 : index
        %parallel_loop3A_347 = tpu.vector_load %arg17[%parallel_loop3A_345, %parallel_loop3A_346] {strides = array<i32>} : memref<40x128xf32, #tpu.memory_space<vmem>>, vector<16xf32>,
        %parallel_loop3A_348 = arith.mulf %parallel_loop3A_344, %parallel_loop3A_347 : vector<16xf32>
        %parallel_loop3A_349 = arith.addf %parallel_loop3A_299, %parallel_loop3A_306 : vector<16xf32>
        %parallel_loop3A_350 = arith.addf %parallel_loop3A_313, %parallel_loop3A_320 : vector<16xf32>
        %parallel_loop3A_351 = arith.addf %parallel_loop3A_349, %parallel_loop3A_350 : vector<16xf32>
        %parallel_loop3A_352 = arith.addf %parallel_loop3A_327, %parallel_loop3A_334 : vector<16xf32>
        %parallel_loop3A_353 = arith.addf %parallel_loop3A_341, %parallel_loop3A_348 : vector<16xf32>
        %parallel_loop3A_354 = arith.addf %parallel_loop3A_352, %parallel_loop3A_353 : vector<16xf32>
        %parallel_loop3A_355 = arith.addf %parallel_loop3A_351, %parallel_loop3A_354 : vector<16xf32>
        %parallel_loop3A_356 = arith.constant true
        %parallel_loop3A_357 = vector.broadcast %parallel_loop3A_356 : i1 to vector<16xi1>
        %parallel_loop3A_358 = tpu.scan <sum>, %parallel_loop3A_355 masked %parallel_loop3A_357 : vector<16xf32>, vector<16xi1> -> vector<16xf32>
        %parallel_loop3A_359 = vector.extract %parallel_loop3A_358[15] : f32 from vector<16xf32>
        %parallel_loop3A_360 = vector.broadcast %parallel_loop3A_359 : f32 to vector<16xf32>
        %parallel_loop3A_361 = math.exp %parallel_loop3A_360 : vector<16xf32>
        %parallel_loop3A_362 = arith.index_cast %parallel_loop3A_292 : i32 to index
        %parallel_loop3A_363 = arith.constant 0 : index
        %parallel_loop3A_364 = tpu.vector_load %arg19[%parallel_loop3A_362, %parallel_loop3A_363] {strides = array<i32>} : memref<40x128xf32, #tpu.memory_space<vmem>>, vector<16xf32>,
        %parallel_loop3A_365 = arith.mulf %parallel_loop3A_361, %parallel_loop3A_364 : vector<16xf32>
        %parallel_loop3A_366 = arith.index_cast %parallel_loop3A_292 : i32 to index
        %parallel_loop3A_367 = arith.constant 0 : index
        %parallel_loop3A_368 = tpu.vector_load %arg19[%parallel_loop3A_366, %parallel_loop3A_367] {strides = array<i32>} : memref<40x128xf32, #tpu.memory_space<vmem>>, vector<16xf32>,
        tpu.vector_store %arg19[%parallel_loop3A_366, %parallel_loop3A_367], %parallel_loop3A_365 {strides = array<i32>} : memref<40x128xf32, #tpu.memory_space<vmem>>, vector<16xf32>,
        %parallel_loop3A_369 = arith.index_cast %parallel_loop3A_292 : i32 to index
        %parallel_loop3A_370 = arith.constant 16 : index
        %parallel_loop3A_371 = tpu.vector_load %arg19[%parallel_loop3A_369, %parallel_loop3A_370] {strides = array<i32>} : memref<40x128xf32, #tpu.memory_space<vmem>>, vector<16xf32>,
        %parallel_loop3A_372 = arith.mulf %parallel_loop3A_361, %parallel_loop3A_371 : vector<16xf32>
        %parallel_loop3A_373 = arith.index_cast %parallel_loop3A_292 : i32 to index
        %parallel_loop3A_374 = arith.constant 16 : index
        %parallel_loop3A_375 = tpu.vector_load %arg19[%parallel_loop3A_373, %parallel_loop3A_374] {strides = array<i32>} : memref<40x128xf32, #tpu.memory_space<vmem>>, vector<16xf32>,
        tpu.vector_store %arg19[%parallel_loop3A_373, %parallel_loop3A_374], %parallel_loop3A_372 {strides = array<i32>} : memref<40x128xf32, #tpu.memory_space<vmem>>, vector<16xf32>,
        %parallel_loop3A_376 = arith.index_cast %parallel_loop3A_292 : i32 to index
        %parallel_loop3A_377 = arith.constant 32 : index
        %parallel_loop3A_378 = tpu.vector_load %arg19[%parallel_loop3A_376, %parallel_loop3A_377] {strides = array<i32>} : memref<40x128xf32, #tpu.memory_space<vmem>>, vector<16xf32>,
        %parallel_loop3A_379 = arith.mulf %parallel_loop3A_361, %parallel_loop3A_378 : vector<16xf32>
        %parallel_loop3A_380 = arith.index_cast %parallel_loop3A_292 : i32 to index
        %parallel_loop3A_381 = arith.constant 32 : index
        %parallel_loop3A_382 = tpu.vector_load %arg19[%parallel_loop3A_380, %parallel_loop3A_381] {strides = array<i32>} : memref<40x128xf32, #tpu.memory_space<vmem>>, vector<16xf32>,
        tpu.vector_store %arg19[%parallel_loop3A_380, %parallel_loop3A_381], %parallel_loop3A_379 {strides = array<i32>} : memref<40x128xf32, #tpu.memory_space<vmem>>, vector<16xf32>,
        %parallel_loop3A_383 = arith.index_cast %parallel_loop3A_292 : i32 to index
        %parallel_loop3A_384 = arith.constant 48 : index
        %parallel_loop3A_385 = tpu.vector_load %arg19[%parallel_loop3A_383, %parallel_loop3A_384] {strides = array<i32>} : memref<40x128xf32, #tpu.memory_space<vmem>>, vector<16xf32>,
        %parallel_loop3A_386 = arith.mulf %parallel_loop3A_361, %parallel_loop3A_385 : vector<16xf32>
        %parallel_loop3A_387 = arith.index_cast %parallel_loop3A_292 : i32 to index
        %parallel_loop3A_388 = arith.constant 48 : index
        %parallel_loop3A_389 = tpu.vector_load %arg19[%parallel_loop3A_387, %parallel_loop3A_388] {strides = array<i32>} : memref<40x128xf32, #tpu.memory_space<vmem>>, vector<16xf32>,
        tpu.vector_store %arg19[%parallel_loop3A_387, %parallel_loop3A_388], %parallel_loop3A_386 {strides = array<i32>} : memref<40x128xf32, #tpu.memory_space<vmem>>, vector<16xf32>,
        %parallel_loop3A_390 = arith.index_cast %parallel_loop3A_292 : i32 to index
        %parallel_loop3A_391 = arith.constant 64 : index
        %parallel_loop3A_392 = tpu.vector_load %arg19[%parallel_loop3A_390, %parallel_loop3A_391] {strides = array<i32>} : memref<40x128xf32, #tpu.memory_space<vmem>>, vector<16xf32>,
        %parallel_loop3A_393 = arith.mulf %parallel_loop3A_361, %parallel_loop3A_392 : vector<16xf32>
        %parallel_loop3A_394 = arith.index_cast %parallel_loop3A_292 : i32 to index
        %parallel_loop3A_395 = arith.constant 64 : index
        %parallel_loop3A_396 = tpu.vector_load %arg19[%parallel_loop3A_394, %parallel_loop3A_395] {strides = array<i32>} : memref<40x128xf32, #tpu.memory_space<vmem>>, vector<16xf32>,
        tpu.vector_store %arg19[%parallel_loop3A_394, %parallel_loop3A_395], %parallel_loop3A_393 {strides = array<i32>} : memref<40x128xf32, #tpu.memory_space<vmem>>, vector<16xf32>,
        %parallel_loop3A_397 = arith.index_cast %parallel_loop3A_292 : i32 to index
        %parallel_loop3A_398 = arith.constant 80 : index
        %parallel_loop3A_399 = tpu.vector_load %arg19[%parallel_loop3A_397, %parallel_loop3A_398] {strides = array<i32>} : memref<40x128xf32, #tpu.memory_space<vmem>>, vector<16xf32>,
        %parallel_loop3A_400 = arith.mulf %parallel_loop3A_361, %parallel_loop3A_399 : vector<16xf32>
        %parallel_loop3A_401 = arith.index_cast %parallel_loop3A_292 : i32 to index
        %parallel_loop3A_402 = arith.constant 80 : index
        %parallel_loop3A_403 = tpu.vector_load %arg19[%parallel_loop3A_401, %parallel_loop3A_402] {strides = array<i32>} : memref<40x128xf32, #tpu.memory_space<vmem>>, vector<16xf32>,
        tpu.vector_store %arg19[%parallel_loop3A_401, %parallel_loop3A_402], %parallel_loop3A_400 {strides = array<i32>} : memref<40x128xf32, #tpu.memory_space<vmem>>, vector<16xf32>,
        %parallel_loop3A_404 = arith.index_cast %parallel_loop3A_292 : i32 to index
        %parallel_loop3A_405 = arith.constant 96 : index
        %parallel_loop3A_406 = tpu.vector_load %arg19[%parallel_loop3A_404, %parallel_loop3A_405] {strides = array<i32>} : memref<40x128xf32, #tpu.memory_space<vmem>>, vector<16xf32>,
        %parallel_loop3A_407 = arith.mulf %parallel_loop3A_361, %parallel_loop3A_406 : vector<16xf32>
        %parallel_loop3A_408 = arith.index_cast %parallel_loop3A_292 : i32 to index
        %parallel_loop3A_409 = arith.constant 96 : index
        %parallel_loop3A_410 = tpu.vector_load %arg19[%parallel_loop3A_408, %parallel_loop3A_409] {strides = array<i32>} : memref<40x128xf32, #tpu.memory_space<vmem>>, vector<16xf32>,
        tpu.vector_store %arg19[%parallel_loop3A_408, %parallel_loop3A_409], %parallel_loop3A_407 {strides = array<i32>} : memref<40x128xf32, #tpu.memory_space<vmem>>, vector<16xf32>,
        %parallel_loop3A_411 = arith.index_cast %parallel_loop3A_292 : i32 to index
        %parallel_loop3A_412 = arith.constant 112 : index
        %parallel_loop3A_413 = tpu.vector_load %arg19[%parallel_loop3A_411, %parallel_loop3A_412] {strides = array<i32>} : memref<40x128xf32, #tpu.memory_space<vmem>>, vector<16xf32>,
        %parallel_loop3A_414 = arith.mulf %parallel_loop3A_361, %parallel_loop3A_413 : vector<16xf32>
        %parallel_loop3A_415 = arith.index_cast %parallel_loop3A_292 : i32 to index
        %parallel_loop3A_416 = arith.constant 112 : index
        %parallel_loop3A_417 = tpu.vector_load %arg19[%parallel_loop3A_415, %parallel_loop3A_416] {strides = array<i32>} : memref<40x128xf32, #tpu.memory_space<vmem>>, vector<16xf32>,
        tpu.vector_store %arg19[%parallel_loop3A_415, %parallel_loop3A_416], %parallel_loop3A_414 {strides = array<i32>} : memref<40x128xf32, #tpu.memory_space<vmem>>, vector<16xf32>,
        %parallel_loop3A_418 = arith.index_cast %parallel_loop3A_292 : i32 to index
        %parallel_loop3A_419 = arith.constant 0 : index
        %parallel_loop3A_420 = tpu.vector_load %arg20[%parallel_loop3A_418, %parallel_loop3A_419] {strides = array<i32>} : memref<40x16xf32, #tpu.memory_space<vmem>>, vector<16xf32>,
        tpu.vector_store %arg20[%parallel_loop3A_418, %parallel_loop3A_419], %parallel_loop3A_361 {strides = array<i32>} : memref<40x16xf32, #tpu.memory_space<vmem>>, vector<16xf32>,
      } {sc.loop_unroll_factor = 4 : i64, sc.parallel_access}
      %scan3A_287 = arith.constant 0 : i32
      %scan3A_288 = arith.constant 40 : i32
      %scan3A_289 = arith.addi %scan3A_287, %scan3A_288 : i32
      %scan3A_290 = arith.constant 1 : i32
      scf.for %scan3A_292 = %scan3A_287 to %scan3A_289 step %scan3A_290  : i32 {
        %mul3A_293 = arith.constant 1 : i32
        %mul3A_294 = arith.muli %scan3A_292, %mul3A_293 : i32
        %add3A_295 = arith.constant 0 : i32
        %add3A_296 = arith.addi %add3A_295, %mul3A_294 : i32
        %get3A_297 = arith.index_cast %add3A_296 : i32 to index
        %get3A_298 = arith.constant 0 : index
        %get3A_299 = tpu.vector_load %arg20[%get3A_297, %get3A_298] {strides = array<i32>} : memref<40x16xf32, #tpu.memory_space<vmem>>, vector<16xf32>,
        %add3A_300 = arith.constant 40 : i32
        %add3A_301 = arith.addi %add3A_300, %add3A_296 : i32
        %get3A_302 = arith.index_cast %add3A_301 : i32 to index
        %get3A_303 = tpu.vector_load %arg9[%get3A_302] {strides = array<i32>} : memref<96xi32, #tpu.memory_space<vmem>>, vector<16xi32>,
        %slice3A = vector.extract_strided_slice %get3A_303 {offsets = [0], sizes = [1], strides = [1]} : vector<16xi32> to vector<1xi32>
        %squeeze3A = vector.extract %slice3A[0] : i32 from vector<1xi32>
        %get3A_304 = arith.index_cast %squeeze3A : i32 to index
        %get3A_305 = tpu.vector_load %arg21[%get3A_304] {strides = array<i32>} : memref<10016xf32, #tpu.memory_space<vmem>>, vector<16xf32>,
        %mul3A_306 = arith.mulf %get3A_299, %select_n3A : vector<16xf32>
        %add3A_307 = arith.addf %get3A_305, %mul3A_306 : vector<16xf32>
        %swap3A_308 = arith.index_cast %squeeze3A : i32 to index
        %swap3A_309 = tpu.vector_load %arg21[%swap3A_308] {strides = array<i32>} : memref<10016xf32, #tpu.memory_space<vmem>>, vector<16xf32>,
        tpu.vector_store %arg21[%swap3A_308], %add3A_307 {strides = array<i32>} : memref<10016xf32, #tpu.memory_space<vmem>>, vector<16xf32>,
      }
      %scan3A_291 = arith.constant 40 : i32
      "tpu.region"() ({
        %run_scoped3A = tpu.sem_alloc : memref<!tpu.dma_semaphore, #tpu.memory_space<semaphore_mem>>
        %dma_start3A_292 = arith.constant 0 : i32
        %dma_start3A_293 = arith.constant 0 : i32
        %dma_start3A_294 = tpu.memref_slice %arg22[%dma_start3A_292, %dma_start3A_293] : memref<10000x128xf32, #tpu.memory_space<vmem_shared>> -> memref<10000x128xf32, #tpu.memory_space<vmem_shared>>
        tpu.enqueue_indirect_dma source(%arg19 : memref<40x128xf32, #tpu.memory_space<vmem>>) target(%dma_start3A_294 : memref<10000x128xf32, #tpu.memory_space<vmem_shared>>) offsets(%arg13 : memref<40xi32, #tpu.memory_space<vmem>>) semaphore(%run_scoped3A : memref<!tpu.dma_semaphore, #tpu.memory_space<semaphore_mem>>) {add = true}
        %dma_wait3A_295 = arith.constant 0 : i32
        %dma_wait3A_296 = arith.constant 0 : i32
        %dma_wait3A_297 = tpu.memref_slice %arg22[%dma_wait3A_295, %dma_wait3A_296] : memref<10000x128xf32, #tpu.memory_space<vmem_shared>> -> memref<10000x128xf32, #tpu.memory_space<vmem_shared>>
        tpu.wait_indirect_dma semaphore(%run_scoped3A : memref<!tpu.dma_semaphore, #tpu.memory_space<semaphore_mem>>) src(%arg19 : memref<40x128xf32, #tpu.memory_space<vmem>>) dst(%dma_wait3A_297 : memref<10000x128xf32, #tpu.memory_space<vmem_shared>>)
        tpu.yield
      }) : () -> ()
    }
    %scan3A_113 = arith.constant 125 : i32
    "tpu.region"() ({
      %run_scoped3A = tpu.sem_alloc : memref<!tpu.dma_semaphore, #tpu.memory_space<semaphore_mem>>
      %dma_start3A_183 = arith.constant 0 : i32
      %dma_start3A_184 = tpu.memref_slice %arg7[%add3A, %dma_start3A_183] : memref<32x10016xf32, #tpu.memory_space<hbm>> -> memref<1x10016xf32, #tpu.memory_space<hbm>>
      %dma_start3A_185 = tpu.memref_squeeze %dma_start3A_184 : memref<1x10016xf32, #tpu.memory_space<hbm>> -> memref<10016xf32, #tpu.memory_space<hbm>>
      %dma_start3A_186 = arith.constant 0 : i32
      %dma_start3A_187 = tpu.memref_slice %arg7[%add3A, %dma_start3A_186] : memref<32x10016xf32, #tpu.memory_space<hbm>> -> memref<1x10016xf32, #tpu.memory_space<hbm>>
      %dma_start3A_188 = tpu.memref_squeeze %dma_start3A_187 : memref<1x10016xf32, #tpu.memory_space<hbm>> -> memref<10016xf32, #tpu.memory_space<hbm>>
      tpu.enqueue_dma source(%arg21 : memref<10016xf32, #tpu.memory_space<vmem>>) target(%dma_start3A_188 : memref<10016xf32, #tpu.memory_space<hbm>>) target_semaphore(%run_scoped3A : memref<!tpu.dma_semaphore, #tpu.memory_space<semaphore_mem>>)
      %dma_wait3A = arith.constant 0 : i32
      %dma_wait3A_189 = tpu.memref_slice %arg7[%add3A, %dma_wait3A] : memref<32x10016xf32, #tpu.memory_space<hbm>> -> memref<1x10016xf32, #tpu.memory_space<hbm>>
      %dma_wait3A_190 = tpu.memref_squeeze %dma_wait3A_189 : memref<1x10016xf32, #tpu.memory_space<hbm>> -> memref<10016xf32, #tpu.memory_space<hbm>>
      %dma_wait3A_191 = arith.constant 0 : i32
      %dma_wait3A_192 = tpu.memref_slice %arg7[%add3A, %dma_wait3A_191] : memref<32x10016xf32, #tpu.memory_space<hbm>> -> memref<1x10016xf32, #tpu.memory_space<hbm>>
      %dma_wait3A_193 = tpu.memref_squeeze %dma_wait3A_192 : memref<1x10016xf32, #tpu.memory_space<hbm>> -> memref<10016xf32, #tpu.memory_space<hbm>>
      tpu.wait_dma2 semaphore(%run_scoped3A : memref<!tpu.dma_semaphore, #tpu.memory_space<semaphore_mem>>) src(%arg21 : memref<10016xf32, #tpu.memory_space<vmem>>) dst(%dma_wait3A_193 : memref<10016xf32, #tpu.memory_space<hbm>>)
      tpu.yield
    }) : () -> ()
    %barrier3A_114 = arith.constant 0 : index
    tpu.barrier barrier_id(%barrier3A_114)
    %add3A_115 = arith.constant 0 : i32
    %add3A_116 = arith.addi %mul3A_16, %add3A_115 : i32
    %add3A_117 = arith.constant 0 : i32
    %add3A_118 = arith.addi %mul3A_16, %add3A_117 : i32
    "tpu.region"() ({
      %run_scoped3A = tpu.sem_alloc : memref<!tpu.dma_semaphore, #tpu.memory_space<semaphore_mem>>
      %dma_start3A_183 = arith.constant 0 : i32
      %dma_start3A_184 = tpu.memref_slice %arg6[%arg0, %add3A_118, %dma_start3A_183] : memref<2x10000x128xf32, #tpu.memory_space<hbm>> -> memref<1x40x128xf32, #tpu.memory_space<hbm>>
      %dma_start3A_185 = tpu.memref_squeeze %dma_start3A_184 : memref<1x40x128xf32, #tpu.memory_space<hbm>> -> memref<40x128xf32, #tpu.memory_space<hbm>>
      %dma_start3A_186 = arith.constant 0 : i32
      %dma_start3A_187 = tpu.memref_slice %arg22[%add3A_116, %dma_start3A_186] : memref<10000x128xf32, #tpu.memory_space<vmem_shared>> -> memref<40x128xf32, #tpu.memory_space<vmem_shared>>
      tpu.enqueue_dma source(%dma_start3A_187 : memref<40x128xf32, #tpu.memory_space<vmem_shared>>) target(%dma_start3A_185 : memref<40x128xf32, #tpu.memory_space<hbm>>) target_semaphore(%run_scoped3A : memref<!tpu.dma_semaphore, #tpu.memory_space<semaphore_mem>>)
      %dma_wait3A = arith.constant 0 : i32
      %dma_wait3A_188 = tpu.memref_slice %arg6[%arg0, %add3A_118, %dma_wait3A] : memref<2x10000x128xf32, #tpu.memory_space<hbm>> -> memref<1x40x128xf32, #tpu.memory_space<hbm>>
      %dma_wait3A_189 = tpu.memref_squeeze %dma_wait3A_188 : memref<1x40x128xf32, #tpu.memory_space<hbm>> -> memref<40x128xf32, #tpu.memory_space<hbm>>
      %dma_wait3A_190 = arith.constant 0 : i32
      %dma_wait3A_191 = tpu.memref_slice %arg22[%add3A_116, %dma_wait3A_190] : memref<10000x128xf32, #tpu.memory_space<vmem_shared>> -> memref<40x128xf32, #tpu.memory_space<vmem_shared>>
      tpu.wait_dma2 semaphore(%run_scoped3A : memref<!tpu.dma_semaphore, #tpu.memory_space<semaphore_mem>>) src(%dma_wait3A_191 : memref<40x128xf32, #tpu.memory_space<vmem_shared>>) dst(%dma_wait3A_189 : memref<40x128xf32, #tpu.memory_space<hbm>>)
      tpu.yield
    }) : () -> ()
    %add3A_119 = arith.constant 40 : i32
    %add3A_120 = arith.addi %mul3A_16, %add3A_119 : i32
    %add3A_121 = arith.constant 40 : i32
    %add3A_122 = arith.addi %mul3A_16, %add3A_121 : i32
    "tpu.region"() ({
      %run_scoped3A = tpu.sem_alloc : memref<!tpu.dma_semaphore, #tpu.memory_space<semaphore_mem>>
      %dma_start3A_183 = arith.constant 0 : i32
      %dma_start3A_184 = tpu.memref_slice %arg6[%arg0, %add3A_122, %dma_start3A_183] : memref<2x10000x128xf32, #tpu.memory_space<hbm>> -> memref<1x40x128xf32, #tpu.memory_space<hbm>>
      %dma_start3A_185 = tpu.memref_squeeze %dma_start3A_184 : memref<1x40x128xf32, #tpu.memory_space<hbm>> -> memref<40x128xf32, #tpu.memory_space<hbm>>
      %dma_start3A_186 = arith.constant 0 : i32
      %dma_start3A_187 = tpu.memref_slice %arg22[%add3A_120, %dma_start3A_186] : memref<10000x128xf32, #tpu.memory_space<vmem_shared>> -> memref<40x128xf32, #tpu.memory_space<vmem_shared>>
      tpu.enqueue_dma source(%dma_start3A_187 : memref<40x128xf32, #tpu.memory_space<vmem_shared>>) target(%dma_start3A_185 : memref<40x128xf32, #tpu.memory_space<hbm>>) target_semaphore(%run_scoped3A : memref<!tpu.dma_semaphore, #tpu.memory_space<semaphore_mem>>)
      %dma_wait3A = arith.constant 0 : i32
      %dma_wait3A_188 = tpu.memref_slice %arg6[%arg0, %add3A_122, %dma_wait3A] : memref<2x10000x128xf32, #tpu.memory_space<hbm>> -> memref<1x40x128xf32, #tpu.memory_space<hbm>>
      %dma_wait3A_189 = tpu.memref_squeeze %dma_wait3A_188 : memref<1x40x128xf32, #tpu.memory_space<hbm>> -> memref<40x128xf32, #tpu.memory_space<hbm>>
      %dma_wait3A_190 = arith.constant 0 : i32
      %dma_wait3A_191 = tpu.memref_slice %arg22[%add3A_120, %dma_wait3A_190] : memref<10000x128xf32, #tpu.memory_space<vmem_shared>> -> memref<40x128xf32, #tpu.memory_space<vmem_shared>>
      tpu.wait_dma2 semaphore(%run_scoped3A : memref<!tpu.dma_semaphore, #tpu.memory_space<semaphore_mem>>) src(%dma_wait3A_191 : memref<40x128xf32, #tpu.memory_space<vmem_shared>>) dst(%dma_wait3A_189 : memref<40x128xf32, #tpu.memory_space<hbm>>)
      tpu.yield
    }) : () -> ()
    %add3A_123 = arith.constant 80 : i32
    %add3A_124 = arith.addi %mul3A_16, %add3A_123 : i32
    %add3A_125 = arith.constant 80 : i32
    %add3A_126 = arith.addi %mul3A_16, %add3A_125 : i32
    "tpu.region"() ({
      %run_scoped3A = tpu.sem_alloc : memref<!tpu.dma_semaphore, #tpu.memory_space<semaphore_mem>>
      %dma_start3A_183 = arith.constant 0 : i32
      %dma_start3A_184 = tpu.memref_slice %arg6[%arg0, %add3A_126, %dma_start3A_183] : memref<2x10000x128xf32, #tpu.memory_space<hbm>> -> memref<1x40x128xf32, #tpu.memory_space<hbm>>
      %dma_start3A_185 = tpu.memref_squeeze %dma_start3A_184 : memref<1x40x128xf32, #tpu.memory_space<hbm>> -> memref<40x128xf32, #tpu.memory_space<hbm>>
      %dma_start3A_186 = arith.constant 0 : i32
      %dma_start3A_187 = tpu.memref_slice %arg22[%add3A_124, %dma_start3A_186] : memref<10000x128xf32, #tpu.memory_space<vmem_shared>> -> memref<40x128xf32, #tpu.memory_space<vmem_shared>>
      tpu.enqueue_dma source(%dma_start3A_187 : memref<40x128xf32, #tpu.memory_space<vmem_shared>>) target(%dma_start3A_185 : memref<40x128xf32, #tpu.memory_space<hbm>>) target_semaphore(%run_scoped3A : memref<!tpu.dma_semaphore, #tpu.memory_space<semaphore_mem>>)
      %dma_wait3A = arith.constant 0 : i32
      %dma_wait3A_188 = tpu.memref_slice %arg6[%arg0, %add3A_126, %dma_wait3A] : memref<2x10000x128xf32, #tpu.memory_space<hbm>> -> memref<1x40x128xf32, #tpu.memory_space<hbm>>
      %dma_wait3A_189 = tpu.memref_squeeze %dma_wait3A_188 : memref<1x40x128xf32, #tpu.memory_space<hbm>> -> memref<40x128xf32, #tpu.memory_space<hbm>>
      %dma_wait3A_190 = arith.constant 0 : i32
      %dma_wait3A_191 = tpu.memref_slice %arg22[%add3A_124, %dma_wait3A_190] : memref<10000x128xf32, #tpu.memory_space<vmem_shared>> -> memref<40x128xf32, #tpu.memory_space<vmem_shared>>
      tpu.wait_dma2 semaphore(%run_scoped3A : memref<!tpu.dma_semaphore, #tpu.memory_space<semaphore_mem>>) src(%dma_wait3A_191 : memref<40x128xf32, #tpu.memory_space<vmem_shared>>) dst(%dma_wait3A_189 : memref<40x128xf32, #tpu.memory_space<hbm>>)
      tpu.yield
    }) : () -> ()
    %add3A_127 = arith.constant 120 : i32
    %add3A_128 = arith.addi %mul3A_16, %add3A_127 : i32
    %add3A_129 = arith.constant 120 : i32
    %add3A_130 = arith.addi %mul3A_16, %add3A_129 : i32
    "tpu.region"() ({
      %run_scoped3A = tpu.sem_alloc : memref<!tpu.dma_semaphore, #tpu.memory_space<semaphore_mem>>
      %dma_start3A_183 = arith.constant 0 : i32
      %dma_start3A_184 = tpu.memref_slice %arg6[%arg0, %add3A_130, %dma_start3A_183] : memref<2x10000x128xf32, #tpu.memory_space<hbm>> -> memref<1x40x128xf32, #tpu.memory_space<hbm>>
      %dma_start3A_185 = tpu.memref_squeeze %dma_start3A_184 : memref<1x40x128xf32, #tpu.memory_space<hbm>> -> memref<40x128xf32, #tpu.memory_space<hbm>>
      %dma_start3A_186 = arith.constant 0 : i32
      %dma_start3A_187 = tpu.memref_slice %arg22[%add3A_128, %dma_start3A_186] : memref<10000x128xf32, #tpu.memory_space<vmem_shared>> -> memref<40x128xf32, #tpu.memory_space<vmem_shared>>
      tpu.enqueue_dma source(%dma_start3A_187 : memref<40x128xf32, #tpu.memory_space<vmem_shared>>) target(%dma_start3A_185 : memref<40x128xf32, #tpu.memory_space<hbm>>) target_semaphore(%run_scoped3A : memref<!tpu.dma_semaphore, #tpu.memory_space<semaphore_mem>>)
      %dma_wait3A = arith.constant 0 : i32
      %dma_wait3A_188 = tpu.memref_slice %arg6[%arg0, %add3A_130, %dma_wait3A] : memref<2x10000x128xf32, #tpu.memory_space<hbm>> -> memref<1x40x128xf32, #tpu.memory_space<hbm>>
      %dma_wait3A_189 = tpu.memref_squeeze %dma_wait3A_188 : memref<1x40x128xf32, #tpu.memory_space<hbm>> -> memref<40x128xf32, #tpu.memory_space<hbm>>
      %dma_wait3A_190 = arith.constant 0 : i32
      %dma_wait3A_191 = tpu.memref_slice %arg22[%add3A_128, %dma_wait3A_190] : memref<10000x128xf32, #tpu.memory_space<vmem_shared>> -> memref<40x128xf32, #tpu.memory_space<vmem_shared>>
      tpu.wait_dma2 semaphore(%run_scoped3A : memref<!tpu.dma_semaphore, #tpu.memory_space<semaphore_mem>>) src(%dma_wait3A_191 : memref<40x128xf32, #tpu.memory_space<vmem_shared>>) dst(%dma_wait3A_189 : memref<40x128xf32, #tpu.memory_space<hbm>>)
      tpu.yield
    }) : () -> ()
    %add3A_131 = arith.constant 160 : i32
    %add3A_132 = arith.addi %mul3A_16, %add3A_131 : i32
    %add3A_133 = arith.constant 160 : i32
    %add3A_134 = arith.addi %mul3A_16, %add3A_133 : i32
    "tpu.region"() ({
      %run_scoped3A = tpu.sem_alloc : memref<!tpu.dma_semaphore, #tpu.memory_space<semaphore_mem>>
      %dma_start3A_183 = arith.constant 0 : i32
      %dma_start3A_184 = tpu.memref_slice %arg6[%arg0, %add3A_134, %dma_start3A_183] : memref<2x10000x128xf32, #tpu.memory_space<hbm>> -> memref<1x40x128xf32, #tpu.memory_space<hbm>>
      %dma_start3A_185 = tpu.memref_squeeze %dma_start3A_184 : memref<1x40x128xf32, #tpu.memory_space<hbm>> -> memref<40x128xf32, #tpu.memory_space<hbm>>
      %dma_start3A_186 = arith.constant 0 : i32
      %dma_start3A_187 = tpu.memref_slice %arg22[%add3A_132, %dma_start3A_186] : memref<10000x128xf32, #tpu.memory_space<vmem_shared>> -> memref<40x128xf32, #tpu.memory_space<vmem_shared>>
      tpu.enqueue_dma source(%dma_start3A_187 : memref<40x128xf32, #tpu.memory_space<vmem_shared>>) target(%dma_start3A_185 : memref<40x128xf32, #tpu.memory_space<hbm>>) target_semaphore(%run_scoped3A : memref<!tpu.dma_semaphore, #tpu.memory_space<semaphore_mem>>)
      %dma_wait3A = arith.constant 0 : i32
      %dma_wait3A_188 = tpu.memref_slice %arg6[%arg0, %add3A_134, %dma_wait3A] : memref<2x10000x128xf32, #tpu.memory_space<hbm>> -> memref<1x40x128xf32, #tpu.memory_space<hbm>>
      %dma_wait3A_189 = tpu.memref_squeeze %dma_wait3A_188 : memref<1x40x128xf32, #tpu.memory_space<hbm>> -> memref<40x128xf32, #tpu.memory_space<hbm>>
      %dma_wait3A_190 = arith.constant 0 : i32
      %dma_wait3A_191 = tpu.memref_slice %arg22[%add3A_132, %dma_wait3A_190] : memref<10000x128xf32, #tpu.memory_space<vmem_shared>> -> memref<40x128xf32, #tpu.memory_space<vmem_shared>>
      tpu.wait_dma2 semaphore(%run_scoped3A : memref<!tpu.dma_semaphore, #tpu.memory_space<semaphore_mem>>) src(%dma_wait3A_191 : memref<40x128xf32, #tpu.memory_space<vmem_shared>>) dst(%dma_wait3A_189 : memref<40x128xf32, #tpu.memory_space<hbm>>)
      tpu.yield
    }) : () -> ()
    %add3A_135 = arith.constant 200 : i32
    %add3A_136 = arith.addi %mul3A_16, %add3A_135 : i32
    %add3A_137 = arith.constant 200 : i32
    %add3A_138 = arith.addi %mul3A_16, %add3A_137 : i32
    "tpu.region"() ({
      %run_scoped3A = tpu.sem_alloc : memref<!tpu.dma_semaphore, #tpu.memory_space<semaphore_mem>>
      %dma_start3A_183 = arith.constant 0 : i32
      %dma_start3A_184 = tpu.memref_slice %arg6[%arg0, %add3A_138, %dma_start3A_183] : memref<2x10000x128xf32, #tpu.memory_space<hbm>> -> memref<1x40x128xf32, #tpu.memory_space<hbm>>
      %dma_start3A_185 = tpu.memref_squeeze %dma_start3A_184 : memref<1x40x128xf32, #tpu.memory_space<hbm>> -> memref<40x128xf32, #tpu.memory_space<hbm>>
      %dma_start3A_186 = arith.constant 0 : i32
      %dma_start3A_187 = tpu.memref_slice %arg22[%add3A_136, %dma_start3A_186] : memref<10000x128xf32, #tpu.memory_space<vmem_shared>> -> memref<40x128xf32, #tpu.memory_space<vmem_shared>>
      tpu.enqueue_dma source(%dma_start3A_187 : memref<40x128xf32, #tpu.memory_space<vmem_shared>>) target(%dma_start3A_185 : memref<40x128xf32, #tpu.memory_space<hbm>>) target_semaphore(%run_scoped3A : memref<!tpu.dma_semaphore, #tpu.memory_space<semaphore_mem>>)
      %dma_wait3A = arith.constant 0 : i32
      %dma_wait3A_188 = tpu.memref_slice %arg6[%arg0, %add3A_138, %dma_wait3A] : memref<2x10000x128xf32, #tpu.memory_space<hbm>> -> memref<1x40x128xf32, #tpu.memory_space<hbm>>
      %dma_wait3A_189 = tpu.memref_squeeze %dma_wait3A_188 : memref<1x40x128xf32, #tpu.memory_space<hbm>> -> memref<40x128xf32, #tpu.memory_space<hbm>>
      %dma_wait3A_190 = arith.constant 0 : i32
      %dma_wait3A_191 = tpu.memref_slice %arg22[%add3A_136, %dma_wait3A_190] : memref<10000x128xf32, #tpu.memory_space<vmem_shared>> -> memref<40x128xf32, #tpu.memory_space<vmem_shared>>
      tpu.wait_dma2 semaphore(%run_scoped3A : memref<!tpu.dma_semaphore, #tpu.memory_space<semaphore_mem>>) src(%dma_wait3A_191 : memref<40x128xf32, #tpu.memory_space<vmem_shared>>) dst(%dma_wait3A_189 : memref<40x128xf32, #tpu.memory_space<hbm>>)
      tpu.yield
    }) : () -> ()
    %add3A_139 = arith.constant 240 : i32
    %add3A_140 = arith.addi %mul3A_16, %add3A_139 : i32
    %add3A_141 = arith.constant 240 : i32
    %add3A_142 = arith.addi %mul3A_16, %add3A_141 : i32
    "tpu.region"() ({
      %run_scoped3A = tpu.sem_alloc : memref<!tpu.dma_semaphore, #tpu.memory_space<semaphore_mem>>
      %dma_start3A_183 = arith.constant 0 : i32
      %dma_start3A_184 = tpu.memref_slice %arg6[%arg0, %add3A_142, %dma_start3A_183] : memref<2x10000x128xf32, #tpu.memory_space<hbm>> -> memref<1x40x128xf32, #tpu.memory_space<hbm>>
      %dma_start3A_185 = tpu.memref_squeeze %dma_start3A_184 : memref<1x40x128xf32, #tpu.memory_space<hbm>> -> memref<40x128xf32, #tpu.memory_space<hbm>>
      %dma_start3A_186 = arith.constant 0 : i32
      %dma_start3A_187 = tpu.memref_slice %arg22[%add3A_140, %dma_start3A_186] : memref<10000x128xf32, #tpu.memory_space<vmem_shared>> -> memref<40x128xf32, #tpu.memory_space<vmem_shared>>
      tpu.enqueue_dma source(%dma_start3A_187 : memref<40x128xf32, #tpu.memory_space<vmem_shared>>) target(%dma_start3A_185 : memref<40x128xf32, #tpu.memory_space<hbm>>) target_semaphore(%run_scoped3A : memref<!tpu.dma_semaphore, #tpu.memory_space<semaphore_mem>>)
      %dma_wait3A = arith.constant 0 : i32
      %dma_wait3A_188 = tpu.memref_slice %arg6[%arg0, %add3A_142, %dma_wait3A] : memref<2x10000x128xf32, #tpu.memory_space<hbm>> -> memref<1x40x128xf32, #tpu.memory_space<hbm>>
      %dma_wait3A_189 = tpu.memref_squeeze %dma_wait3A_188 : memref<1x40x128xf32, #tpu.memory_space<hbm>> -> memref<40x128xf32, #tpu.memory_space<hbm>>
      %dma_wait3A_190 = arith.constant 0 : i32
      %dma_wait3A_191 = tpu.memref_slice %arg22[%add3A_140, %dma_wait3A_190] : memref<10000x128xf32, #tpu.memory_space<vmem_shared>> -> memref<40x128xf32, #tpu.memory_space<vmem_shared>>
      tpu.wait_dma2 semaphore(%run_scoped3A : memref<!tpu.dma_semaphore, #tpu.memory_space<semaphore_mem>>) src(%dma_wait3A_191 : memref<40x128xf32, #tpu.memory_space<vmem_shared>>) dst(%dma_wait3A_189 : memref<40x128xf32, #tpu.memory_space<hbm>>)
      tpu.yield
    }) : () -> ()
    %add3A_143 = arith.constant 280 : i32
    %add3A_144 = arith.addi %mul3A_16, %add3A_143 : i32
    %add3A_145 = arith.constant 280 : i32
    %add3A_146 = arith.addi %mul3A_16, %add3A_145 : i32
    "tpu.region"() ({
      %run_scoped3A = tpu.sem_alloc : memref<!tpu.dma_semaphore, #tpu.memory_space<semaphore_mem>>
      %dma_start3A_183 = arith.constant 0 : i32
      %dma_start3A_184 = tpu.memref_slice %arg6[%arg0, %add3A_146, %dma_start3A_183] : memref<2x10000x128xf32, #tpu.memory_space<hbm>> -> memref<1x40x128xf32, #tpu.memory_space<hbm>>
      %dma_start3A_185 = tpu.memref_squeeze %dma_start3A_184 : memref<1x40x128xf32, #tpu.memory_space<hbm>> -> memref<40x128xf32, #tpu.memory_space<hbm>>
      %dma_start3A_186 = arith.constant 0 : i32
      %dma_start3A_187 = tpu.memref_slice %arg22[%add3A_144, %dma_start3A_186] : memref<10000x128xf32, #tpu.memory_space<vmem_shared>> -> memref<40x128xf32, #tpu.memory_space<vmem_shared>>
      tpu.enqueue_dma source(%dma_start3A_187 : memref<40x128xf32, #tpu.memory_space<vmem_shared>>) target(%dma_start3A_185 : memref<40x128xf32, #tpu.memory_space<hbm>>) target_semaphore(%run_scoped3A : memref<!tpu.dma_semaphore, #tpu.memory_space<semaphore_mem>>)
      %dma_wait3A = arith.constant 0 : i32
      %dma_wait3A_188 = tpu.memref_slice %arg6[%arg0, %add3A_146, %dma_wait3A] : memref<2x10000x128xf32, #tpu.memory_space<hbm>> -> memref<1x40x128xf32, #tpu.memory_space<hbm>>
      %dma_wait3A_189 = tpu.memref_squeeze %dma_wait3A_188 : memref<1x40x128xf32, #tpu.memory_space<hbm>> -> memref<40x128xf32, #tpu.memory_space<hbm>>
      %dma_wait3A_190 = arith.constant 0 : i32
      %dma_wait3A_191 = tpu.memref_slice %arg22[%add3A_144, %dma_wait3A_190] : memref<10000x128xf32, #tpu.memory_space<vmem_shared>> -> memref<40x128xf32, #tpu.memory_space<vmem_shared>>
      tpu.wait_dma2 semaphore(%run_scoped3A : memref<!tpu.dma_semaphore, #tpu.memory_space<semaphore_mem>>) src(%dma_wait3A_191 : memref<40x128xf32, #tpu.memory_space<vmem_shared>>) dst(%dma_wait3A_189 : memref<40x128xf32, #tpu.memory_space<hbm>>)
      tpu.yield
    }) : () -> ()
    %add3A_147 = arith.constant 320 : i32
    %add3A_148 = arith.addi %mul3A_16, %add3A_147 : i32
    %add3A_149 = arith.constant 320 : i32
    %add3A_150 = arith.addi %mul3A_16, %add3A_149 : i32
    "tpu.region"() ({
      %run_scoped3A = tpu.sem_alloc : memref<!tpu.dma_semaphore, #tpu.memory_space<semaphore_mem>>
      %dma_start3A_183 = arith.constant 0 : i32
      %dma_start3A_184 = tpu.memref_slice %arg6[%arg0, %add3A_150, %dma_start3A_183] : memref<2x10000x128xf32, #tpu.memory_space<hbm>> -> memref<1x40x128xf32, #tpu.memory_space<hbm>>
      %dma_start3A_185 = tpu.memref_squeeze %dma_start3A_184 : memref<1x40x128xf32, #tpu.memory_space<hbm>> -> memref<40x128xf32, #tpu.memory_space<hbm>>
      %dma_start3A_186 = arith.constant 0 : i32
      %dma_start3A_187 = tpu.memref_slice %arg22[%add3A_148, %dma_start3A_186] : memref<10000x128xf32, #tpu.memory_space<vmem_shared>> -> memref<40x128xf32, #tpu.memory_space<vmem_shared>>
      tpu.enqueue_dma source(%dma_start3A_187 : memref<40x128xf32, #tpu.memory_space<vmem_shared>>) target(%dma_start3A_185 : memref<40x128xf32, #tpu.memory_space<hbm>>) target_semaphore(%run_scoped3A : memref<!tpu.dma_semaphore, #tpu.memory_space<semaphore_mem>>)
      %dma_wait3A = arith.constant 0 : i32
      %dma_wait3A_188 = tpu.memref_slice %arg6[%arg0, %add3A_150, %dma_wait3A] : memref<2x10000x128xf32, #tpu.memory_space<hbm>> -> memref<1x40x128xf32, #tpu.memory_space<hbm>>
      %dma_wait3A_189 = tpu.memref_squeeze %dma_wait3A_188 : memref<1x40x128xf32, #tpu.memory_space<hbm>> -> memref<40x128xf32, #tpu.memory_space<hbm>>
      %dma_wait3A_190 = arith.constant 0 : i32
      %dma_wait3A_191 = tpu.memref_slice %arg22[%add3A_148, %dma_wait3A_190] : memref<10000x128xf32, #tpu.memory_space<vmem_shared>> -> memref<40x128xf32, #tpu.memory_space<vmem_shared>>
      tpu.wait_dma2 semaphore(%run_scoped3A : memref<!tpu.dma_semaphore, #tpu.memory_space<semaphore_mem>>) src(%dma_wait3A_191 : memref<40x128xf32, #tpu.memory_space<vmem_shared>>) dst(%dma_wait3A_189 : memref<40x128xf32, #tpu.memory_space<hbm>>)
      tpu.yield
    }) : () -> ()
    %add3A_151 = arith.constant 360 : i32
    %add3A_152 = arith.addi %mul3A_16, %add3A_151 : i32
    %add3A_153 = arith.constant 360 : i32
    %add3A_154 = arith.addi %mul3A_16, %add3A_153 : i32
    "tpu.region"() ({
      %run_scoped3A = tpu.sem_alloc : memref<!tpu.dma_semaphore, #tpu.memory_space<semaphore_mem>>
      %dma_start3A_183 = arith.constant 0 : i32
      %dma_start3A_184 = tpu.memref_slice %arg6[%arg0, %add3A_154, %dma_start3A_183] : memref<2x10000x128xf32, #tpu.memory_space<hbm>> -> memref<1x40x128xf32, #tpu.memory_space<hbm>>
      %dma_start3A_185 = tpu.memref_squeeze %dma_start3A_184 : memref<1x40x128xf32, #tpu.memory_space<hbm>> -> memref<40x128xf32, #tpu.memory_space<hbm>>
      %dma_start3A_186 = arith.constant 0 : i32
      %dma_start3A_187 = tpu.memref_slice %arg22[%add3A_152, %dma_start3A_186] : memref<10000x128xf32, #tpu.memory_space<vmem_shared>> -> memref<40x128xf32, #tpu.memory_space<vmem_shared>>
      tpu.enqueue_dma source(%dma_start3A_187 : memref<40x128xf32, #tpu.memory_space<vmem_shared>>) target(%dma_start3A_185 : memref<40x128xf32, #tpu.memory_space<hbm>>) target_semaphore(%run_scoped3A : memref<!tpu.dma_semaphore, #tpu.memory_space<semaphore_mem>>)
      %dma_wait3A = arith.constant 0 : i32
      %dma_wait3A_188 = tpu.memref_slice %arg6[%arg0, %add3A_154, %dma_wait3A] : memref<2x10000x128xf32, #tpu.memory_space<hbm>> -> memref<1x40x128xf32, #tpu.memory_space<hbm>>
      %dma_wait3A_189 = tpu.memref_squeeze %dma_wait3A_188 : memref<1x40x128xf32, #tpu.memory_space<hbm>> -> memref<40x128xf32, #tpu.memory_space<hbm>>
      %dma_wait3A_190 = arith.constant 0 : i32
      %dma_wait3A_191 = tpu.memref_slice %arg22[%add3A_152, %dma_wait3A_190] : memref<10000x128xf32, #tpu.memory_space<vmem_shared>> -> memref<40x128xf32, #tpu.memory_space<vmem_shared>>
      tpu.wait_dma2 semaphore(%run_scoped3A : memref<!tpu.dma_semaphore, #tpu.memory_space<semaphore_mem>>) src(%dma_wait3A_191 : memref<40x128xf32, #tpu.memory_space<vmem_shared>>) dst(%dma_wait3A_189 : memref<40x128xf32, #tpu.memory_space<hbm>>)
      tpu.yield
    }) : () -> ()
    %add3A_155 = arith.constant 400 : i32
    %add3A_156 = arith.addi %mul3A_16, %add3A_155 : i32
    %add3A_157 = arith.constant 400 : i32
    %add3A_158 = arith.addi %mul3A_16, %add3A_157 : i32
    "tpu.region"() ({
      %run_scoped3A = tpu.sem_alloc : memref<!tpu.dma_semaphore, #tpu.memory_space<semaphore_mem>>
      %dma_start3A_183 = arith.constant 0 : i32
      %dma_start3A_184 = tpu.memref_slice %arg6[%arg0, %add3A_158, %dma_start3A_183] : memref<2x10000x128xf32, #tpu.memory_space<hbm>> -> memref<1x40x128xf32, #tpu.memory_space<hbm>>
      %dma_start3A_185 = tpu.memref_squeeze %dma_start3A_184 : memref<1x40x128xf32, #tpu.memory_space<hbm>> -> memref<40x128xf32, #tpu.memory_space<hbm>>
      %dma_start3A_186 = arith.constant 0 : i32
      %dma_start3A_187 = tpu.memref_slice %arg22[%add3A_156, %dma_start3A_186] : memref<10000x128xf32, #tpu.memory_space<vmem_shared>> -> memref<40x128xf32, #tpu.memory_space<vmem_shared>>
      tpu.enqueue_dma source(%dma_start3A_187 : memref<40x128xf32, #tpu.memory_space<vmem_shared>>) target(%dma_start3A_185 : memref<40x128xf32, #tpu.memory_space<hbm>>) target_semaphore(%run_scoped3A : memref<!tpu.dma_semaphore, #tpu.memory_space<semaphore_mem>>)
      %dma_wait3A = arith.constant 0 : i32
      %dma_wait3A_188 = tpu.memref_slice %arg6[%arg0, %add3A_158, %dma_wait3A] : memref<2x10000x128xf32, #tpu.memory_space<hbm>> -> memref<1x40x128xf32, #tpu.memory_space<hbm>>
      %dma_wait3A_189 = tpu.memref_squeeze %dma_wait3A_188 : memref<1x40x128xf32, #tpu.memory_space<hbm>> -> memref<40x128xf32, #tpu.memory_space<hbm>>
      %dma_wait3A_190 = arith.constant 0 : i32
      %dma_wait3A_191 = tpu.memref_slice %arg22[%add3A_156, %dma_wait3A_190] : memref<10000x128xf32, #tpu.memory_space<vmem_shared>> -> memref<40x128xf32, #tpu.memory_space<vmem_shared>>
      tpu.wait_dma2 semaphore(%run_scoped3A : memref<!tpu.dma_semaphore, #tpu.memory_space<semaphore_mem>>) src(%dma_wait3A_191 : memref<40x128xf32, #tpu.memory_space<vmem_shared>>) dst(%dma_wait3A_189 : memref<40x128xf32, #tpu.memory_space<hbm>>)
      tpu.yield
    }) : () -> ()
    %add3A_159 = arith.constant 440 : i32
    %add3A_160 = arith.addi %mul3A_16, %add3A_159 : i32
    %add3A_161 = arith.constant 440 : i32
    %add3A_162 = arith.addi %mul3A_16, %add3A_161 : i32
    "tpu.region"() ({
      %run_scoped3A = tpu.sem_alloc : memref<!tpu.dma_semaphore, #tpu.memory_space<semaphore_mem>>
      %dma_start3A_183 = arith.constant 0 : i32
      %dma_start3A_184 = tpu.memref_slice %arg6[%arg0, %add3A_162, %dma_start3A_183] : memref<2x10000x128xf32, #tpu.memory_space<hbm>> -> memref<1x40x128xf32, #tpu.memory_space<hbm>>
      %dma_start3A_185 = tpu.memref_squeeze %dma_start3A_184 : memref<1x40x128xf32, #tpu.memory_space<hbm>> -> memref<40x128xf32, #tpu.memory_space<hbm>>
      %dma_start3A_186 = arith.constant 0 : i32
      %dma_start3A_187 = tpu.memref_slice %arg22[%add3A_160, %dma_start3A_186] : memref<10000x128xf32, #tpu.memory_space<vmem_shared>> -> memref<40x128xf32, #tpu.memory_space<vmem_shared>>
      tpu.enqueue_dma source(%dma_start3A_187 : memref<40x128xf32, #tpu.memory_space<vmem_shared>>) target(%dma_start3A_185 : memref<40x128xf32, #tpu.memory_space<hbm>>) target_semaphore(%run_scoped3A : memref<!tpu.dma_semaphore, #tpu.memory_space<semaphore_mem>>)
      %dma_wait3A = arith.constant 0 : i32
      %dma_wait3A_188 = tpu.memref_slice %arg6[%arg0, %add3A_162, %dma_wait3A] : memref<2x10000x128xf32, #tpu.memory_space<hbm>> -> memref<1x40x128xf32, #tpu.memory_space<hbm>>
      %dma_wait3A_189 = tpu.memref_squeeze %dma_wait3A_188 : memref<1x40x128xf32, #tpu.memory_space<hbm>> -> memref<40x128xf32, #tpu.memory_space<hbm>>
      %dma_wait3A_190 = arith.constant 0 : i32
      %dma_wait3A_191 = tpu.memref_slice %arg22[%add3A_160, %dma_wait3A_190] : memref<10000x128xf32, #tpu.memory_space<vmem_shared>> -> memref<40x128xf32, #tpu.memory_space<vmem_shared>>
      tpu.wait_dma2 semaphore(%run_scoped3A : memref<!tpu.dma_semaphore, #tpu.memory_space<semaphore_mem>>) src(%dma_wait3A_191 : memref<40x128xf32, #tpu.memory_space<vmem_shared>>) dst(%dma_wait3A_189 : memref<40x128xf32, #tpu.memory_space<hbm>>)
      tpu.yield
    }) : () -> ()
    %add3A_163 = arith.constant 480 : i32
    %add3A_164 = arith.addi %mul3A_16, %add3A_163 : i32
    %add3A_165 = arith.constant 480 : i32
    %add3A_166 = arith.addi %mul3A_16, %add3A_165 : i32
    "tpu.region"() ({
      %run_scoped3A = tpu.sem_alloc : memref<!tpu.dma_semaphore, #tpu.memory_space<semaphore_mem>>
      %dma_start3A_183 = arith.constant 0 : i32
      %dma_start3A_184 = tpu.memref_slice %arg6[%arg0, %add3A_166, %dma_start3A_183] : memref<2x10000x128xf32, #tpu.memory_space<hbm>> -> memref<1x40x128xf32, #tpu.memory_space<hbm>>
      %dma_start3A_185 = tpu.memref_squeeze %dma_start3A_184 : memref<1x40x128xf32, #tpu.memory_space<hbm>> -> memref<40x128xf32, #tpu.memory_space<hbm>>
      %dma_start3A_186 = arith.constant 0 : i32
      %dma_start3A_187 = tpu.memref_slice %arg22[%add3A_164, %dma_start3A_186] : memref<10000x128xf32, #tpu.memory_space<vmem_shared>> -> memref<40x128xf32, #tpu.memory_space<vmem_shared>>
      tpu.enqueue_dma source(%dma_start3A_187 : memref<40x128xf32, #tpu.memory_space<vmem_shared>>) target(%dma_start3A_185 : memref<40x128xf32, #tpu.memory_space<hbm>>) target_semaphore(%run_scoped3A : memref<!tpu.dma_semaphore, #tpu.memory_space<semaphore_mem>>)
      %dma_wait3A = arith.constant 0 : i32
      %dma_wait3A_188 = tpu.memref_slice %arg6[%arg0, %add3A_166, %dma_wait3A] : memref<2x10000x128xf32, #tpu.memory_space<hbm>> -> memref<1x40x128xf32, #tpu.memory_space<hbm>>
      %dma_wait3A_189 = tpu.memref_squeeze %dma_wait3A_188 : memref<1x40x128xf32, #tpu.memory_space<hbm>> -> memref<40x128xf32, #tpu.memory_space<hbm>>
      %dma_wait3A_190 = arith.constant 0 : i32
      %dma_wait3A_191 = tpu.memref_slice %arg22[%add3A_164, %dma_wait3A_190] : memref<10000x128xf32, #tpu.memory_space<vmem_shared>> -> memref<40x128xf32, #tpu.memory_space<vmem_shared>>
      tpu.wait_dma2 semaphore(%run_scoped3A : memref<!tpu.dma_semaphore, #tpu.memory_space<semaphore_mem>>) src(%dma_wait3A_191 : memref<40x128xf32, #tpu.memory_space<vmem_shared>>) dst(%dma_wait3A_189 : memref<40x128xf32, #tpu.memory_space<hbm>>)
      tpu.yield
    }) : () -> ()
    %add3A_167 = arith.constant 520 : i32
    %add3A_168 = arith.addi %mul3A_16, %add3A_167 : i32
    %add3A_169 = arith.constant 520 : i32
    %add3A_170 = arith.addi %mul3A_16, %add3A_169 : i32
    "tpu.region"() ({
      %run_scoped3A = tpu.sem_alloc : memref<!tpu.dma_semaphore, #tpu.memory_space<semaphore_mem>>
      %dma_start3A_183 = arith.constant 0 : i32
      %dma_start3A_184 = tpu.memref_slice %arg6[%arg0, %add3A_170, %dma_start3A_183] : memref<2x10000x128xf32, #tpu.memory_space<hbm>> -> memref<1x40x128xf32, #tpu.memory_space<hbm>>
      %dma_start3A_185 = tpu.memref_squeeze %dma_start3A_184 : memref<1x40x128xf32, #tpu.memory_space<hbm>> -> memref<40x128xf32, #tpu.memory_space<hbm>>
      %dma_start3A_186 = arith.constant 0 : i32
      %dma_start3A_187 = tpu.memref_slice %arg22[%add3A_168, %dma_start3A_186] : memref<10000x128xf32, #tpu.memory_space<vmem_shared>> -> memref<40x128xf32, #tpu.memory_space<vmem_shared>>
      tpu.enqueue_dma source(%dma_start3A_187 : memref<40x128xf32, #tpu.memory_space<vmem_shared>>) target(%dma_start3A_185 : memref<40x128xf32, #tpu.memory_space<hbm>>) target_semaphore(%run_scoped3A : memref<!tpu.dma_semaphore, #tpu.memory_space<semaphore_mem>>)
      %dma_wait3A = arith.constant 0 : i32
      %dma_wait3A_188 = tpu.memref_slice %arg6[%arg0, %add3A_170, %dma_wait3A] : memref<2x10000x128xf32, #tpu.memory_space<hbm>> -> memref<1x40x128xf32, #tpu.memory_space<hbm>>
      %dma_wait3A_189 = tpu.memref_squeeze %dma_wait3A_188 : memref<1x40x128xf32, #tpu.memory_space<hbm>> -> memref<40x128xf32, #tpu.memory_space<hbm>>
      %dma_wait3A_190 = arith.constant 0 : i32
      %dma_wait3A_191 = tpu.memref_slice %arg22[%add3A_168, %dma_wait3A_190] : memref<10000x128xf32, #tpu.memory_space<vmem_shared>> -> memref<40x128xf32, #tpu.memory_space<vmem_shared>>
      tpu.wait_dma2 semaphore(%run_scoped3A : memref<!tpu.dma_semaphore, #tpu.memory_space<semaphore_mem>>) src(%dma_wait3A_191 : memref<40x128xf32, #tpu.memory_space<vmem_shared>>) dst(%dma_wait3A_189 : memref<40x128xf32, #tpu.memory_space<hbm>>)
      tpu.yield
    }) : () -> ()
    %add3A_171 = arith.constant 560 : i32
    %add3A_172 = arith.addi %mul3A_16, %add3A_171 : i32
    %add3A_173 = arith.constant 560 : i32
    %add3A_174 = arith.addi %mul3A_16, %add3A_173 : i32
    "tpu.region"() ({
      %run_scoped3A = tpu.sem_alloc : memref<!tpu.dma_semaphore, #tpu.memory_space<semaphore_mem>>
      %dma_start3A_183 = arith.constant 0 : i32
      %dma_start3A_184 = tpu.memref_slice %arg6[%arg0, %add3A_174, %dma_start3A_183] : memref<2x10000x128xf32, #tpu.memory_space<hbm>> -> memref<1x40x128xf32, #tpu.memory_space<hbm>>
      %dma_start3A_185 = tpu.memref_squeeze %dma_start3A_184 : memref<1x40x128xf32, #tpu.memory_space<hbm>> -> memref<40x128xf32, #tpu.memory_space<hbm>>
      %dma_start3A_186 = arith.constant 0 : i32
      %dma_start3A_187 = tpu.memref_slice %arg22[%add3A_172, %dma_start3A_186] : memref<10000x128xf32, #tpu.memory_space<vmem_shared>> -> memref<40x128xf32, #tpu.memory_space<vmem_shared>>
      tpu.enqueue_dma source(%dma_start3A_187 : memref<40x128xf32, #tpu.memory_space<vmem_shared>>) target(%dma_start3A_185 : memref<40x128xf32, #tpu.memory_space<hbm>>) target_semaphore(%run_scoped3A : memref<!tpu.dma_semaphore, #tpu.memory_space<semaphore_mem>>)
      %dma_wait3A = arith.constant 0 : i32
      %dma_wait3A_188 = tpu.memref_slice %arg6[%arg0, %add3A_174, %dma_wait3A] : memref<2x10000x128xf32, #tpu.memory_space<hbm>> -> memref<1x40x128xf32, #tpu.memory_space<hbm>>
      %dma_wait3A_189 = tpu.memref_squeeze %dma_wait3A_188 : memref<1x40x128xf32, #tpu.memory_space<hbm>> -> memref<40x128xf32, #tpu.memory_space<hbm>>
      %dma_wait3A_190 = arith.constant 0 : i32
      %dma_wait3A_191 = tpu.memref_slice %arg22[%add3A_172, %dma_wait3A_190] : memref<10000x128xf32, #tpu.memory_space<vmem_shared>> -> memref<40x128xf32, #tpu.memory_space<vmem_shared>>
      tpu.wait_dma2 semaphore(%run_scoped3A : memref<!tpu.dma_semaphore, #tpu.memory_space<semaphore_mem>>) src(%dma_wait3A_191 : memref<40x128xf32, #tpu.memory_space<vmem_shared>>) dst(%dma_wait3A_189 : memref<40x128xf32, #tpu.memory_space<hbm>>)
      tpu.yield
    }) : () -> ()
    %not3A_175 = arith.constant true
    %not3A_176 = arith.xori %eq3A_18, %not3A_175 : i1
    %convert_element_type3A_177 = arith.extui %not3A_176 : i1 to i32
    %cond3A_178 = arith.constant 0 : i32
    %cond3A_179 = arith.cmpi ne, %convert_element_type3A_177, %cond3A_178 : i32
    scf.if %cond3A_179 {
      %add3A_183 = arith.constant 600 : i32
      %add3A_184 = arith.addi %mul3A_16, %add3A_183 : i32
      %add3A_185 = arith.constant 600 : i32
      %add3A_186 = arith.addi %mul3A_16, %add3A_185 : i32
      "tpu.region"() ({
        %run_scoped3A = tpu.sem_alloc : memref<!tpu.dma_semaphore, #tpu.memory_space<semaphore_mem>>
        %dma_start3A_187 = arith.constant 0 : i32
        %dma_start3A_188 = tpu.memref_slice %arg6[%arg0, %add3A_186, %dma_start3A_187] : memref<2x10000x128xf32, #tpu.memory_space<hbm>> -> memref<1x24x128xf32, #tpu.memory_space<hbm>>
        %dma_start3A_189 = tpu.memref_squeeze %dma_start3A_188 : memref<1x24x128xf32, #tpu.memory_space<hbm>> -> memref<24x128xf32, #tpu.memory_space<hbm>>
        %dma_start3A_190 = arith.constant 0 : i32
        %dma_start3A_191 = tpu.memref_slice %arg22[%add3A_184, %dma_start3A_190] : memref<10000x128xf32, #tpu.memory_space<vmem_shared>> -> memref<24x128xf32, #tpu.memory_space<vmem_shared>>
        tpu.enqueue_dma source(%dma_start3A_191 : memref<24x128xf32, #tpu.memory_space<vmem_shared>>) target(%dma_start3A_189 : memref<24x128xf32, #tpu.memory_space<hbm>>) target_semaphore(%run_scoped3A : memref<!tpu.dma_semaphore, #tpu.memory_space<semaphore_mem>>)
        %dma_wait3A = arith.constant 0 : i32
        %dma_wait3A_192 = tpu.memref_slice %arg6[%arg0, %add3A_186, %dma_wait3A] : memref<2x10000x128xf32, #tpu.memory_space<hbm>> -> memref<1x24x128xf32, #tpu.memory_space<hbm>>
        %dma_wait3A_193 = tpu.memref_squeeze %dma_wait3A_192 : memref<1x24x128xf32, #tpu.memory_space<hbm>> -> memref<24x128xf32, #tpu.memory_space<hbm>>
        %dma_wait3A_194 = arith.constant 0 : i32
        %dma_wait3A_195 = tpu.memref_slice %arg22[%add3A_184, %dma_wait3A_194] : memref<10000x128xf32, #tpu.memory_space<vmem_shared>> -> memref<24x128xf32, #tpu.memory_space<vmem_shared>>
        tpu.wait_dma2 semaphore(%run_scoped3A : memref<!tpu.dma_semaphore, #tpu.memory_space<semaphore_mem>>) src(%dma_wait3A_195 : memref<24x128xf32, #tpu.memory_space<vmem_shared>>) dst(%dma_wait3A_193 : memref<24x128xf32, #tpu.memory_space<hbm>>)
        tpu.yield
      }) : () -> ()
    } else {
    }
    %convert_element_type3A_180 = arith.extui %eq3A_18 : i1 to i32
    %cond3A_181 = arith.constant 0 : i32
    %cond3A_182 = arith.cmpi ne, %convert_element_type3A_180, %cond3A_181 : i32
    scf.if %cond3A_182 {
      %add3A_183 = arith.constant 600 : i32
      %add3A_184 = arith.addi %mul3A_16, %add3A_183 : i32
      %add3A_185 = arith.constant 600 : i32
      %add3A_186 = arith.addi %mul3A_16, %add3A_185 : i32
      "tpu.region"() ({
        %run_scoped3A = tpu.sem_alloc : memref<!tpu.dma_semaphore, #tpu.memory_space<semaphore_mem>>
        %dma_start3A_191 = arith.constant 0 : i32
        %dma_start3A_192 = tpu.memref_slice %arg6[%arg0, %add3A_186, %dma_start3A_191] : memref<2x10000x128xf32, #tpu.memory_space<hbm>> -> memref<1x24x128xf32, #tpu.memory_space<hbm>>
        %dma_start3A_193 = tpu.memref_squeeze %dma_start3A_192 : memref<1x24x128xf32, #tpu.memory_space<hbm>> -> memref<24x128xf32, #tpu.memory_space<hbm>>
        %dma_start3A_194 = arith.constant 0 : i32
        %dma_start3A_195 = tpu.memref_slice %arg22[%add3A_184, %dma_start3A_194] : memref<10000x128xf32, #tpu.memory_space<vmem_shared>> -> memref<24x128xf32, #tpu.memory_space<vmem_shared>>
        tpu.enqueue_dma source(%dma_start3A_195 : memref<24x128xf32, #tpu.memory_space<vmem_shared>>) target(%dma_start3A_193 : memref<24x128xf32, #tpu.memory_space<hbm>>) target_semaphore(%run_scoped3A : memref<!tpu.dma_semaphore, #tpu.memory_space<semaphore_mem>>)
        %dma_wait3A = arith.constant 0 : i32
        %dma_wait3A_196 = tpu.memref_slice %arg6[%arg0, %add3A_186, %dma_wait3A] : memref<2x10000x128xf32, #tpu.memory_space<hbm>> -> memref<1x24x128xf32, #tpu.memory_space<hbm>>
        %dma_wait3A_197 = tpu.memref_squeeze %dma_wait3A_196 : memref<1x24x128xf32, #tpu.memory_space<hbm>> -> memref<24x128xf32, #tpu.memory_space<hbm>>
        %dma_wait3A_198 = arith.constant 0 : i32
        %dma_wait3A_199 = tpu.memref_slice %arg22[%add3A_184, %dma_wait3A_198] : memref<10000x128xf32, #tpu.memory_space<vmem_shared>> -> memref<24x128xf32, #tpu.memory_space<vmem_shared>>
        tpu.wait_dma2 semaphore(%run_scoped3A : memref<!tpu.dma_semaphore, #tpu.memory_space<semaphore_mem>>) src(%dma_wait3A_199 : memref<24x128xf32, #tpu.memory_space<vmem_shared>>) dst(%dma_wait3A_197 : memref<24x128xf32, #tpu.memory_space<hbm>>)
        tpu.yield
      }) : () -> ()
      %add3A_187 = arith.constant 624 : i32
      %add3A_188 = arith.addi %mul3A_16, %add3A_187 : i32
      %add3A_189 = arith.constant 624 : i32
      %add3A_190 = arith.addi %mul3A_16, %add3A_189 : i32
      "tpu.region"() ({
        %run_scoped3A = tpu.sem_alloc : memref<!tpu.dma_semaphore, #tpu.memory_space<semaphore_mem>>
        %dma_start3A_191 = arith.constant 0 : i32
        %dma_start3A_192 = tpu.memref_slice %arg6[%arg0, %add3A_190, %dma_start3A_191] : memref<2x10000x128xf32, #tpu.memory_space<hbm>> -> memref<1x16x128xf32, #tpu.memory_space<hbm>>
        %dma_start3A_193 = tpu.memref_squeeze %dma_start3A_192 : memref<1x16x128xf32, #tpu.memory_space<hbm>> -> memref<16x128xf32, #tpu.memory_space<hbm>>
        %dma_start3A_194 = arith.constant 0 : i32
        %dma_start3A_195 = tpu.memref_slice %arg22[%add3A_188, %dma_start3A_194] : memref<10000x128xf32, #tpu.memory_space<vmem_shared>> -> memref<16x128xf32, #tpu.memory_space<vmem_shared>>
        tpu.enqueue_dma source(%dma_start3A_195 : memref<16x128xf32, #tpu.memory_space<vmem_shared>>) target(%dma_start3A_193 : memref<16x128xf32, #tpu.memory_space<hbm>>) target_semaphore(%run_scoped3A : memref<!tpu.dma_semaphore, #tpu.memory_space<semaphore_mem>>)
        %dma_wait3A = arith.constant 0 : i32
        %dma_wait3A_196 = tpu.memref_slice %arg6[%arg0, %add3A_190, %dma_wait3A] : memref<2x10000x128xf32, #tpu.memory_space<hbm>> -> memref<1x16x128xf32, #tpu.memory_space<hbm>>
        %dma_wait3A_197 = tpu.memref_squeeze %dma_wait3A_196 : memref<1x16x128xf32, #tpu.memory_space<hbm>> -> memref<16x128xf32, #tpu.memory_space<hbm>>
        %dma_wait3A_198 = arith.constant 0 : i32
        %dma_wait3A_199 = tpu.memref_slice %arg22[%add3A_188, %dma_wait3A_198] : memref<10000x128xf32, #tpu.memory_space<vmem_shared>> -> memref<16x128xf32, #tpu.memory_space<vmem_shared>>
        tpu.wait_dma2 semaphore(%run_scoped3A : memref<!tpu.dma_semaphore, #tpu.memory_space<semaphore_mem>>) src(%dma_wait3A_199 : memref<16x128xf32, #tpu.memory_space<vmem_shared>>) dst(%dma_wait3A_197 : memref<16x128xf32, #tpu.memory_space<hbm>>)
        tpu.yield
      }) : () -> ()
    } else {
    }
    return
  }
}

module attributes {stable_mosaic.version = 14 : i64} {
  func.func @_proj_body(%arg0: i32, %arg1: memref<1000x128xf32, #tpu.memory_space<vmem>>, %arg2: memref<128x512xf32, #tpu.memory_space<vmem>>, %arg3: memref<1x512xf32, #tpu.memory_space<vmem>>, %arg4: memref<1000x128xf32, #tpu.memory_space<vmem>>, %arg5: memref<1000x128xf32, #tpu.memory_space<vmem>>, %arg6: memref<1000x128xf32, #tpu.memory_space<vmem>>, %arg7: memref<1000x128xf32, #tpu.memory_space<vmem>>) attributes {dimension_semantics = [#tpu.dimension_semantics<arbitrary>], iteration_bounds = array<i64: 10>, scalar_prefetch = 0 : i64, scratch_operands = 0 : i64, tpu.core_type = #tpu.core_type<tc>, window_params = [{transform_indices = @transform_0, window_bounds = array<i64: 1000, 128>}, {pipeline_mode = #tpu.pipeline_mode<synchronous>, transform_indices = @transform_1, window_bounds = array<i64: 128, 512>}, {pipeline_mode = #tpu.pipeline_mode<synchronous>, transform_indices = @transform_2, window_bounds = array<i64: 1, 512>}, {transform_indices = @transform_3, window_bounds = array<i64: 1000, 128>}, {transform_indices = @transform_4, window_bounds = array<i64: 1000, 128>}, {transform_indices = @transform_5, window_bounds = array<i64: 1000, 128>}, {transform_indices = @transform_6, window_bounds = array<i64: 1000, 128>}]} {
    %get3A = arith.constant 0 : index
    %get3A_0 = arith.constant 0 : index
    %get3A_1 = vector.load %arg1[%get3A, %get3A_0] : memref<1000x128xf32, #tpu.memory_space<vmem>>, vector<1000x128xf32>
    %get3A_2 = arith.constant 0 : index
    %get3A_3 = arith.constant 0 : index
    %get3A_4 = vector.load %arg2[%get3A_2, %get3A_3] : memref<128x512xf32, #tpu.memory_space<vmem>>, vector<128x512xf32>
    %dot_general3A = arith.constant dense<0.000000e+00> : vector<1000x512xf32>
    %dot_general3A_5 = tpu.matmul %get3A_1, %get3A_4, %dot_general3A {dimension_numbers = #tpu.dot_dimension_numbers<[1], [0], [0], [1], [0, 0, 1, 1], [], []>, precision = #tpu.contract_precision<fp32>, transpose_lhs_hint = false} : vector<1000x128xf32>, vector<128x512xf32>, vector<1000x512xf32> -> vector<1000x512xf32>
    %get3A_6 = arith.constant 0 : index
    %get3A_7 = arith.constant 0 : index
    %get3A_8 = vector.load %arg3[%get3A_6, %get3A_7] : memref<1x512xf32, #tpu.memory_space<vmem>>, vector<1x512xf32>
    %add3A = vector.broadcast %get3A_8 : vector<1x512xf32> to vector<1000x512xf32>
    %add3A_9 = arith.addf %dot_general3A_5, %add3A : vector<1000x512xf32>
    %slice3A = vector.extract_strided_slice %add3A_9 {offsets = [0, 0], sizes = [1000, 128], strides = [1, 1]} : vector<1000x512xf32> to vector<1000x128xf32>
    %swap3A = arith.constant 0 : index
    %swap3A_10 = arith.constant 0 : index
    %swap3A_11 = vector.load %arg4[%swap3A, %swap3A_10] : memref<1000x128xf32, #tpu.memory_space<vmem>>, vector<1000x128xf32>
    tpu.vector_store %arg4[%swap3A, %swap3A_10], %slice3A {strides = array<i32>} : memref<1000x128xf32, #tpu.memory_space<vmem>>, vector<1000x128xf32>,
    %slice3A_12 = vector.extract_strided_slice %add3A_9 {offsets = [0, 128], sizes = [1000, 128], strides = [1, 1]} : vector<1000x512xf32> to vector<1000x128xf32>
    %swap3A_13 = arith.constant 0 : index
    %swap3A_14 = arith.constant 0 : index
    %swap3A_15 = vector.load %arg5[%swap3A_13, %swap3A_14] : memref<1000x128xf32, #tpu.memory_space<vmem>>, vector<1000x128xf32>
    tpu.vector_store %arg5[%swap3A_13, %swap3A_14], %slice3A_12 {strides = array<i32>} : memref<1000x128xf32, #tpu.memory_space<vmem>>, vector<1000x128xf32>,
    %slice3A_16 = vector.extract_strided_slice %add3A_9 {offsets = [0, 256], sizes = [1000, 128], strides = [1, 1]} : vector<1000x512xf32> to vector<1000x128xf32>
    %swap3A_17 = arith.constant 0 : index
    %swap3A_18 = arith.constant 0 : index
    %swap3A_19 = vector.load %arg6[%swap3A_17, %swap3A_18] : memref<1000x128xf32, #tpu.memory_space<vmem>>, vector<1000x128xf32>
    tpu.vector_store %arg6[%swap3A_17, %swap3A_18], %slice3A_16 {strides = array<i32>} : memref<1000x128xf32, #tpu.memory_space<vmem>>, vector<1000x128xf32>,
    %slice3A_20 = vector.extract_strided_slice %add3A_9 {offsets = [0, 384], sizes = [1000, 128], strides = [1, 1]} : vector<1000x512xf32> to vector<1000x128xf32>
    %swap3A_21 = arith.constant 0 : index
    %swap3A_22 = arith.constant 0 : index
    %swap3A_23 = vector.load %arg7[%swap3A_21, %swap3A_22] : memref<1000x128xf32, #tpu.memory_space<vmem>>, vector<1000x128xf32>
    tpu.vector_store %arg7[%swap3A_21, %swap3A_22], %slice3A_20 {strides = array<i32>} : memref<1000x128xf32, #tpu.memory_space<vmem>>, vector<1000x128xf32>,
    return
  }
  func.func @transform_0(%arg0: i32) -> (i32, i32) {
    %c0_i32 = arith.constant 0 : i32
    %c0_i32_0 = arith.constant 0 : i32
    return %arg0, %c0_i32 : i32, i32
  }
  func.func @transform_1(%arg0: i32) -> (i32, i32) {
    %c0_i32 = arith.constant 0 : i32
    %c0_i32_0 = arith.constant 0 : i32
    %c0_i32_1 = arith.constant 0 : i32
    return %c0_i32, %c0_i32_0 : i32, i32
  }
  func.func @transform_2(%arg0: i32) -> (i32, i32) {
    %c0_i32 = arith.constant 0 : i32
    %c0_i32_0 = arith.constant 0 : i32
    %c0_i32_1 = arith.constant 0 : i32
    return %c0_i32, %c0_i32_0 : i32, i32
  }
  func.func @transform_3(%arg0: i32) -> (i32, i32) {
    %c0_i32 = arith.constant 0 : i32
    %c0_i32_0 = arith.constant 0 : i32
    return %arg0, %c0_i32 : i32, i32
  }
  func.func @transform_4(%arg0: i32) -> (i32, i32) {
    %c0_i32 = arith.constant 0 : i32
    %c0_i32_0 = arith.constant 0 : i32
    return %arg0, %c0_i32 : i32, i32
  }
  func.func @transform_5(%arg0: i32) -> (i32, i32) {
    %c0_i32 = arith.constant 0 : i32
    %c0_i32_0 = arith.constant 0 : i32
    return %arg0, %c0_i32 : i32, i32
  }
  func.func @transform_6(%arg0: i32) -> (i32, i32) {
    %c0_i32 = arith.constant 0 : i32
    %c0_i32_0 = arith.constant 0 : i32
    return %arg0, %c0_i32 : i32, i32
  }
}

module attributes {stable_mosaic.version = 14 : i64} {
  func.func @_epi_body(%arg0: memref<2x10000x128xf32, #tpu.memory_space<vmem>>, %arg1: memref<10016x32xf32, #tpu.memory_space<vmem>>, %arg2: memref<10000x128xf32, #tpu.memory_space<vmem>>, %arg3: memref<1x128xf32, #tpu.memory_space<vmem>>, %arg4: memref<1x128xf32, #tpu.memory_space<vmem>>, %arg5: memref<1x128xf32, #tpu.memory_space<vmem>>, %arg6: memref<128x128xf32, #tpu.memory_space<vmem>>, %arg7: memref<1x128xf32, #tpu.memory_space<vmem>>, %arg8: memref<128x128xf32, #tpu.memory_space<vmem>>, %arg9: memref<1x128xf32, #tpu.memory_space<vmem>>, %arg10: memref<10000x128xf32, #tpu.memory_space<vmem>>) attributes {dimension_semantics = [], scalar_prefetch = 0 : i64, scratch_operands = 0 : i64, tpu.core_type = #tpu.core_type<tc>} {
    %get3A = arith.constant 0 : index
    %get3A_0 = arith.constant 0 : index
    %get3A_1 = arith.constant 0 : index
    %get3A_2 = vector.load %arg0[%get3A, %get3A_0, %get3A_1] : memref<2x10000x128xf32, #tpu.memory_space<vmem>>, vector<1x10000x128xf32>
    %get3A_3 = vector.shape_cast %get3A_2 : vector<1x10000x128xf32> to vector<10000x128xf32>
    %get3A_4 = arith.constant 1 : index
    %get3A_5 = arith.constant 0 : index
    %get3A_6 = arith.constant 0 : index
    %get3A_7 = vector.load %arg0[%get3A_4, %get3A_5, %get3A_6] : memref<2x10000x128xf32, #tpu.memory_space<vmem>>, vector<1x10000x128xf32>
    %get3A_8 = vector.shape_cast %get3A_7 : vector<1x10000x128xf32> to vector<10000x128xf32>
    %add3A = arith.addf %get3A_3, %get3A_8 : vector<10000x128xf32>
    %get3A_9 = arith.constant 0 : index
    %get3A_10 = arith.constant 0 : index
    %get3A_11 = vector.load %arg1[%get3A_9, %get3A_10] : memref<10016x32xf32, #tpu.memory_space<vmem>>, vector<10016x32xf32>
    %reduce_sum3A = arith.constant dense<0.000000e+00> : vector<10016xf32>
    %reduce_sum3A_12 = vector.multi_reduction <add>, %get3A_11, %reduce_sum3A [1] : vector<10016x32xf32> to vector<10016xf32>
    %broadcast_in_dim3A = vector.shape_cast %reduce_sum3A_12 : vector<10016xf32> to vector<10016x1xf32>
    %slice3A = vector.extract_strided_slice %broadcast_in_dim3A {offsets = [0, 0], sizes = [10000, 1], strides = [1, 1]} : vector<10016x1xf32> to vector<10000x1xf32>
    %add3A_13 = arith.constant 1.000000e-16 : f32
    %add3A_14 = vector.broadcast %add3A_13 : f32 to vector<10000x1xf32>
    %add3A_15 = arith.addf %slice3A, %add3A_14 : vector<10000x1xf32>
    %div3A = vector.broadcast %add3A_15 : vector<10000x1xf32> to vector<10000x128xf32>
    %div3A_16 = arith.divf %add3A, %div3A : vector<10000x128xf32>
    %get3A_17 = arith.constant 0 : index
    %get3A_18 = arith.constant 0 : index
    %get3A_19 = vector.load %arg2[%get3A_17, %get3A_18] : memref<10000x128xf32, #tpu.memory_space<vmem>>, vector<10000x128xf32>
    %add3A_20 = arith.addf %div3A_16, %get3A_19 : vector<10000x128xf32>
    %reduce_sum3A_21 = arith.constant dense<0.000000e+00> : vector<128xf32>
    %reduce_sum3A_22 = vector.multi_reduction <add>, %add3A_20, %reduce_sum3A_21 [0] : vector<10000x128xf32> to vector<128xf32>
    %broadcast_in_dim3A_23 = vector.shape_cast %reduce_sum3A_22 : vector<128xf32> to vector<1x128xf32>
    %div3A_24 = arith.constant 1.000000e+04 : f32
    %div3A_25 = vector.broadcast %div3A_24 : f32 to vector<1x128xf32>
    %div3A_26 = arith.divf %broadcast_in_dim3A_23, %div3A_25 : vector<1x128xf32>
    %get3A_27 = arith.constant 0 : index
    %get3A_28 = arith.constant 0 : index
    %get3A_29 = vector.load %arg5[%get3A_27, %get3A_28] : memref<1x128xf32, #tpu.memory_space<vmem>>, vector<1x128xf32>
    %mul3A = arith.mulf %div3A_26, %get3A_29 : vector<1x128xf32>
    %sub3A = vector.broadcast %mul3A : vector<1x128xf32> to vector<10000x128xf32>
    %sub3A_30 = arith.subf %add3A_20, %sub3A : vector<10000x128xf32>
    %mul3A_31 = arith.mulf %sub3A_30, %sub3A_30 : vector<10000x128xf32>
    %reduce_sum3A_32 = arith.constant dense<0.000000e+00> : vector<128xf32>
    %reduce_sum3A_33 = vector.multi_reduction <add>, %mul3A_31, %reduce_sum3A_32 [0] : vector<10000x128xf32> to vector<128xf32>
    %broadcast_in_dim3A_34 = vector.shape_cast %reduce_sum3A_33 : vector<128xf32> to vector<1x128xf32>
    %div3A_35 = arith.constant 1.000000e+04 : f32
    %div3A_36 = vector.broadcast %div3A_35 : f32 to vector<1x128xf32>
    %div3A_37 = arith.divf %broadcast_in_dim3A_34, %div3A_36 : vector<1x128xf32>
    %get3A_38 = arith.constant 0 : index
    %get3A_39 = arith.constant 0 : index
    %get3A_40 = vector.load %arg3[%get3A_38, %get3A_39] : memref<1x128xf32, #tpu.memory_space<vmem>>, vector<1x128xf32>
    %mul3A_41 = vector.broadcast %get3A_40 : vector<1x128xf32> to vector<10000x128xf32>
    %mul3A_42 = arith.mulf %mul3A_41, %sub3A_30 : vector<10000x128xf32>
    %add3A_43 = arith.constant 9.99999974E-6 : f32
    %add3A_44 = vector.broadcast %add3A_43 : f32 to vector<1x128xf32>
    %add3A_45 = arith.addf %div3A_37, %add3A_44 : vector<1x128xf32>
    %sqrt3A = math.sqrt %add3A_45 : vector<1x128xf32>
    %div3A_46 = vector.broadcast %sqrt3A : vector<1x128xf32> to vector<10000x128xf32>
    %div3A_47 = arith.divf %mul3A_42, %div3A_46 : vector<10000x128xf32>
    %get3A_48 = arith.constant 0 : index
    %get3A_49 = arith.constant 0 : index
    %get3A_50 = vector.load %arg4[%get3A_48, %get3A_49] : memref<1x128xf32, #tpu.memory_space<vmem>>, vector<1x128xf32>
    %add3A_51 = vector.broadcast %get3A_50 : vector<1x128xf32> to vector<10000x128xf32>
    %add3A_52 = arith.addf %div3A_47, %add3A_51 : vector<10000x128xf32>
    %max3A = arith.constant 0.000000e+00 : f32
    %max3A_53 = vector.broadcast %max3A : f32 to vector<10000x128xf32>
    %max3A_54 = arith.maximumf %add3A_52, %max3A_53 : vector<10000x128xf32>
    %get3A_55 = arith.constant 0 : index
    %get3A_56 = arith.constant 0 : index
    %get3A_57 = vector.load %arg6[%get3A_55, %get3A_56] : memref<128x128xf32, #tpu.memory_space<vmem>>, vector<128x128xf32>
    %dot_general3A = arith.constant dense<0.000000e+00> : vector<10000x128xf32>
    %dot_general3A_58 = tpu.matmul %max3A_54, %get3A_57, %dot_general3A {dimension_numbers = #tpu.dot_dimension_numbers<[1], [0], [0], [1], [0, 0, 1, 1], [], []>, precision = #tpu.contract_precision<fp32>, transpose_lhs_hint = false} : vector<10000x128xf32>, vector<128x128xf32>, vector<10000x128xf32> -> vector<10000x128xf32>
    %get3A_59 = arith.constant 0 : index
    %get3A_60 = arith.constant 0 : index
    %get3A_61 = vector.load %arg7[%get3A_59, %get3A_60] : memref<1x128xf32, #tpu.memory_space<vmem>>, vector<1x128xf32>
    %add3A_62 = vector.broadcast %get3A_61 : vector<1x128xf32> to vector<10000x128xf32>
    %add3A_63 = arith.addf %dot_general3A_58, %add3A_62 : vector<10000x128xf32>
    %max3A_64 = arith.constant 0.000000e+00 : f32
    %max3A_65 = vector.broadcast %max3A_64 : f32 to vector<10000x128xf32>
    %max3A_66 = arith.maximumf %add3A_63, %max3A_65 : vector<10000x128xf32>
    %get3A_67 = arith.constant 0 : index
    %get3A_68 = arith.constant 0 : index
    %get3A_69 = vector.load %arg8[%get3A_67, %get3A_68] : memref<128x128xf32, #tpu.memory_space<vmem>>, vector<128x128xf32>
    %dot_general3A_70 = arith.constant dense<0.000000e+00> : vector<10000x128xf32>
    %dot_general3A_71 = tpu.matmul %max3A_66, %get3A_69, %dot_general3A_70 {dimension_numbers = #tpu.dot_dimension_numbers<[1], [0], [0], [1], [0, 0, 1, 1], [], []>, precision = #tpu.contract_precision<fp32>, transpose_lhs_hint = false} : vector<10000x128xf32>, vector<128x128xf32>, vector<10000x128xf32> -> vector<10000x128xf32>
    %get3A_72 = arith.constant 0 : index
    %get3A_73 = arith.constant 0 : index
    %get3A_74 = vector.load %arg9[%get3A_72, %get3A_73] : memref<1x128xf32, #tpu.memory_space<vmem>>, vector<1x128xf32>
    %add3A_75 = vector.broadcast %get3A_74 : vector<1x128xf32> to vector<10000x128xf32>
    %add3A_76 = arith.addf %dot_general3A_71, %add3A_75 : vector<10000x128xf32>
    %swap3A = arith.constant 0 : index
    %swap3A_77 = arith.constant 0 : index
    %swap3A_78 = vector.load %arg10[%swap3A, %swap3A_77] : memref<10000x128xf32, #tpu.memory_space<vmem>>, vector<10000x128xf32>
    tpu.vector_store %arg10[%swap3A, %swap3A_77], %add3A_76 {strides = array<i32>} : memref<10000x128xf32, #tpu.memory_space<vmem>>, vector<10000x128xf32>,
    return
  }
}

</mosaic_0001>

<sc_bundles>
// kernel: kernel.5.cloned.1.call-start
scs
__scs_entry_jumppad:
0x0: {  	(pc) =	sbr.rel $0x88, $3  }
0x1: {  	(tag) =	ssettag $0x0;
	lr =	simm.s32 $0x1  }
0x2: {  	[smem:$0x3F90] =	sst lr;
	_ =	strace $0xD0000000  }
0x3: {  	_ = 	snop  }
0x4: {  	_ = 	snop  }
0x5: {  	_ = 	snop  }
0x6: {  	_ = 	snop  }
0x7: {  	_ = 	snop  }
__scs_overlays_trampoline_lowered:
0x8: {  	[smem:$0x3F9F] =	sst s0  }
0x9: {  	[smem:$0x3FA0] =	sst s1  }
0xa: {  	[smem:$0x3FA1] =	sst s2  }
0xb: {  	[smem:$0x3FA2] =	sst s3  }
0xc: {  	[smem:$0x3FA3] =	sst s4  }
0xd: {  	[smem:$0x3FA4] =	sst s5  }
0xe: {  	[smem:$0x3FA5] =	sst s6  }
0xf: {  	[smem:$0x3FA6] =	sst s7  }
0x10: {  	[smem:$0x3FA7] =	sst s8  }
0x11: {  	[smem:$0x3FA8] =	sst s9;
	s0 =	simm.s32 @!p0 $0x0  }
0x12: {  	s1 =	sld [smem:$0x3F8E];
	s0 =	simm.s32 @p0 $0x1  }
0x13: {  	[smem:$0x3FA9] =	sst s0;
	s0 =	simm.s32 @!p1 $0x0  }
0x14: {  	s2 =	sld [smem:$0x3F8D];
	s0 =	simm.s32 @p1 $0x1  }
0x15: {  	[smem:$0x3FAA] =	sst s0;
	s0 =	simm.s32 @!p2 $0x0  }
0x16: {  	s3 =	sld [smem:$0x3FDB];
	s0 =	simm.s32 @p2 $0x1  }
0x17: {  	s4 =	simm.s32 $0x1BF5;
	[smem:$0x3FAC] =	sst s0  }
0x18: {  	s0 =	sld [smem:$0x3F8F];
	_ =	swait.ge [sflag:s4], $0x0  }
0x19: {  	s7 =	sld [smem:$0x3F90]  }
0x1a: {  	s8 =	sadd.s32 $0xFFFFE003, lr  }
0x1b: {  	s9 =	sadd.s32 $0xFFFFFEF7, lr;
	s5 =	simm.s32 $0xFFFFFFFF;
	p2 =	slt.u32 s8, $0xFFFFF086  }
0x1c: {  	p1 =	slt.u32 s9, $0xF7A;
	s5 =	simm.s32 @!p2 $0x0  }
0x1d: {  	s5 =	simm.s32 @p1 $0x1;
	p0 =	seq.s32 s7, s2  }
0x1e: {  	s7 =	smul.u32 @!p0 $0xF7A, s2;
	p2 =	seq.s32 @!p0 s5, $0x0  }
0x1f: {  	s9 =	smul.u32 $0xF7A, s1;
	s8 =	simm.s32 @!p0 $0x1BF5;
	p2 =	por !p2, p0  }
0x20: {  	[sflag:s8] =	ssyncset.s32 @!p0 $0xFFFFF086;
	s6 =	sadd.s32 @!p0 s3, s7;
	s7 =	simm.s32 @!p0 $0x108  }
0x21: {  	s3 =	sadd.s32 s3, s9;
	s6 =	sadd.s32 @!p0 $0x88, s6;
	s7 =	simm.s32 @p2 $0x1082  }
0x22: {  	[simem:s7], [sflag:s8] =	dma.local @!p0 [hbm:s6], $0xF7A  }
0x23: {  	s9 =	sor.u32 $0xD0000000, s2;
	s6 =	simm.s32 $0x108;
	_ =	swait.ge @!p0 [sflag:s8], $0x0  }
0x24: {  	s3 =	sadd.s32 $0x88, s3;
	s6 =	simm.s32 @!p1 $0x1082;
	[sflag:s4] =	ssyncset.s32 $0xFFFFF086  }
0x25: {  	[simem:s6], [sflag:s4] =	dma.local [hbm:s3], $0xF7A  }
0x26: {  	[smem:$0x3F90] =	sst s1;
	(tag) =	ssettag s2;
	_ =	strace s9  }
0x27: {  	s1 =	sld [smem:$0x3FA0]  }
0x28: {  	s2 =	sld [smem:$0x3FA1]  }
0x29: {  	s4 =	sld [smem:$0x3FA3]  }
0x2a: {  	p0 =	seq.s32 s5, $0x0;
	s5 =	sld [smem:$0x3FA4]  }
0x2b: {  	s6 =	sld [smem:$0x3FA5]  }
0x2c: {  	s7 =	sld [smem:$0x3FA6]  }
0x2d: {  	s3 =	simm.s32 $0x108;
	s8 =	sld [smem:$0x3FA7]  }
0x2e: {  	s3 =	simm.s32 @!p0 $0x1082;
	s9 =	sld [smem:$0x3FA8]  }
0x2f: {  	lr =	sadd.s32 s0, s3;
	s0 =	sld [smem:$0x3F9F]  }
0x30: {  	s3 =	sld [smem:$0x3FA2]  }
0x31: {  	[smem:$0x3FAB] =	sst s10  }
0x32: {  	s10 =	sld [smem:$0x3FA9];
	_ =	sdelay $0x3  }
0x33: {  	p0 =	seq.s32 s10, $0x1;
	s10 =	sld [smem:$0x3FAB];
	_ =	sdelay $0x3  }
0x34: {  	[smem:$0x3FAB] =	sst s10  }
0x35: {  	s10 =	sld [smem:$0x3FAA];
	_ =	sdelay $0x3  }
0x36: {  	p1 =	seq.s32 s10, $0x1;
	s10 =	sld [smem:$0x3FAB];
	_ =	sdelay $0x3  }
0x37: {  	[smem:$0x3FAB] =	sst s10  }
0x38: {  	s10 =	sld [smem:$0x3FAC]  }
0x39: {  	_ = 	snop;
	(pc) =	sbr.ind lr, $3  }
0x3a: {  	_ = 	snop  }
0x3b: {  	_ = 	snop  }
0x3c: {  	p2 =	seq.s32 s10, $0x1;
	s10 =	sld [smem:$0x3FAB]  }
0x3d: {  	_ =	shalt  }
0x3e: {  	_ =	shalt  }
0x3f: {  	_ =	shalt  }
0x40: {  	_ =	shalt  }
0x41: {  	_ =	shalt  }
0x42: {  	_ =	shalt  }
0x43: {  	_ =	shalt  }
0x44: {  	_ =	shalt  }
0x45: {  	_ =	shalt  }
0x46: {  	_ =	shalt  }
0x47: {  	_ =	shalt  }
0x48: {  	_ =	shalt  }
0x49: {  	_ =	shalt  }
0x4a: {  	_ =	shalt  }
0x4b: {  	_ =	shalt  }
0x4c: {  	_ =	shalt  }
0x4d: {  	_ =	shalt  }
0x4e: {  	_ =	shalt  }
0x4f: {  	_ =	shalt  }
0x50: {  	_ =	shalt  }
0x51: {  	_ =	shalt  }
0x52: {  	_ =	shalt  }
0x53: {  	_ =	shalt  }
0x54: {  	_ =	shalt  }
0x55: {  	_ =	shalt  }
0x56: {  	_ =	shalt  }
0x57: {  	_ =	shalt  }
0x58: {  	_ =	shalt  }
0x59: {  	_ =	shalt  }
0x5a: {  	_ =	shalt  }
0x5b: {  	_ =	shalt  }
0x5c: {  	_ =	shalt  }
0x5d: {  	_ =	shalt  }
0x5e: {  	_ =	shalt  }
0x5f: {  	_ =	shalt  }
0x60: {  	_ =	shalt  }
0x61: {  	_ =	shalt  }
0x62: {  	_ =	shalt  }
0x63: {  	_ =	shalt  }
0x64: {  	_ =	shalt  }
0x65: {  	_ =	shalt  }
0x66: {  	_ =	shalt  }
0x67: {  	_ =	shalt  }
0x68: {  	_ =	shalt  }
0x69: {  	_ =	shalt  }
0x6a: {  	_ =	shalt  }
0x6b: {  	_ =	shalt  }
0x6c: {  	_ =	shalt  }
0x6d: {  	_ =	shalt  }
0x6e: {  	_ =	shalt  }
0x6f: {  	_ =	shalt  }
0x70: {  	_ =	shalt  }
0x71: {  	_ =	shalt  }
0x72: {  	_ =	shalt  }
0x73: {  	_ =	shalt  }
0x74: {  	_ =	shalt  }
0x75: {  	_ =	shalt  }
0x76: {  	_ =	shalt  }
0x77: {  	_ =	shalt  }
0x78: {  	_ =	shalt  }
0x79: {  	_ =	shalt  }
0x7a: {  	_ =	shalt  }
0x7b: {  	_ =	shalt  }
0x7c: {  	_ =	shalt  }
0x7d: {  	_ =	shalt  }
0x7e: {  	_ =	shalt  }
0x7f: {  	_ =	shalt  }
0x80: {  	_ =	shalt  }
0x81: {  	_ =	shalt  }
0x82: {  	_ =	shalt  }
0x83: {  	_ =	shalt  }
0x84: {  	_ =	shalt  }
0x85: {  	_ =	shalt  }
0x86: {  	_ =	shalt  }
0x87: {  	_ =	shalt  }
.Lfunc_end0:
.L_simem_size_0:
called_computation_lowered:
.L_overlay_start_0:
0x88: {  	s2 =	sld [smem:$0x3FD9]  }
0x89: {  	s3 =	sld [smem:$0x3FFE];
	_ =	sdelay $0x1  }
0x8a: {  	s1 =	srdreg.scid  }
0x8b: {  	s0 =	sand.u32 $0x1, s1  }
0x8c: {  	s17 =	sshll.u32 s0, $0xA;
	s2 =	sadd.s32 s3, s2  }
0x8d: {  	s2 =	sadd.s32 s2, s17  }
0x8e: {  	[smem:$0x3FB7] =	sst s2  }
0x8f: {  	_ = 	snop  }
0x90: {  	s2 =	sld [smem:$0x3FD0];
	(tm) =	ssettm $0x1  }
0x91: {  	s18 =	sld [smem:$0x3FFB];
	_ =	sdelay $0x3  }
0x92: {  	_ =	strace s18  }
0x93: {  	s3 =	sld [smem:$0x3FFC];
	_ =	sdelay $0x3  }
0x94: {  	_ =	strace s3  }
0x95: {  	s3 =	sld [smem:$0x3FFD];
	_ =	sdelay $0x3  }
0x96: {  	_ =	strace s3  }
0x97: {  	_ =	strace $0x8FFFFFFF  }
0x98: {  	s19 =	sld [smem:$0x3FDB];
	_ =	sdelay $0x1  }
0x99: {  	s4 =	simm.s32 $_scs_section_size  }
0x9a: {  	s5 =	simm.s32 $_size__tile_overlayer_lowered;
	s6 =	simm.s32 $_tile_overlayer_lowered  }
0x9b: {  	s22 =	simm.s32 $0x1BFF;
	s21 =	sshll.u32 s6, $0x1;
	s3 =	sadd.s32 s4, s19  }
0x9c: {  	s7 =	simm.s32 $0x0;
	s20 =	sshll.u32 s5, $0x1;
	s5 =	sadd.s32 s21, s3  }
0x9d: {  	[timem:s7], [sflag:s22] =	dma.local [hbm:s5], s20  }
0x9e: {  	_ =	swait.ge [sflag:s22], s20  }
0x9f: {  	s4 =	ssub.s32 $0x0, s20;
	[sflag:s22] =	ssyncset.done $0x0  }
0xa0: {  	[sflag:s22] =	ssyncadd.s32 s4;
	_ =	sdelay $0x1  }
0xa1: {  	s23 =	simm.s32 $0x1B8B  }
0xa2: {  	_ =	swait.ge [sflag:s23], $0x1  }
0xa3: {  	[sflag:s23] =	ssyncset.done $0x0  }
0xa4: {  	s25 =	simm.s32 $0x1B8E;
	s24 =	sld [smem:$0x3FFE];
	[sflag:s23] =	ssyncadd.s32 $0xFFFFFFFF  }
0xa5: {  	s26 =	simm.s32 $execute0_lowered;
	[smem:$0x3FD2] =	sst s25  }
0xa6: {  	s5 =	sshll.u32 s26, $0x1;
	_ =	strace $0x80000046;
	[dreg:$0x1] =	wrdreg $0xFFFFFFFF  }
0xa7: {  	s28 =	simm.s32 $_size_execute0_lowered;
	s3 =	sadd.s32 s3, s5;
	[dreg:$0x0] =	wrdreg $0x0  }
0xa8: {  	s5 =	sshll.u32 s28, $0x1;
	[dreg:$0x2] =	wrdreg s3  }
0xa9: {  	[dreg:$0x3] =	wrdreg s5  }
0xaa: {  	[dreg:$0x4] =	wrdreg $0xC0  }
0xab: {  	_ =	task [dreg:s7], $0x5FFFF  }
0xac: {  	[dreg:$0x1] =	wrdreg $0xFFFFFFFF  }
0xad: {  	[dreg:$0x0] =	wrdreg $0x60  }
0xae: {  	[dreg:$0x2] =	wrdreg s2  }
0xaf: {  	[dreg:$0x3] =	wrdreg s24  }
0xb0: {  	[dreg:$0x4] =	wrdreg $0xB6800  }
0xb1: {  	[dreg:$0x5] =	wrdreg $0x9  }
0xb2: {  	_ =	task.clear_ibuf [dreg:s7], $0x6FFFF;
	_ =	strace $0x90000046  }
0xb3: {  	s29 =	simm.s32 $0x9;
	_ =	strace $0x80000048  }
0xb4: {  	_ =	swait.ge [sflag:s29], $0x1  }
0xb5: {  	[sflag:s29] =	ssyncadd.s32 $0xFFFFFFFF  }
0xb6: {  	_ =	strace $0x90000048  }
0xb7: {  	_ =	sfence  }
0xb8: {  	s30 =	sld [smem:$0x0];
	_ =	sdelay $0x2  }
0xb9: {  	s31 =	sshll.u32 s1, $0xD;
	s1 =	sshrl.u32 s1, $0x2  }
0xba: {  	s3 =	sand.u32 $0x4000, s31;
	s1 =	sadd.s32 s1, s30  }
0xbb: {  	s0 =	sor.u32 s3, s0;
	s1 =	sshll.u32 s1, $0x11  }
0xbc: {  	s0 =	sor.u32 s1, s0  }
0xbd: {  	s0 =	sadd.s32 $0x8F2B, s0  }
0xbe: {  	[sflag:s0] =	ssyncadd.remote.s32 $0x1  }
0xbf: {  	_ =	sfence.sel $0xFFFF  }
0xc0: {  	[dreg:$0x0] =	wrdreg $0xFFFFFFFF;
	(pc) =	sbr.abs _section_cstart, $3  }
0xc1: {  	[dreg:$0x1] =	wrdreg $0xFFFFFFFF  }
0xc2: {  	_ =	task.clear_ibuf [dreg:s7], $0x2FFFF;
	_ =	strace $0x9FFFFFFF  }
0xc3: {  	(tm) =	ssettm $0x7FFFFFFF  }
tec
execute0_lowered:
.L_overlay_start_1:
0x0: {  	(tag) =	ssettag $0x1  }
0x1: {  	s0 =	srdreg.scid;
	s29 =	stileid.u32  }
0x2: {  	s3 =	rddreg [dreg:$0x1];
	s1 =	simm.s32 $0x0;
	s5 =	sand.u32 $0x1, s0  }
0x3: {  	s19 =	sshll.u32 s29, $0x1;
	s2 =	sshrl.u32 s29, $0x2;
	s14 =	smul.u32 $0x13800, s29  }
0x4: {  	[smem:$0x7FF] =	sst s1;
	s13 =	sadd.s32 $0x6E000, s3;
	s2 =	smul.u32 $0x13C00, s2  }
0x5: {  	s0 =	sor.u32 s5, s19;
	s6 =	ssub.s32 $0x2, s5;
	s15 =	smul.u32 $0x138800, s5  }
0x6: {  	s4 =	sshll.u32 s0, $0x7;
	s20 =	sshrl.u32 s6, $0x1;
	s5 =	sadd.s32 $0x2800, s14  }
0x7: {  	s7 =	sadd.s32 $0x5000, s14;
	s8 =	sadd.s32 $0x6400, s14;
	s9 =	sadd.s32 $0x7800, s14  }
0x8: {  	s10 =	sadd.s32 $0x8C00, s14;
	s11 =	sadd.s32 $0xA000, s14;
	s28 =	sadd.s32 $0x11800, s14  }
0x9: {  	s4 =	sand.u32 $0x380, s4;
	s16 =	sadd.s32 s14, s15;
	s17 =	sadd.s32 s15, s5  }
0xa: {  	s24 =	sadd.s32 s15, s7;
	s25 =	sadd.s32 s15, s8;
	s26 =	sadd.s32 s15, s9  }
0xb: {  	s19 =	sadd.s32 s15, s10;
	s12 =	sor.u32 s2, s4;
	s2 =	ssub.s32 s6, s20  }
0xc: {  	s4 =	sadd.s32 $0x1400, s14;
	s6 =	sadd.s32 $0x3C00, s14;
	s16 =	sshrl.u32 s16, $0x3  }
0xd: {  	s17 =	sshrl.u32 s17, $0x3;
	s20 =	sadd.s32 s15, s11;
	s16 =	sadd.s32 s13, s16  }
0xe: {  	s21 =	sadd.s32 s15, s4;
	s18 =	sadd.s32 s15, s6;
	s22 =	sadd.s32 s13, s17  }
0xf: {  	s17 =	sshrl.u32 s25, $0x3;
	[dreg:$0x4] =	wrdreg s16;
	s16 =	sshrl.u32 s21, $0x3  }
0x10: {  	[dreg:$0x6] =	wrdreg s22;
	s23 =	sshrl.u32 s18, $0x3;
	s17 =	sadd.s32 s13, s17  }
0x11: {  	s18 =	sshrl.u32 s26, $0x3;
	s16 =	sadd.s32 s13, s16;
	[dreg:$0x9] =	wrdreg s17  }
0x12: {  	s17 =	sshrl.u32 s20, $0x3;
	[dreg:$0x5] =	wrdreg s16;
	s16 =	sadd.s32 s13, s23  }
0x13: {  	s21 =	sadd.s32 s13, s17;
	s17 =	sadd.s32 $0xC800, s14;
	[dreg:$0x7] =	wrdreg s16  }
0x14: {  	s16 =	sshrl.u32 s24, $0x3;
	[dreg:$0xc] =	wrdreg s21;
	s24 =	sadd.s32 $0xDC00, s14  }
0x15: {  	s23 =	sadd.s32 s15, s17;
	s21 =	sadd.s32 s15, s28;
	s16 =	sadd.s32 s13, s16  }
0x16: {  	s25 =	sadd.s32 s15, s24;
	[dreg:$0x8] =	wrdreg s16;
	s16 =	sadd.s32 s13, s18  }
0x17: {  	[dreg:$0xa] =	wrdreg s16;
	s16 =	sshrl.u32 s19, $0x3;
	s19 =	sadd.s32 $0xB400, s14  }
0x18: {  	s18 =	sshrl.u32 s25, $0x3;
	s16 =	sadd.s32 s13, s16;
	s22 =	sadd.s32 s15, s19  }
0x19: {  	s26 =	sadd.s32 s13, s18;
	[dreg:$0xb] =	wrdreg s16;
	s16 =	sshrl.u32 s22, $0x3  }
0x1a: {  	s25 =	sadd.s32 $0xF000, s14;
	[dreg:$0xf] =	wrdreg s26;
	s16 =	sadd.s32 s13, s16  }
0x1b: {  	s26 =	sadd.s32 $0x10400, s14;
	[dreg:$0xd] =	wrdreg s16;
	s16 =	sshrl.u32 s23, $0x3  }
0x1c: {  	s18 =	sadd.s32 s15, s25;
	s20 =	sadd.s32 s15, s26;
	s16 =	sadd.s32 s13, s16  }
0x1d: {  	[dreg:$0xe] =	wrdreg s16;
	s16 =	sshrl.u32 s18, $0x3;
	s18 =	sshrl.u32 s21, $0x3  }
0x1e: {  	s16 =	sadd.s32 s13, s16;
	s22 =	sadd.s32 s13, s18;
	s18 =	rddreg [dreg:$0x0]  }
0x1f: {  	s14 =	sadd.s32 $0x12C00, s14;
	[dreg:$0x10] =	wrdreg s16;
	s16 =	sshrl.u32 s20, $0x3  }
0x20: {  	s23 =	sadd.s32 s15, s14;
	[dreg:$0x12] =	wrdreg s22;
	s16 =	sadd.s32 s13, s16  }
0x21: {  	[dreg:$0x11] =	wrdreg s16;
	s16 =	sshrl.u32 s23, $0x3  }
0x22: {  	s30 =	simm.s32 $0x1;
	s20 =	rddreg [dreg:$0x2];
	s16 =	sadd.s32 s13, s16  }
0x23: {  	s31 =	simm.s32 $0x2;
	s8 =	sadd.s32 s8, s20;
	[dreg:$0x13] =	wrdreg s16  }
0x24: {  	s9 =	sadd.s32 s9, s20;
	_ =	strace $0x80000047;
	[dreg:$0x17] =	wrdreg s8  }
0x25: {  	p0 =	seq.s32 s29, $0xF;
	s10 =	sadd.s32 s10, s20;
	[dreg:$0x18] =	wrdreg s9  }
0x26: {  	s12 =	sshrl.u32 s12, $0x3;
	s11 =	sadd.s32 s11, s20;
	[dreg:$0x19] =	wrdreg s10  }
0x27: {  	s2 =	smax.u32 s2, $0x1;
	s17 =	sadd.s32 s17, s20;
	[dreg:$0x1a] =	wrdreg s11  }
0x28: {  	s12 =	sadd.s32 s12, s3;
	s24 =	sadd.s32 s24, s20;
	[dreg:$0x1c] =	wrdreg s17  }
0x29: {  	s15 =	sshrl.u32 s15, $0x3;
	s21 =	sadd.s32 $0x15E00, s3;
	[dreg:$0x1d] =	wrdreg s24  }
0x2a: {  	s22 =	sadd.s32 $0x3D000, s3;
	s6 =	sadd.s32 s6, s20;
	[smem:$0x7F9] =	sst s2  }
0x2b: {  	s4 =	sadd.s32 s4, s20;
	s7 =	sadd.s32 s7, s20;
	[dreg:$0x15] =	wrdreg s6  }
0x2c: {  	s5 =	sadd.s32 s5, s20;
	s9 =	sadd.s32 s25, s20;
	[dreg:$0x16] =	wrdreg s7  }
0x2d: {  	s23 =	sadd.s32 $0x2400, s3;
	s10 =	sadd.s32 s26, s20;
	[dreg:$0x1e] =	wrdreg s9  }
0x2e: {  	s13 =	sadd.s32 s13, s15;
	s11 =	sadd.s32 s28, s20;
	[dreg:$0x1f] =	wrdreg s10  }
0x2f: {  	s16 =	smul.u32 $0x4E000, s29;
	s17 =	sadd.s32 $0x26E80, s13;
	[smem:$0x7F4] =	sst s11  }
0x30: {  	s29 =	simm.s32 $0x6700;
	s25 =	sadd.s32 $0x137400, s20;
	[smem:$0x7F7] =	sst s17  }
0x31: {  	s26 =	sadd.s32 $0x138000, s20;
	s28 =	simm.s32 $0x3F00;
	[smem:$0x7FC] =	sst s25  }
0x32: {  	s16 =	sshrl.u32 s16, $0x2;
	[smem:$0x7FD] =	sst s26;
	s11 =	simm.s32 $0x5300  }
0x33: {  	s25 =	simm.s32 $0x1700;
	s26 =	simm.s32 $0x180;
	s17 =	simm.s32 $0x0  }
0x34: {  	s15 =	sadd.s32 s16, s20;
	s16 =	sadd.s32 s19, s20;
	s19 =	smul.u32 $0x9C4, s0  }
0x35: {  	s0 =	smul.u32 $0xFA, s0;
	[dreg:$0x1b] =	wrdreg s16;
	s16 =	sadd.s32 $0x64200, s12  }
0x36: {  	[dreg:$0x14] =	wrdreg s15;
	s24 =	sadd.s32 $0x12C00, s15;
	s12 =	simm.s32 $0x3  }
0x37: {  	s15 =	simm.s32 $0x80;
	s3 =	sadd.s32 s23, s19;
	[smem:$0x7F6] =	sst s16  }
0x38: {  	s9 =	sor.u32 $0x1, s0;
	s10 =	sadd.s32 $0x2, s0;
	[smem:$0x7FB] =	sst s24  }
0x39: {  	s0 =	sadd.s32 s14, s20;
	s19 =	sadd.s32 $0x27000, s13;
	[smem:$0x7F5] =	sst s3  }
0x3a: {  	v0 =	vimm.f32 $0.0e+00;
	vm0 =	vcmask $0x300;
	s13 =	simm.s32 $0x28;
	[smem:$0x7F8] =	sst s19;
	s0 =	sshrl.u32 @!p0 s0, $0x3  }
0x3b: {  	v1 =	vsel vm0, $0x3F800000, v0;
	s14 =	simm.s32 $0x200;
	s16 =	simm.s32 $0x280;
	[smem:$0x7FA] =	sst s0  }
.LBB2_1:
0x3c: {  	s0 =	simm.s32 $0x0  }
.LBB2_2:
0x3d: {  	p1 =	sne.s32 s0, $0x9C40  }
.Ltmp0:
0x3e: {  	_ = 	snop;
	(pc) =	sbr.rel @p1 .LBB2_2-.Ltmp0, $3  }
0x3f: {  	_ =	sdelay $0x1  }
0x40: {  	s2 =	sshra.s32 s0, $0x2  }
0x41: {  	s0 =	sadd.s32 $0x40, s0;
	[tilespmem:s2+$0x8F00] =	vst v0  }
0x42: {  	s0 =	simm.s32 $0x0;
	s2 =	simm.s32 $0x200  }
.LBB2_4:
0x43: {  	p1 =	sne.s32 s2, $0x4E00;
	[tilespmem:s0+$0x5370] =	vst v0  }
0x44: {  	[tilespmem:s0+$0x5300] =	vst v0  }
0x45: {  	[tilespmem:s0+$0x5310] =	vst v0  }
.Ltmp1:
0x46: {  	[tilespmem:s0+$0x5320] =	vst v0;
	(pc) =	sbr.rel @p1 .LBB2_4-.Ltmp1, $4  }
0x47: {  	[tilespmem:s0+$0x5330] =	vst v0  }
0x48: {  	[tilespmem:s0+$0x5340] =	vst v0  }
0x49: {  	[tilespmem:s0+$0x5350] =	vst v0  }
0x4a: {  	[tilespmem:s0+$0x5360] =	vst v0;
	s0 =	sshra.s32 s2, $0x2;
	s2 =	sadd.s32 $0x200, s2  }
0x4b: {  	[tilespmem:s0+$0x5370] =	vst v0  }
0x4c: {  	[tilespmem:s0+$0x5300] =	vst v0  }
0x4d: {  	[tilespmem:s0+$0x5310] =	vst v0  }
0x4e: {  	[tilespmem:s0+$0x5320] =	vst v0  }
0x4f: {  	[tilespmem:s0+$0x5330] =	vst v0  }
0x50: {  	[tilespmem:s0+$0x5340] =	vst v0  }
0x51: {  	[tilespmem:s0+$0x5350] =	vst v0  }
0x52: {  	[tilespmem:s0+$0x5360] =	vst v0;
	s24 =	rddreg [dreg:$0x14]  }
0x53: {  	[spmem:s24] =	stream.linear.scatter [tilespmem:s11], [sflag:$0x3], $0x1400, $0x38;
	[tilespmem:$0x1EF00] =	vst v63  }
0x54: {  	_ =	swait.ge [sflag:s12], $0x1400  }
0x55: {  	[sflag:s12] =	ssyncset.done $0x0  }
0x56: {  	[sflag:s12] =	ssyncadd.s32 $0xFFFFEC00  }
0x57: {  	[spmem:s4] =	stream.linear.scatter [tilespmem:s11], [sflag:$0x3], $0x1400, $0x38;
	[tilespmem:$0x1EF00] =	vst v63  }
0x58: {  	_ =	swait.ge [sflag:s12], $0x1400  }
0x59: {  	[sflag:s12] =	ssyncset.done $0x0  }
0x5a: {  	[sflag:s12] =	ssyncadd.s32 $0xFFFFEC00  }
0x5b: {  	[spmem:s5] =	stream.linear.scatter [tilespmem:s11], [sflag:$0x3], $0x1400, $0x38;
	[tilespmem:$0x1EF00] =	vst v63  }
0x5c: {  	_ =	swait.ge [sflag:s12], $0x1400  }
0x5d: {  	[sflag:s12] =	ssyncset.done $0x0  }
0x5e: {  	[sflag:s12] =	ssyncadd.s32 $0xFFFFEC00  }
0x5f: {  	[spmem:s6] =	stream.linear.scatter [tilespmem:s11], [sflag:$0x3], $0x1400, $0x38;
	[tilespmem:$0x1EF00] =	vst v63  }
0x60: {  	_ =	swait.ge [sflag:s12], $0x1400  }
0x61: {  	[sflag:s12] =	ssyncset.done $0x0  }
0x62: {  	[sflag:s12] =	ssyncadd.s32 $0xFFFFEC00  }
0x63: {  	[spmem:s7] =	stream.linear.scatter [tilespmem:s11], [sflag:$0x3], $0x1400, $0x38;
	[tilespmem:$0x1EF00] =	vst v63  }
0x64: {  	_ =	swait.ge [sflag:s12], $0x1400  }
0x65: {  	[sflag:s12] =	ssyncset.done $0x0  }
0x66: {  	s2 =	rddreg [dreg:$0x17];
	[sflag:s12] =	ssyncadd.s32 $0xFFFFEC00  }
0x67: {  	[spmem:s2] =	stream.linear.scatter [tilespmem:s11], [sflag:$0x3], $0x1400, $0x38;
	[tilespmem:$0x1EF00] =	vst v63  }
0x68: {  	_ =	swait.ge [sflag:s12], $0x1400  }
0x69: {  	[sflag:s12] =	ssyncset.done $0x0  }
0x6a: {  	s3 =	rddreg [dreg:$0x18];
	[sflag:s12] =	ssyncadd.s32 $0xFFFFEC00  }
0x6b: {  	[spmem:s3] =	stream.linear.scatter [tilespmem:s11], [sflag:$0x3], $0x1400, $0x38;
	[tilespmem:$0x1EF00] =	vst v63  }
0x6c: {  	_ =	swait.ge [sflag:s12], $0x1400  }
0x6d: {  	[sflag:s12] =	ssyncset.done $0x0  }
0x6e: {  	s8 =	smov.u32 s4;
	s4 =	rddreg [dreg:$0x19];
	[sflag:s12] =	ssyncadd.s32 $0xFFFFEC00  }
0x6f: {  	[spmem:s4] =	stream.linear.scatter [tilespmem:s11], [sflag:$0x3], $0x1400, $0x38;
	[tilespmem:$0x1EF00] =	vst v63  }
0x70: {  	_ =	swait.ge [sflag:s12], $0x1400  }
0x71: {  	[sflag:s12] =	ssyncset.done $0x0  }
0x72: {  	s19 =	smov.u32 s5;
	s5 =	rddreg [dreg:$0x1a];
	[sflag:s12] =	ssyncadd.s32 $0xFFFFEC00  }
0x73: {  	[spmem:s5] =	stream.linear.scatter [tilespmem:s11], [sflag:$0x3], $0x1400, $0x38;
	[tilespmem:$0x1EF00] =	vst v63  }
0x74: {  	_ =	swait.ge [sflag:s12], $0x1400  }
0x75: {  	[sflag:s12] =	ssyncset.done $0x0  }
0x76: {  	s6 =	rddreg [dreg:$0x1b];
	[sflag:s12] =	ssyncadd.s32 $0xFFFFEC00  }
0x77: {  	[spmem:s6] =	stream.linear.scatter [tilespmem:s11], [sflag:$0x3], $0x1400, $0x38;
	[tilespmem:$0x1EF00] =	vst v63  }
0x78: {  	_ =	swait.ge [sflag:s12], $0x1400  }
0x79: {  	[sflag:s12] =	ssyncset.done $0x0  }
0x7a: {  	s7 =	rddreg [dreg:$0x1c];
	[sflag:s12] =	ssyncadd.s32 $0xFFFFEC00  }
0x7b: {  	[spmem:s7] =	stream.linear.scatter [tilespmem:s11], [sflag:$0x3], $0x1400, $0x38;
	[tilespmem:$0x1EF00] =	vst v63  }
0x7c: {  	_ =	swait.ge [sflag:s12], $0x1400  }
0x7d: {  	[sflag:s12] =	ssyncset.done $0x0  }
0x7e: {  	s24 =	rddreg [dreg:$0x1d];
	[sflag:s12] =	ssyncadd.s32 $0xFFFFEC00  }
0x7f: {  	[spmem:s24] =	stream.linear.scatter [tilespmem:s11], [sflag:$0x3], $0x1400, $0x38;
	[tilespmem:$0x1EF00] =	vst v63  }
0x80: {  	_ =	swait.ge [sflag:s12], $0x1400  }
0x81: {  	[sflag:s12] =	ssyncset.done $0x0  }
0x82: {  	s2 =	rddreg [dreg:$0x1e];
	[sflag:s12] =	ssyncadd.s32 $0xFFFFEC00  }
0x83: {  	[spmem:s2] =	stream.linear.scatter [tilespmem:s11], [sflag:$0x3], $0x1400, $0x38;
	[tilespmem:$0x1EF00] =	vst v63  }
0x84: {  	_ =	swait.ge [sflag:s12], $0x1400  }
0x85: {  	[sflag:s12] =	ssyncset.done $0x0  }
0x86: {  	s3 =	rddreg [dreg:$0x1f];
	[sflag:s12] =	ssyncadd.s32 $0xFFFFEC00  }
0x87: {  	[spmem:s3] =	stream.linear.scatter [tilespmem:s11], [sflag:$0x3], $0x1400, $0x38;
	[tilespmem:$0x1EF00] =	vst v63  }
0x88: {  	_ =	swait.ge [sflag:s12], $0x1400  }
0x89: {  	s4 =	sld [smem:$0x7F4]  }
0x8a: {  	[sflag:s12] =	ssyncset.done $0x0  }
0x8b: {  	[sflag:s12] =	ssyncadd.s32 $0xFFFFEC00  }
0x8c: {  	[spmem:s4] =	stream.linear.scatter [tilespmem:s11], [sflag:$0x3], $0x1400, $0x38;
	[tilespmem:$0x1EF00] =	vst v63  }
0x8d: {  	_ =	swait.ge [sflag:s12], $0x1400  }
0x8e: {  	s2 =	sld [smem:$0x7FC]  }
0x8f: {  	[sflag:s12] =	ssyncset.done $0x0  }
0x90: {  	s0 =	simm.s32 @p0 $0x5300;
	[sflag:s12] =	ssyncadd.s32 $0xFFFFEC00  }
0x91: {  	[spmem:s2] =	stream.linear.scatter @p0 [tilespmem:s0], [sflag:$0x3], $0xC00, $0x38;
	[tilespmem:$0x1EF00] =	vst v63  }
0x92: {  	s2 =	simm.s32 @p0 $0x3  }
0x93: {  	_ =	swait.ge @p0 [sflag:s2], $0xC00  }
0x94: {  	s3 =	sld [smem:$0x7FD]  }
0x95: {  	[sflag:s2] =	ssyncset.done @p0 $0x0  }
0x96: {  	[sflag:s2] =	ssyncadd.s32 @p0 $0xFFFFF400  }
0x97: {  	[spmem:s3] =	stream.linear.scatter @p0 [tilespmem:s0], [sflag:$0x3], $0x800, $0x38;
	[tilespmem:$0x1EF00] =	vst v63  }
0x98: {  	_ =	swait.ge @p0 [sflag:s2], $0x800  }
0x99: {  	[sflag:s2] =	ssyncset.done @p0 $0x0  }
0x9a: {  	[sflag:s2] =	ssyncadd.s32 @p0 $0xFFFFF800;
	s2 =	sld [smem:$0x7FB];
	_ =	sdelay $0x1  }
0x9b: {  	s0 =	simm.s32 @!p0 $0x5300  }
0x9c: {  	[spmem:s2] =	stream.linear.scatter @!p0 [tilespmem:s0], [sflag:$0x3], $0xC00, $0x38;
	[tilespmem:$0x1EF00] =	vst v63  }
0x9d: {  	s0 =	simm.s32 @!p0 $0x3  }
0x9e: {  	_ =	swait.ge @!p0 [sflag:s0], $0xC00  }
0x9f: {  	[sflag:s0] =	ssyncset.done @!p0 $0x0  }
0xa0: {  	[sflag:s0] =	ssyncadd.s32 @!p0 $0xFFFFF400  }
0xa1: {  	[bflag:$0x0] =	sbarrier.arrive $0xFFFF  }
0xa2: {  	s5 =	sld [smem:$0x7F5];
	_ =	sdelay $0x1  }
0xa3: {  	s0 =	simm.s32 $0x0  }
0xa4: {  	[tilespmem:s0], [sflag:$0x3] =	stream.linear.gather [hbm4b:s5+s0], $0x50, $0x38;
	[tilespmem:$0x1EF00] =	vst v63  }
0xa5: {  	_ =	swait.ge [sflag:s12], $0x50  }
0xa6: {  	[sflag:s12] =	ssyncset.done $0x0  }
0xa7: {  	[sflag:s12] =	ssyncadd.s32 $0xFFFFFFB0  }
0xa8: {  	v2 =	vld [tilespmem:$0x0]  }
0xa9: {  	v3 =	vld [tilespmem:$0x10]  }
0xaa: {  	v5 =	vld [tilespmem:$0x28]  }
0xab: {  	v6 =	vld [tilespmem:$0x38]  }
0xac: {  	v4 =	vld [tilespmem:$0x18]  }
0xad: {  	[tilespmem:$0x100] =	vst v2;
	v2 =	vld [tilespmem:$0x40]  }
0xae: {  	[tilespmem:$0x110] =	vst v3  }
0xaf: {  	[tilespmem:$0x200] =	vst v5  }
0xb0: {  	[tilespmem:$0x210] =	vst v6  }
0xb1: {  	[tilespmem:$0x118] =	vst v4  }
0xb2: {  	s6 =	simm.s32 $0x300;
	[tilespmem:$0x218] =	vst v2  }
0xb3: {  	[tilespmem:s6], [sflag:$0x1] =	stream.indirect.gather [hbm4b:s18+s13], $0x80, s14, s13, $0xb8;
	[tilespmem:$0x1EF00] =	vst v63  }
0xb4: {  	s7 =	simm.s32 $0x100;
	s24 =	simm.s32 $0x2B00  }
0xb5: {  	[tilespmem:s24], [sflag:$0x1] =	stream.indirect.gather [hbm4b:s21+s13], $0x80, s7, s13, $0xb8;
	[tilespmem:$0x1EF00] =	vst v63  }
0xb6: {  	_ = 	snop  }
0xb7: {  	[tilespmem:s11], [sflag:$0x1] =	stream.indirect.gather [hbm4b:s22+s13], $0x80, s7, s13, $0xb8;
	[tilespmem:$0x1EF00] =	vst v63  }
.LBB2_6:
0xb8: {  	s2 =	sshll.u32 s0, $0x1  }
0xb9: {  	s3 =	sadd.s32 s2, s9  }
0xba: {  	s3 =	smul.u32 $0xA, s3;
	_ =	sdelay $0x1  }
0xbb: {  	s3 =	sadd.s32 s23, s3  }
0xbc: {  	[tilespmem:s15], [sflag:$0x3] =	stream.linear.gather [hbm4b:s3+s1], $0x50, $0x38;
	[tilespmem:$0x1EF00] =	vst v63  }
0xbd: {  	_ =	swait.ge [sflag:s12], $0x50  }
0xbe: {  	[sflag:s12] =	ssyncset.done $0x0  }
0xbf: {  	[sflag:s12] =	ssyncadd.s32 $0xFFFFFFB0  }
0xc0: {  	v2 =	vld [tilespmem:$0x80]  }
0xc1: {  	v3 =	vld [tilespmem:$0x90]  }
0xc2: {  	v5 =	vld [tilespmem:$0xA8]  }
0xc3: {  	v6 =	vld [tilespmem:$0xB8]  }
0xc4: {  	v4 =	vld [tilespmem:$0x98]  }
0xc5: {  	[tilespmem:$0x180] =	vst v2;
	v2 =	vld [tilespmem:$0xC0]  }
0xc6: {  	[tilespmem:$0x190] =	vst v3  }
0xc7: {  	[tilespmem:$0x280] =	vst v5  }
0xc8: {  	[tilespmem:$0x290] =	vst v6  }
0xc9: {  	[tilespmem:$0x198] =	vst v4  }
0xca: {  	[tilespmem:$0x298] =	vst v2  }
0xcb: {  	[tilespmem:s25], [sflag:$0x2] =	stream.indirect.gather [hbm4b:s18+s13], $0x80, s16, s13, $0xb8;
	[tilespmem:$0x1EF00] =	vst v63  }
0xcc: {  	_ = 	snop  }
0xcd: {  	[tilespmem:s28], [sflag:$0x2] =	stream.indirect.gather [hbm4b:s21+s13], $0x80, s26, s13, $0xb8;
	[tilespmem:$0x1EF00] =	vst v63  }
0xce: {  	_ = 	snop  }
0xcf: {  	[tilespmem:s29], [sflag:$0x2] =	stream.indirect.gather [hbm4b:s22+s13], $0x80, s26, s13, $0xb8;
	[tilespmem:$0x1EF00] =	vst v63  }
0xd0: {  	_ =	swait.ge [sflag:s30], $0x1400  }
0xd1: {  	[sflag:s30] =	ssyncset.done $0x0  }
0xd2: {  	[sflag:s30] =	ssyncadd.s32 $0xFFFFEC00  }
0xd3: {  	_ =	swait.ge [sflag:s30], $0x1400  }
0xd4: {  	[sflag:s30] =	ssyncset.done $0x0  }
0xd5: {  	[sflag:s30] =	ssyncadd.s32 $0xFFFFEC00  }
0xd6: {  	_ =	swait.ge [sflag:s30], $0x1400  }
0xd7: {  	[sflag:s30] =	ssyncset.done $0x0  }
0xd8: {  	s5 =	simm.s32 $0x400;
	[sflag:s30] =	ssyncadd.s32 $0xFFFFEC00  }
0xd9: {  	s3 =	simm.s32 $0x2C00;
	v2 =	vld [tilespmem:s5+$0x80]  }
0xda: {  	v3 =	vld [tilespmem:s3+$0x80]  }
0xdb: {  	v4 =	vld [tilespmem:s5+$0x90]  }
0xdc: {  	v5 =	vld [tilespmem:s3+$0x90]  }
0xdd: {  	v6 =	vld [tilespmem:s5+$0xA0]  }
0xde: {  	v7 =	vld [tilespmem:s3+$0xA0]  }
0xdf: {  	v8 =	vld [tilespmem:s5+$0xB0]  }
0xe0: {  	v9 =	vld [tilespmem:s3+$0xB0]  }
0xe1: {  	v10 =	vld [tilespmem:s5+$0xC0]  }
0xe2: {  	v11 =	vld [tilespmem:s3+$0xC0]  }
0xe3: {  	v12 =	vld [tilespmem:s5+$0xD0]  }
0xe4: {  	v13 =	vld [tilespmem:s3+$0xD0]  }
0xe5: {  	v14 =	vld [tilespmem:s5+$0xE0]  }
0xe6: {  	v15 =	vld [tilespmem:s3+$0xE0]  }
0xe7: {  	v16 =	vld [tilespmem:s5+$0xF0]  }
0xe8: {  	v17 =	vld [tilespmem:s3+$0xF0]  }
0xe9: {  	v18 =	vld [tilespmem:s3+$0xFFFFFF00]  }
0xea: {  	v19 =	vld [tilespmem:s5+$0xFFFFFF90]  }
0xeb: {  	v20 =	vld [tilespmem:s3+$0xFFFFFF90]  }
0xec: {  	v21 =	vld [tilespmem:s5+$0xFFFFFFA0];
	v2 =	vmul.f32 v3, v2;
	v3 =	vmul.f32 v5, v4  }
0xed: {  	v22 =	vld [tilespmem:s3+$0xFFFFFFA0];
	v5 =	vmul.f32 v7, v6;
	v6 =	vmul.f32 v9, v8  }
0xee: {  	v23 =	vld [tilespmem:s5+$0xFFFFFFB0];
	v8 =	vmul.f32 v11, v10;
	v9 =	vmul.f32 v13, v12  }
0xef: {  	v25 =	vld [tilespmem:s3+$0xFFFFFFB0];
	v11 =	vmul.f32 v15, v14;
	v12 =	vmul.f32 v17, v16  }
0xf0: {  	v26 =	vld [tilespmem:s5+$0xFFFFFFC0];
	v2 =	vadd.f32 v3, v2;
	v3 =	vadd.f32 v6, v5  }
0xf1: {  	v27 =	vld [tilespmem:s3+$0xFFFFFFC0];
	v6 =	vadd.f32 v9, v8;
	v8 =	vadd.f32 v12, v11  }
0xf2: {  	v28 =	vld [tilespmem:s5+$0xFFFFFFD0]  }
0xf3: {  	v29 =	vld [tilespmem:s3+$0xFFFFFFD0];
	v2 =	vadd.f32 v3, v2;
	v3 =	vadd.f32 v8, v6  }
0xf4: {  	v58 =	vld [tilespmem:s5+$0xFFFFFFE0]  }
0xf5: {  	v30 =	vld [tilespmem:s3+$0xFFFFFFE0];
	v2 =	vadd.f32 v3, v2  }
0xf6: {  	v31 =	vld [tilespmem:s5+$0xFFFFFFF0]  }
0xf7: {  	s4 =	simm.s32 $0x5400;
	v32 =	vld [tilespmem:s3+$0xFFFFFFF0];
	(xrf2) =	vadd.scan.msk.f32 $0xffff, v2  }
0xf8: {  	v33 =	vld [tilespmem:s4+$0x80]  }
0xf9: {  	v60 =	vld [tilespmem:s4+$0xA0]  }
0xfa: {  	v63 =	vld [tilespmem:s4+$0xB0]  }
0xfb: {  	v48 =	vld [tilespmem:s4+$0xC0]  }
0xfc: {  	v50 =	vld [tilespmem:s4+$0xD0]  }
0xfd: {  	v51 =	vld [tilespmem:s4+$0xE0]  }
0xfe: {  	v17 =	vld [tilespmem:s3+$0xFFFFFF80]  }
0xff: {  	v3 =	vld [tilespmem:s5+$0xFFFFFF80]  }
0x100: {  	v52 =	vld [tilespmem:s5+$0x0]  }
0x101: {  	v53 =	vld [tilespmem:s3+$0x0];
	v59 =	vmul.f32 v25, v23;
	v24, _, _ =	vpop (xrf2)  }
0x102: {  	v54 =	vld [tilespmem:s3+$0x10];
	v61 =	vmul.f32 v27, v26;
	v24 =	vmul.f32 $1.442695020e+00, v24  }
0x103: {  	v55 =	vld [tilespmem:s5+$0x20];
	v62 =	vmul.f32 v29, v28;
	v47 =	vmul.f32 v32, v31  }
0x104: {  	v56 =	vld [tilespmem:s3+$0x20];
	v3 =	vmul.f32 v17, v3;
	v24 =	vbroadcast v24, $0xF  }
0x105: {  	v57 =	vld [tilespmem:s5+$0x30];
	v17 =	vmul.f32 v20, v19;
	v20 =	vmul.f32 v22, v21  }
0x106: {  	v34 =	vld [tilespmem:s5+$0x40];
	(erf) = vpow2.f32 v24;
	v24 =	vmul.f32 v30, v58  }
0x107: {  	v35 =	vld [tilespmem:s3+$0x40];
	v23 =	vadd.f32 v62, v61;
	v3 =	vadd.f32 v17, v3  }
0x108: {  	v36 =	vld [tilespmem:s5+$0x50];
	v17 =	vadd.f32 v59, v20;
	v24 =	vadd.f32 v47, v24  }
0x109: {  	v37 =	vld [tilespmem:s3+$0x50]  }
0x10a: {  	v38 =	vld [tilespmem:s5+$0x60];
	v3 =	vadd.f32 v17, v3;
	v17 =	vadd.f32 v24, v23  }
0x10b: {  	v43 =	vld [tilespmem:s5+$0xFFFFFF00]  }
0x10c: {  	v4 =	vld [tilespmem:s5+$0xFFFFFF10];
	v3 =	vadd.f32 v17, v3  }
0x10d: {  	v7 =	vld [tilespmem:s3+$0xFFFFFF10]  }
0x10e: {  	v10 =	vld [tilespmem:s5+$0xFFFFFF20];
	(xrf2) =	vadd.scan.msk.f32 $0xffff, v3  }
0x10f: {  	v13 =	vld [tilespmem:s3+$0xFFFFFF20]  }
0x110: {  	v14 =	vld [tilespmem:s5+$0xFFFFFF60]  }
0x111: {  	v15 =	vld [tilespmem:s5+$0xFFFFFF70]  }
0x112: {  	v16 =	vld [tilespmem:s3+$0xFFFFFF70]  }
0x113: {  	v5 =	vld [tilespmem:s5+$0xFFFFFF30]  }
0x114: {  	v9 =	vld [tilespmem:s3+$0xFFFFFF30]  }
0x115: {  	v11 =	vld [tilespmem:s5+$0xFFFFFF40]  }
0x116: {  	v12 =	vld [tilespmem:s3+$0xFFFFFF50]  }
0x117: {  	v6 =	vld [tilespmem:s3+$0xFFFFFF40];
	v49 =	vpop (erf)  }
0x118: {  	v8 =	vld [tilespmem:s5+$0xFFFFFF50];
	v20 =	vmul.f32 v49, v33;
	v3, _, _ =	vpop (xrf2)  }
0x119: {  	v2 =	vld [tilespmem:s3+$0xFFFFFF60];
	v41 =	vmul.f32 $1.442695020e+00, v3  }
0x11a: {  	v44 =	vmul.f32 v7, v4;
	v10 =	vmul.f32 v13, v10;
	[tilespmem:s4+$0x80] =	vst v20;
	v20 =	vld [tilespmem:s4+$0xF0]  }
0x11b: {  	v13 =	vmul.f32 v18, v43;
	v19 =	vld [tilespmem:s4+$0x90];
	v7 =	vbroadcast v41, $0xF  }
0x11c: {  	v39 =	vld [tilespmem:s3+$0x60];
	v9 =	vmul.f32 v9, v5;
	v11 =	vmul.f32 v6, v11  }
0x11d: {  	v40 =	vld [tilespmem:s5+$0x70];
	(erf) = vpow2.f32 v7;
	v7 =	vmul.f32 v12, v8  }
0x11e: {  	v42 =	vld [tilespmem:s3+$0x70];
	v8 =	vmul.f32 v2, v14;
	v12 =	vmul.f32 v16, v15  }
0x11f: {  	v4 =	vld [tilespmem:s4+$0xFFFFFF10];
	v13 =	vadd.f32 v44, v13;
	v9 =	vadd.f32 v9, v10;
	v18 =	vmul.f32 v20, v49  }
0x120: {  	v58 =	vld [tilespmem:s3+$0x30];
	v10 =	vadd.f32 v7, v11;
	v11 =	vmul.f32 v49, v19;
	v12 =	vadd.f32 v12, v8  }
0x121: {  	v61 =	vmul.f32 v39, v38;
	v17 =	vld [tilespmem:s5+$0x10];
	[tilespmem:s4+$0xF0] =	vst v18;
	v14 =	vmul.f32 v49, v60  }
0x122: {  	v9 =	vadd.f32 v9, v13;
	v15 =	vld [tilespmem:s4+$0xFFFFFF80];
	[tilespmem:s4+$0x90] =	vst v11;
	v11 =	vmul.f32 v49, v63;
	v10 =	vadd.f32 v12, v10  }
0x123: {  	v62 =	vmul.f32 v42, v40;
	v13 =	vld [tilespmem:s4+$0xFFFFFF90];
	[tilespmem:s4+$0xA0] =	vst v14;
	v12 =	vmul.f32 v48, v49  }
0x124: {  	v5 =	vld [tilespmem:s4+$0xFFFFFF20];
	v18 =	vmul.f32 v37, v36;
	[tilespmem:s4+$0xB0] =	vst v11;
	v11 =	vmul.f32 v50, v49;
	v9 =	vadd.f32 v10, v9  }
0x125: {  	v6 =	vld [tilespmem:s4+$0xFFFFFF30];
	v14 =	vmul.f32 v53, v52;
	[tilespmem:s4+$0xC0] =	vst v12;
	v12 =	vmul.f32 v51, v49  }
0x126: {  	v59 =	vld [tilespmem:s4+$0xFFFFFFD0];
	[tilespmem:s4+$0xD0] =	vst v11;
	v11 =	vmul.f32 v54, v17;
	v17 =	vmul.f32 v56, v55;
	(xrf2) =	vadd.scan.msk.f32 $0xffff, v9;
	v19 =	vpop (erf)  }
0x127: {  	v20 =	vld [tilespmem:s4+$0xFFFFFFC0];
	[tilespmem:s4+$0xE0] =	vst v12;
	v12 =	vmul.f32 v58, v57;
	v9 =	vmul.f32 v19, v15  }
0x128: {  	v3 =	vld [tilespmem:s4+$0xFFFFFF00];
	v15 =	vmul.f32 v35, v34;
	v13 =	vmul.f32 v19, v13  }
0x129: {  	v2 =	vld [tilespmem:s4+$0xFFFFFF40];
	v14 =	vadd.f32 v11, v14;
	v17 =	vadd.f32 v12, v17  }
0x12a: {  	v16 =	vld [tilespmem:s4+$0xFFFFFFA0];
	[tilespmem:s4+$0xFFFFFF90] =	vst v13;
	v13 =	vadd.f32 v18, v15;
	v18 =	vadd.f32 v62, v61  }
0x12b: {  	v60 =	vld [tilespmem:s4+$0xFFFFFFE0]  }
0x12c: {  	v10 =	vld [tilespmem:s4+$0xFFFFFFB0];
	v17 =	vadd.f32 v17, v14;
	v18 =	vadd.f32 v18, v13  }
0x12d: {  	v7 =	vld [tilespmem:s4+$0xFFFFFF50]  }
0x12e: {  	v63 =	vld [tilespmem:s4+$0xFFFFFFF0];
	v17 =	vadd.f32 v18, v17  }
0x12f: {  	s6 =	simm.s32 $0x7C00;
	v8 =	vld [tilespmem:s4+$0xFFFFFF60]  }
0x130: {  	[tilespmem:s6+$0x80] =	vst v49;
	v16 =	vmul.f32 v19, v16;
	v11 =	vld [tilespmem:s4+$0x0];
	v18, _, _ =	vpop (xrf2);
	(xrf2) =	vadd.scan.msk.f32 $0xffff, v17  }
0x131: {  	v12 =	vld [tilespmem:s4+$0x20];
	v10 =	vmul.f32 v19, v10;
	[tilespmem:s4+$0xFFFFFF80] =	vst v9  }
0x132: {  	v9 =	vld [tilespmem:s4+$0xFFFFFF70];
	[tilespmem:s4+$0xFFFFFFA0] =	vst v16;
	v16 =	vmul.f32 v20, v19  }
0x133: {  	v15 =	vld [tilespmem:s4+$0x10];
	v20 =	vmul.f32 v63, v19;
	[tilespmem:s4+$0xFFFFFFB0] =	vst v10  }
0x134: {  	v14 =	vld [tilespmem:s4+$0x40];
	v10 =	vmul.f32 v59, v19;
	[tilespmem:s4+$0xFFFFFFC0] =	vst v16  }
0x135: {  	v16 =	vmul.f32 v60, v19;
	v13 =	vld [tilespmem:s4+$0x30];
	[tilespmem:s4+$0xFFFFFFF0] =	vst v20  }
0x136: {  	[tilespmem:s4+$0xFFFFFFD0] =	vst v10;
	v10 =	vld [tilespmem:s4+$0x50]  }
0x137: {  	[tilespmem:s4+$0xFFFFFFE0] =	vst v16;
	v16 =	vld [tilespmem:s4+$0x60]  }
0x138: {  	s7 =	simm.s32 $0x0;
	s24 =	simm.s32 $0x600;
	s5 =	simm.s32 $0x7B00;
	[tilespmem:s6+$0xFFFFFF80] =	vst v19;
	v17 =	vld [tilespmem:s4+$0x70];
	v18 =	vmul.f32 $1.442695020e+00, v18  }
.LBB2_7:
0x139: {  	v19 =	vld [tilespmem:s24+$0x80];
	s3 =	sadd.s32 $0x200, s3  }
0x13a: {  	v20 =	vld [tilespmem:s3+$0x80];
	v18 =	vbroadcast v18, $0xF;
	v21, _, _ =	vpop (xrf2)  }
0x13b: {  	v22 =	vld [tilespmem:s24+$0x90];
	v21 =	vmul.f32 $1.442695020e+00, v21  }
0x13c: {  	v23 =	vld [tilespmem:s3+$0x90];
	(erf) = vpow2.f32 v18  }
0x13d: {  	v18 =	vld [tilespmem:s24+$0xA0];
	v21 =	vbroadcast v21, $0xF  }
0x13e: {  	v24 =	vld [tilespmem:s3+$0xA0]  }
0x13f: {  	v25 =	vld [tilespmem:s24+$0xB0];
	(erf) = vpow2.f32 v21  }
0x140: {  	v21 =	vld [tilespmem:s3+$0xB0]  }
0x141: {  	v26 =	vld [tilespmem:s24+$0xC0]  }
0x142: {  	v27 =	vld [tilespmem:s3+$0xC0]  }
0x143: {  	v28 =	vld [tilespmem:s24+$0xD0]  }
0x144: {  	v29 =	vld [tilespmem:s3+$0xD0]  }
0x145: {  	v30 =	vld [tilespmem:s24+$0xE0];
	v31 =	vpop (erf)  }
0x146: {  	v32 =	vld [tilespmem:s3+$0xE0];
	v3 =	vmul.f32 v31, v3;
	v4 =	vmul.f32 v31, v4  }
0x147: {  	v5 =	vmul.f32 v31, v5;
	v6 =	vmul.f32 v31, v6;
	v33 =	vld [tilespmem:s24+$0xF0]  }
0x148: {  	v7 =	vmul.f32 v7, v31;
	v34 =	vld [tilespmem:s3+$0xF0];
	[tilespmem:s4+$0xFFFFFF00] =	vst v3;
	v3 =	vmul.f32 v2, v31;
	v35 =	vpop (erf)  }
0x149: {  	v2 =	vld [tilespmem:s3+$0xFFFFFF00];
	[tilespmem:s4+$0xFFFFFF10] =	vst v4;
	v4 =	vmul.f32 v8, v31;
	v8 =	vmul.f32 v9, v31  }
0x14a: {  	v19 =	vmul.f32 v20, v19;
	v20 =	vmul.f32 v23, v22;
	v9 =	vld [tilespmem:s24+$0xFFFFFF10];
	[tilespmem:s4+$0xFFFFFF20] =	vst v5  }
0x14b: {  	v18 =	vmul.f32 v24, v18;
	v21 =	vmul.f32 v21, v25;
	v5 =	vld [tilespmem:s3+$0xFFFFFF10];
	[tilespmem:s4+$0xFFFFFF30] =	vst v6  }
0x14c: {  	v22 =	vmul.f32 v27, v26;
	v23 =	vmul.f32 v29, v28;
	v6 =	vld [tilespmem:s24+$0xFFFFFF20];
	[tilespmem:s4+$0xFFFFFF40] =	vst v3  }
0x14d: {  	v24 =	vmul.f32 v32, v30;
	v3 =	vld [tilespmem:s3+$0xFFFFFF20];
	v25 =	vmul.f32 v34, v33;
	[tilespmem:s4+$0xFFFFFF50] =	vst v7  }
0x14e: {  	v19 =	vadd.f32 v20, v19;
	v18 =	vadd.f32 v21, v18;
	v7 =	vld [tilespmem:s24+$0xFFFFFF30];
	[tilespmem:s4+$0xFFFFFF60] =	vst v4;
	v4 =	vmul.f32 v35, v11  }
0x14f: {  	v15 =	vmul.f32 v35, v15;
	v20 =	vadd.f32 v23, v22;
	v11 =	vld [tilespmem:s3+$0xFFFFFF30];
	v21 =	vadd.f32 v25, v24;
	[tilespmem:s4+$0xFFFFFF70] =	vst v8  }
0x150: {  	s7 =	sadd.s32 $0x4, s7;
	v8 =	vmul.f32 v5, v9;
	v5 =	vld [tilespmem:s24+$0xFFFFFF40];
	[tilespmem:s6+$0xFFFFFF00] =	vst v31;
	v9 =	vmul.f32 v35, v12  }
0x151: {  	p1 =	slt.u32 s7, $0x24;
	v18 =	vadd.f32 v18, v19;
	v12 =	vld [tilespmem:s3+$0xFFFFFF40];
	v19 =	vadd.f32 v21, v20;
	[tilespmem:s4+$0x0] =	vst v4;
	v4 =	vmul.f32 v35, v13  }
0x152: {  	v13 =	vmul.f32 v14, v35;
	v3 =	vmul.f32 v3, v6;
	v6 =	vld [tilespmem:s24+$0xFFFFFF50];
	[tilespmem:s4+$0x10] =	vst v15  }
0x153: {  	v16 =	vmul.f32 v16, v35;
	v14 =	vld [tilespmem:s3+$0xFFFFFF50];
	v15 =	vadd.f32 v19, v18;
	[tilespmem:s4+$0x20] =	vst v9;
	v9 =	vmul.f32 v10, v35  }
0x154: {  	v7 =	vmul.f32 v11, v7;
	v11 =	vld [tilespmem:s24+$0xFFFFFF60];
	[tilespmem:s4+$0x30] =	vst v4;
	v4 =	vmul.f32 v17, v35  }
0x155: {  	v17 =	vld [tilespmem:s3+$0xFFFFFF60];
	(xrf2) =	vadd.scan.msk.f32 $0xffff, v15;
	[tilespmem:s4+$0x40] =	vst v13  }
0x156: {  	v5 =	vmul.f32 v12, v5;
	v12 =	vld [tilespmem:s24+$0xFFFFFF70];
	v10 =	vadd.f32 v7, v3;
	[tilespmem:s4+$0x50] =	vst v9  }
0x157: {  	v3 =	vld [tilespmem:s3+$0xFFFFFF70];
	[tilespmem:s4+$0x60] =	vst v16  }
0x158: {  	v6 =	vmul.f32 v14, v6;
	v7 =	vld [tilespmem:s24+$0xFFFFFF80];
	[tilespmem:s4+$0x70] =	vst v4  }
0x159: {  	v4 =	vld [tilespmem:s3+$0xFFFFFF80];
	[tilespmem:s6+$0x0] =	vst v35  }
0x15a: {  	v9 =	vmul.f32 v17, v11;
	v5 =	vadd.f32 v6, v5;
	v6 =	vld [tilespmem:s24+$0xFFFFFF90]  }
0x15b: {  	v13 =	vld [tilespmem:s3+$0xFFFFFF90]  }
0x15c: {  	v3 =	vmul.f32 v3, v12;
	v12 =	vld [tilespmem:s24+$0xFFFFFFA0]  }
0x15d: {  	v14 =	vld [tilespmem:s3+$0xFFFFFFA0]  }
0x15e: {  	v3 =	vadd.f32 v3, v9;
	v4 =	vmul.f32 v4, v7;
	v7 =	vld [tilespmem:s24+$0xFFFFFFB0]  }
0x15f: {  	v9 =	vld [tilespmem:s3+$0xFFFFFFB0];
	v15, _, _ =	vpop (xrf2)  }
0x160: {  	v11 =	vadd.f32 v3, v5;
	v3 =	vmul.f32 v13, v6;
	v5 =	vld [tilespmem:s24+$0xFFFFFFC0];
	v6 =	vmul.f32 $1.442695020e+00, v15  }
0x161: {  	v13 =	vld [tilespmem:s3+$0xFFFFFFC0]  }
0x162: {  	v12 =	vmul.f32 v14, v12;
	v14 =	vld [tilespmem:s24+$0xFFFFFFD0];
	v3 =	vadd.f32 v3, v4;
	v4 =	vbroadcast v6, $0xF  }
0x163: {  	v6 =	vld [tilespmem:s3+$0xFFFFFFD0]  }
0x164: {  	v7 =	vmul.f32 v9, v7;
	v9 =	vld [tilespmem:s24+$0xFFFFFFE0];
	(erf) = vpow2.f32 v4  }
0x165: {  	v4 =	vld [tilespmem:s3+$0xFFFFFFE0]  }
0x166: {  	v5 =	vmul.f32 v13, v5;
	v13 =	vld [tilespmem:s24+$0xFFFFFFF0];
	v7 =	vadd.f32 v7, v12  }
0x167: {  	v12 =	vld [tilespmem:s3+$0xFFFFFFF0]  }
0x168: {  	s4 =	sadd.s32 $0x200, s4;
	v6 =	vmul.f32 v6, v14;
	v3 =	vadd.f32 v7, v3;
	v7 =	vld [tilespmem:s24+$0x0]  }
0x169: {  	v14 =	vld [tilespmem:s4+$0x80]  }
0x16a: {  	v4 =	vmul.f32 v4, v9;
	v5 =	vadd.f32 v6, v5;
	v6 =	vld [tilespmem:s4+$0x90]  }
0x16b: {  	v9 =	vld [tilespmem:s4+$0xA0]  }
0x16c: {  	v12 =	vmul.f32 v12, v13;
	v13 =	vld [tilespmem:s4+$0xB0]  }
0x16d: {  	v15 =	vld [tilespmem:s4+$0xC0];
	v16 =	vpop (erf)  }
0x16e: {  	v4 =	vadd.f32 v12, v4;
	v12 =	vmul.f32 v16, v14;
	v14 =	vld [tilespmem:s4+$0xD0]  }
0x16f: {  	v6 =	vmul.f32 v16, v6;
	v17 =	vld [tilespmem:s4+$0xE0]  }
0x170: {  	v4 =	vadd.f32 v4, v5;
	[tilespmem:s4+$0x80] =	vst v12;
	v5 =	vmul.f32 v16, v9;
	v9 =	vld [tilespmem:s4+$0xF0]  }
0x171: {  	v12 =	vld [tilespmem:s3+$0x0];
	[tilespmem:s4+$0x90] =	vst v6;
	v6 =	vmul.f32 v16, v13  }
0x172: {  	v3 =	vadd.f32 v4, v3;
	v4 =	vld [tilespmem:s24+$0x10];
	[tilespmem:s4+$0xA0] =	vst v5;
	v5 =	vmul.f32 v15, v16  }
0x173: {  	v13 =	vld [tilespmem:s3+$0x10];
	[tilespmem:s4+$0xB0] =	vst v6;
	v6 =	vmul.f32 v14, v16  }
0x174: {  	v14 =	vld [tilespmem:s24+$0x20];
	[tilespmem:s4+$0xC0] =	vst v5;
	v5 =	vmul.f32 v17, v16;
	(xrf2) =	vadd.scan.msk.f32 $0xffff, v3  }
0x175: {  	v3 =	vld [tilespmem:s3+$0x20];
	[tilespmem:s4+$0xD0] =	vst v6;
	v6 =	vmul.f32 v9, v16  }
0x176: {  	v7 =	vmul.f32 v12, v7;
	v9 =	vld [tilespmem:s24+$0x30];
	[tilespmem:s4+$0xE0] =	vst v5  }
0x177: {  	s6 =	sadd.s32 $0x200, s6;
	v5 =	vld [tilespmem:s3+$0x30];
	[tilespmem:s4+$0xF0] =	vst v6  }
0x178: {  	v4 =	vmul.f32 v13, v4;
	v6 =	vld [tilespmem:s24+$0x40];
	[tilespmem:s6+$0x80] =	vst v16  }
0x179: {  	v12 =	vld [tilespmem:s3+$0x40]  }
0x17a: {  	v3 =	vmul.f32 v3, v14;
	v13 =	vld [tilespmem:s24+$0x50];
	v4 =	vadd.f32 v4, v7  }
0x17b: {  	v7 =	vld [tilespmem:s3+$0x50]  }
0x17c: {  	v15 =	vmul.f32 v5, v9;
	v9 =	vld [tilespmem:s24+$0x60]  }
0x17d: {  	v14 =	vld [tilespmem:s3+$0x60]  }
0x17e: {  	v6 =	vmul.f32 v12, v6;
	v12 =	vld [tilespmem:s24+$0x70];
	v3 =	vadd.f32 v15, v3;
	v5, _, _ =	vpop (xrf2)  }
0x17f: {  	v5 =	vmul.f32 $1.442695020e+00, v5;
	v15 =	vld [tilespmem:s3+$0x70]  }
0x180: {  	v16 =	vld [tilespmem:s24+$0xFFFFFF00];
	v7 =	vmul.f32 v7, v13;
	v13 =	vadd.f32 v3, v4  }
0x181: {  	v3 =	vld [tilespmem:s4+$0xFFFFFF00];
	v17 =	vbroadcast v5, $0xF  }
0x182: {  	v4 =	vld [tilespmem:s4+$0xFFFFFF10];
	v9 =	vmul.f32 v14, v9;
	v14 =	vadd.f32 v7, v6  }
0x183: {  	v5 =	vld [tilespmem:s4+$0xFFFFFF20];
	(erf) = vpow2.f32 v17  }
0x184: {  	v6 =	vld [tilespmem:s4+$0xFFFFFF30];
	v12 =	vmul.f32 v15, v12  }
0x185: {  	v15 =	vmul.f32 v2, v16;
	v2 =	vld [tilespmem:s4+$0xFFFFFF40]  }
0x186: {  	v7 =	vld [tilespmem:s4+$0xFFFFFF50];
	v12 =	vadd.f32 v12, v9  }
0x187: {  	v15 =	vadd.f32 v8, v15;
	v8 =	vld [tilespmem:s4+$0xFFFFFF60]  }
0x188: {  	v9 =	vld [tilespmem:s4+$0xFFFFFF70];
	v12 =	vadd.f32 v12, v14  }
0x189: {  	v10 =	vadd.f32 v10, v15;
	v14 =	vld [tilespmem:s4+$0xFFFFFF80]  }
0x18a: {  	v15 =	vld [tilespmem:s4+$0xFFFFFF90];
	v12 =	vadd.f32 v12, v13  }
0x18b: {  	v10 =	vadd.f32 v11, v10;
	v11 =	vld [tilespmem:s4+$0xFFFFFFA0]  }
0x18c: {  	v13 =	vld [tilespmem:s4+$0xFFFFFFB0];
	v17 =	vpop (erf)  }
0x18d: {  	v16 =	vld [tilespmem:s4+$0xFFFFFFC0];
	(xrf2) =	vadd.scan.msk.f32 $0xffff, v10  }
0x18e: {  	v10 =	vmul.f32 v17, v14;
	v14 =	vld [tilespmem:s4+$0xFFFFFFD0]  }
0x18f: {  	v15 =	vmul.f32 v17, v15;
	v18 =	vld [tilespmem:s4+$0xFFFFFFE0]  }
0x190: {  	[tilespmem:s4+$0xFFFFFF80] =	vst v10;
	v10 =	vmul.f32 v17, v11;
	v19 =	vld [tilespmem:s4+$0xFFFFFFF0];
	(xrf2) =	vadd.scan.msk.f32 $0xffff, v12  }
0x191: {  	[tilespmem:s4+$0xFFFFFF90] =	vst v15;
	v12 =	vmul.f32 v17, v13;
	v11 =	vld [tilespmem:s4+$0x0]  }
0x192: {  	[tilespmem:s4+$0xFFFFFFA0] =	vst v10;
	v10 =	vmul.f32 v16, v17;
	v15 =	vld [tilespmem:s4+$0x10]  }
0x193: {  	[tilespmem:s4+$0xFFFFFFB0] =	vst v12;
	v14 =	vmul.f32 v14, v17;
	v12 =	vld [tilespmem:s4+$0x20]  }
.Ltmp2:
0x194: {  	[tilespmem:s4+$0xFFFFFFC0] =	vst v10;
	v10 =	vmul.f32 v18, v17;
	v13 =	vld [tilespmem:s4+$0x30];
	(pc) =	sbr.rel @p1 .LBB2_7-.Ltmp2, $4  }
0x195: {  	[tilespmem:s4+$0xFFFFFFD0] =	vst v14;
	v16 =	vmul.f32 v19, v17;
	v14 =	vld [tilespmem:s4+$0x40]  }
0x196: {  	[tilespmem:s4+$0xFFFFFFE0] =	vst v10;
	v10 =	vld [tilespmem:s4+$0x50]  }
0x197: {  	[tilespmem:s4+$0xFFFFFFF0] =	vst v16;
	v16 =	vld [tilespmem:s4+$0x60];
	v18, _, _ =	vpop (xrf2)  }
0x198: {  	s24 =	sadd.s32 $0x200, s24;
	v18 =	vmul.f32 $1.442695020e+00, v18;
	[tilespmem:s6+$0xFFFFFF80] =	vst v17;
	v17 =	vld [tilespmem:s4+$0x70]  }
0x199: {  	_ = 	snop  }
0x19a: {  	v18 =	vbroadcast v18, $0xF;
	_ =	sdelay $0x1  }
0x19b: {  	(erf) = vpow2.f32 v18;
	_ =	sdelay $0x2  }
0x19c: {  	v58, _, _ =	vpop (xrf2)  }
0x19d: {  	v18 =	vmul.f32 $1.442695020e+00, v58;
	_ =	sdelay $0x1  }
0x19e: {  	v18 =	vbroadcast v18, $0xF;
	_ =	sdelay $0x1  }
0x19f: {  	(erf) = vpow2.f32 v18  }
0x1a0: {  	v59 =	vpop (erf)  }
0x1a1: {  	v3 =	vmul.f32 v59, v3  }
0x1a2: {  	v4 =	vmul.f32 v59, v4  }
0x1a3: {  	v5 =	vmul.f32 v59, v5;
	[tilespmem:s4+$0xFFFFFF00] =	vst v3  }
0x1a4: {  	v2 =	vmul.f32 v2, v59;
	[tilespmem:s4+$0xFFFFFF10] =	vst v4  }
0x1a5: {  	v60 =	vmul.f32 v7, v59;
	[tilespmem:s4+$0xFFFFFF20] =	vst v5  }
0x1a6: {  	v3 =	vmul.f32 v59, v6;
	[tilespmem:s4+$0xFFFFFF40] =	vst v2  }
0x1a7: {  	v2 =	vmul.f32 v9, v59;
	[tilespmem:s4+$0xFFFFFF50] =	vst v60  }
0x1a8: {  	v61 =	vpop (erf);
	[tilespmem:s4+$0xFFFFFF30] =	vst v3;
	v3 =	vmul.f32 v8, v59  }
0x1a9: {  	[tilespmem:s4+$0xFFFFFF70] =	vst v2;
	v2 =	vmul.f32 v61, v15  }
0x1aa: {  	v62 =	vmul.f32 v61, v12;
	[tilespmem:s4+$0xFFFFFF60] =	vst v3  }
0x1ab: {  	v63 =	vmul.f32 v10, v61;
	[tilespmem:s4+$0x10] =	vst v2  }
0x1ac: {  	[tilespmem:s4+$0x20] =	vst v62  }
0x1ad: {  	v3 =	vmul.f32 v61, v11;
	[tilespmem:s4+$0x50] =	vst v63  }
0x1ae: {  	v2 =	vmul.f32 v14, v61;
	[tilespmem:s6+$0xFFFFFF00] =	vst v59  }
0x1af: {  	[tilespmem:s4+$0x0] =	vst v3;
	v3 =	vmul.f32 v61, v13  }
0x1b0: {  	[tilespmem:s4+$0x40] =	vst v2;
	v2 =	vmul.f32 v17, v61  }
0x1b1: {  	[tilespmem:s4+$0x30] =	vst v3;
	v3 =	vmul.f32 v16, v61  }
0x1b2: {  	[tilespmem:s4+$0x70] =	vst v2  }
0x1b3: {  	[tilespmem:s4+$0x60] =	vst v3  }
0x1b4: {  	s3 =	simm.s32 $0x0;
	[tilespmem:s6+$0x0] =	vst v61  }
0x1b5: {  	v2 =	vld [tilespmem:s3+$0x28];
	_ =	sdelay $0x4  }
0x1b6: {  	(v2sf) =	vpush v2, $0x0;
	_ =	sdelay $0xd  }
0x1b7: {  	v2 =	vld [tilespmem:s5+$0x0]  }
0x1b8: {  	s24 =	spop (v2sf)  }
0x1b9: {  	v3 =	vld [tilespmem:s24+$0x8F00];
	_ =	sdelay $0x2  }
0x1ba: {  	v2 =	vmul.f32 v1, v2;
	_ =	sdelay $0x1  }
0x1bb: {  	v2 =	vadd.f32 v3, v2;
	_ =	sdelay $0x1  }
0x1bc: {  	s4 =	simm.s32 $0x1;
	s3 =	simm.s32 $0x8;
	[tilespmem:s24+$0x8F00] =	vst v2  }
.LBB2_9:
0x1bd: {  	p1 =	sne.s32 s3, $0x9C;
	v2 =	vld [tilespmem:s4+$0x28];
	_ =	sdelay $0x4  }
0x1be: {  	(v2sf) =	vpush v2, $0x0;
	_ =	sdelay $0xc  }
0x1bf: {  	s5 =	sadd.s32 $0x80, s5  }
0x1c0: {  	v2 =	vld [tilespmem:s5+$0x0]  }
0x1c1: {  	s6 =	spop (v2sf)  }
0x1c2: {  	v3 =	vld [tilespmem:s6+$0x8F00];
	_ =	sdelay $0x2  }
.Ltmp3:
0x1c3: {  	v2 =	vmul.f32 v1, v2;
	(pc) =	sbr.rel @p1 .LBB2_9-.Ltmp3, $3  }
0x1c4: {  	_ = 	snop  }
0x1c5: {  	v2 =	vadd.f32 v3, v2;
	_ =	sdelay $0x1  }
0x1c6: {  	s4 =	sshra.s32 s3, $0x2;
	s3 =	sadd.s32 $0x4, s3;
	[tilespmem:s6+$0x8F00] =	vst v2  }
0x1c7: {  	v2 =	vld [tilespmem:s4+$0x28];
	_ =	sdelay $0x4  }
0x1c8: {  	(v2sf) =	vpush v2, $0x0;
	_ =	sdelay $0xc  }
0x1c9: {  	s3 =	sadd.s32 $0x80, s5  }
0x1ca: {  	v2 =	vld [tilespmem:s3+$0x0]  }
0x1cb: {  	s7 =	spop (v2sf)  }
0x1cc: {  	v3 =	vld [tilespmem:s7+$0x8F00];
	_ =	sdelay $0x2  }
0x1cd: {  	v2 =	vmul.f32 v1, v2;
	_ =	sdelay $0x1  }
0x1ce: {  	v2 =	vadd.f32 v3, v2  }
0x1cf: {  	p1 =	seq.s32 s0, $0x7C  }
0x1d0: {  	s2 =	sadd.s32 @!p1 s2, s10;
	[tilespmem:s7+$0x8F00] =	vst v2  }
0x1d1: {  	[spmem:s20] =	stream.indirect.scatter.add.f32 [tilespmem:s11], [sflag:$0x3], $0x80, s14, s13, $0xb8;
	[tilespmem:$0x1EF00] =	vst v63  }
0x1d2: {  	s2 =	smul.u32 @!p1 $0xA, s2;
	_ =	swait.ge [sflag:s12], $0x1400  }
0x1d3: {  	[sflag:s12] =	ssyncset.done $0x0  }
0x1d4: {  	s2 =	sadd.s32 @!p1 s23, s2;
	s3 =	simm.s32 @!p1 $0x0;
	[sflag:s12] =	ssyncadd.s32 $0xFFFFEC00  }
0x1d5: {  	[tilespmem:s3], [sflag:$0x3] =	stream.linear.gather @!p1 [hbm4b:s2+s3], $0x50, $0x38;
	[tilespmem:$0x1EF00] =	vst v63  }
0x1d6: {  	s2 =	simm.s32 @!p1 $0x3  }
0x1d7: {  	_ =	swait.ge @!p1 [sflag:s2], $0x50  }
0x1d8: {  	[sflag:s2] =	ssyncset.done @!p1 $0x0  }
0x1d9: {  	[sflag:s2] =	ssyncadd.s32 @!p1 $0xFFFFFFB0  }
0x1da: {  	v2 =	vld @!p1 [tilespmem:$0x0]  }
0x1db: {  	v3 =	vld @!p1 [tilespmem:$0x10]  }
0x1dc: {  	v5 =	vld @!p1 [tilespmem:$0x28]  }
0x1dd: {  	v6 =	vld @!p1 [tilespmem:$0x38]  }
0x1de: {  	v4 =	vld @!p1 [tilespmem:$0x18]  }
0x1df: {  	[tilespmem:$0x100] =	vst @!p1 v2;
	v2 =	vld @!p1 [tilespmem:$0x40]  }
0x1e0: {  	[tilespmem:$0x110] =	vst @!p1 v3  }
0x1e1: {  	[tilespmem:$0x200] =	vst @!p1 v5  }
0x1e2: {  	[tilespmem:$0x210] =	vst @!p1 v6  }
0x1e3: {  	[tilespmem:$0x118] =	vst @!p1 v4  }
0x1e4: {  	s4 =	simm.s32 @!p1 $0x300;
	s3 =	simm.s32 @!p1 $0x200;
	s2 =	simm.s32 @!p1 $0x28;
	[tilespmem:$0x218] =	vst @!p1 v2  }
0x1e5: {  	[tilespmem:s4], [sflag:$0x1] =	stream.indirect.gather @!p1 [hbm4b:s18+s2], $0x80, s3, s2, $0xb8;
	[tilespmem:$0x1EF00] =	vst v63  }
0x1e6: {  	s3 =	simm.s32 @!p1 $0x100;
	s4 =	simm.s32 @!p1 $0x2B00  }
0x1e7: {  	[tilespmem:s4], [sflag:$0x1] =	stream.indirect.gather @!p1 [hbm4b:s21+s2], $0x80, s3, s2, $0xb8;
	[tilespmem:$0x1EF00] =	vst v63  }
0x1e8: {  	s4 =	simm.s32 @!p1 $0x5300  }
0x1e9: {  	[tilespmem:s4], [sflag:$0x1] =	stream.indirect.gather @!p1 [hbm4b:s22+s2], $0x80, s3, s2, $0xb8;
	[tilespmem:$0x1EF00] =	vst v63  }
0x1ea: {  	_ =	swait.ge [sflag:s31], $0x1400  }
0x1eb: {  	[sflag:s31] =	ssyncset.done $0x0  }
0x1ec: {  	[sflag:s31] =	ssyncadd.s32 $0xFFFFEC00  }
0x1ed: {  	_ =	swait.ge [sflag:s31], $0x1400  }
0x1ee: {  	[sflag:s31] =	ssyncset.done $0x0  }
0x1ef: {  	[sflag:s31] =	ssyncadd.s32 $0xFFFFEC00  }
0x1f0: {  	_ =	swait.ge [sflag:s31], $0x1400  }
0x1f1: {  	[sflag:s31] =	ssyncset.done $0x0  }
0x1f2: {  	s24 =	simm.s32 $0x1800;
	[sflag:s31] =	ssyncadd.s32 $0xFFFFEC00  }
0x1f3: {  	s2 =	simm.s32 $0x4000;
	v2 =	vld [tilespmem:s24+$0x80]  }
0x1f4: {  	v3 =	vld [tilespmem:s2+$0x80]  }
0x1f5: {  	v4 =	vld [tilespmem:s24+$0x90]  }
0x1f6: {  	v5 =	vld [tilespmem:s2+$0x90]  }
0x1f7: {  	v6 =	vld [tilespmem:s24+$0xA0]  }
0x1f8: {  	v7 =	vld [tilespmem:s2+$0xA0]  }
0x1f9: {  	v8 =	vld [tilespmem:s24+$0xB0]  }
0x1fa: {  	v9 =	vld [tilespmem:s2+$0xB0]  }
0x1fb: {  	v10 =	vld [tilespmem:s24+$0xC0]  }
0x1fc: {  	v11 =	vld [tilespmem:s2+$0xC0]  }
0x1fd: {  	v12 =	vld [tilespmem:s24+$0xD0]  }
0x1fe: {  	v13 =	vld [tilespmem:s2+$0xD0]  }
0x1ff: {  	v14 =	vld [tilespmem:s24+$0xE0]  }
0x200: {  	v15 =	vld [tilespmem:s2+$0xE0]  }
0x201: {  	v16 =	vld [tilespmem:s24+$0xF0]  }
0x202: {  	v17 =	vld [tilespmem:s2+$0xF0]  }
0x203: {  	v18 =	vld [tilespmem:s2+$0xFFFFFF00]  }
0x204: {  	v19 =	vld [tilespmem:s24+$0xFFFFFF90]  }
0x205: {  	v20 =	vld [tilespmem:s2+$0xFFFFFF90]  }
0x206: {  	v21 =	vld [tilespmem:s24+$0xFFFFFFA0];
	v2 =	vmul.f32 v3, v2;
	v3 =	vmul.f32 v5, v4  }
0x207: {  	v22 =	vld [tilespmem:s2+$0xFFFFFFA0];
	v5 =	vmul.f32 v7, v6;
	v6 =	vmul.f32 v9, v8  }
0x208: {  	v23 =	vld [tilespmem:s24+$0xFFFFFFB0];
	v8 =	vmul.f32 v11, v10;
	v9 =	vmul.f32 v13, v12  }
0x209: {  	v25 =	vld [tilespmem:s2+$0xFFFFFFB0];
	v11 =	vmul.f32 v15, v14;
	v12 =	vmul.f32 v17, v16  }
0x20a: {  	v26 =	vld [tilespmem:s24+$0xFFFFFFC0];
	v2 =	vadd.f32 v3, v2;
	v3 =	vadd.f32 v6, v5  }
0x20b: {  	v27 =	vld [tilespmem:s2+$0xFFFFFFC0];
	v6 =	vadd.f32 v9, v8;
	v8 =	vadd.f32 v12, v11  }
0x20c: {  	v28 =	vld [tilespmem:s24+$0xFFFFFFD0]  }
0x20d: {  	v29 =	vld [tilespmem:s2+$0xFFFFFFD0];
	v2 =	vadd.f32 v3, v2;
	v3 =	vadd.f32 v8, v6  }
0x20e: {  	v58 =	vld [tilespmem:s24+$0xFFFFFFE0]  }
0x20f: {  	v30 =	vld [tilespmem:s2+$0xFFFFFFE0];
	v2 =	vadd.f32 v3, v2  }
0x210: {  	v31 =	vld [tilespmem:s24+$0xFFFFFFF0]  }
0x211: {  	s3 =	simm.s32 $0x6800;
	v32 =	vld [tilespmem:s2+$0xFFFFFFF0];
	(xrf2) =	vadd.scan.msk.f32 $0xffff, v2  }
0x212: {  	v33 =	vld [tilespmem:s3+$0x80]  }
0x213: {  	v60 =	vld [tilespmem:s3+$0xA0]  }
0x214: {  	v63 =	vld [tilespmem:s3+$0xB0]  }
0x215: {  	v48 =	vld [tilespmem:s3+$0xC0]  }
0x216: {  	v50 =	vld [tilespmem:s3+$0xD0]  }
0x217: {  	v51 =	vld [tilespmem:s3+$0xE0]  }
0x218: {  	v17 =	vld [tilespmem:s2+$0xFFFFFF80]  }
0x219: {  	v3 =	vld [tilespmem:s24+$0xFFFFFF80]  }
0x21a: {  	v52 =	vld [tilespmem:s24+$0x0]  }
0x21b: {  	v53 =	vld [tilespmem:s2+$0x0];
	v59 =	vmul.f32 v25, v23;
	v24, _, _ =	vpop (xrf2)  }
0x21c: {  	v54 =	vld [tilespmem:s2+$0x10];
	v61 =	vmul.f32 v27, v26;
	v24 =	vmul.f32 $1.442695020e+00, v24  }
0x21d: {  	v55 =	vld [tilespmem:s24+$0x20];
	v62 =	vmul.f32 v29, v28;
	v47 =	vmul.f32 v32, v31  }
0x21e: {  	v56 =	vld [tilespmem:s2+$0x20];
	v3 =	vmul.f32 v17, v3;
	v24 =	vbroadcast v24, $0xF  }
0x21f: {  	v57 =	vld [tilespmem:s24+$0x30];
	v17 =	vmul.f32 v20, v19;
	v20 =	vmul.f32 v22, v21  }
0x220: {  	v34 =	vld [tilespmem:s24+$0x40];
	(erf) = vpow2.f32 v24;
	v24 =	vmul.f32 v30, v58  }
0x221: {  	v35 =	vld [tilespmem:s2+$0x40];
	v23 =	vadd.f32 v62, v61;
	v3 =	vadd.f32 v17, v3  }
0x222: {  	v36 =	vld [tilespmem:s24+$0x50];
	v17 =	vadd.f32 v59, v20;
	v24 =	vadd.f32 v47, v24  }
0x223: {  	v37 =	vld [tilespmem:s2+$0x50]  }
0x224: {  	v38 =	vld [tilespmem:s24+$0x60];
	v3 =	vadd.f32 v17, v3;
	v17 =	vadd.f32 v24, v23  }
0x225: {  	v43 =	vld [tilespmem:s24+$0xFFFFFF00]  }
0x226: {  	v4 =	vld [tilespmem:s24+$0xFFFFFF10];
	v3 =	vadd.f32 v17, v3  }
0x227: {  	v7 =	vld [tilespmem:s2+$0xFFFFFF10]  }
0x228: {  	v10 =	vld [tilespmem:s24+$0xFFFFFF20];
	(xrf2) =	vadd.scan.msk.f32 $0xffff, v3  }
0x229: {  	v13 =	vld [tilespmem:s2+$0xFFFFFF20]  }
0x22a: {  	v14 =	vld [tilespmem:s24+$0xFFFFFF60]  }
0x22b: {  	v15 =	vld [tilespmem:s24+$0xFFFFFF70]  }
0x22c: {  	v16 =	vld [tilespmem:s2+$0xFFFFFF70]  }
0x22d: {  	v5 =	vld [tilespmem:s24+$0xFFFFFF30]  }
0x22e: {  	v9 =	vld [tilespmem:s2+$0xFFFFFF30]  }
0x22f: {  	v11 =	vld [tilespmem:s24+$0xFFFFFF40]  }
0x230: {  	v12 =	vld [tilespmem:s2+$0xFFFFFF50]  }
0x231: {  	v6 =	vld [tilespmem:s2+$0xFFFFFF40];
	v49 =	vpop (erf)  }
0x232: {  	v8 =	vld [tilespmem:s24+$0xFFFFFF50];
	v20 =	vmul.f32 v49, v33;
	v3, _, _ =	vpop (xrf2)  }
0x233: {  	v2 =	vld [tilespmem:s2+$0xFFFFFF60];
	v41 =	vmul.f32 $1.442695020e+00, v3  }
0x234: {  	v44 =	vmul.f32 v7, v4;
	v10 =	vmul.f32 v13, v10;
	[tilespmem:s3+$0x80] =	vst v20;
	v20 =	vld [tilespmem:s3+$0xF0]  }
0x235: {  	v13 =	vmul.f32 v18, v43;
	v19 =	vld [tilespmem:s3+$0x90];
	v7 =	vbroadcast v41, $0xF  }
0x236: {  	v39 =	vld [tilespmem:s2+$0x60];
	v9 =	vmul.f32 v9, v5;
	v11 =	vmul.f32 v6, v11  }
0x237: {  	v40 =	vld [tilespmem:s24+$0x70];
	(erf) = vpow2.f32 v7;
	v7 =	vmul.f32 v12, v8  }
0x238: {  	v42 =	vld [tilespmem:s2+$0x70];
	v8 =	vmul.f32 v2, v14;
	v12 =	vmul.f32 v16, v15  }
0x239: {  	v4 =	vld [tilespmem:s3+$0xFFFFFF10];
	v13 =	vadd.f32 v44, v13;
	v9 =	vadd.f32 v9, v10;
	v18 =	vmul.f32 v20, v49  }
0x23a: {  	v58 =	vld [tilespmem:s2+$0x30];
	v10 =	vadd.f32 v7, v11;
	v11 =	vmul.f32 v49, v19;
	v12 =	vadd.f32 v12, v8  }
0x23b: {  	v61 =	vmul.f32 v39, v38;
	v17 =	vld [tilespmem:s24+$0x10];
	[tilespmem:s3+$0xF0] =	vst v18;
	v14 =	vmul.f32 v49, v60  }
0x23c: {  	v9 =	vadd.f32 v9, v13;
	v15 =	vld [tilespmem:s3+$0xFFFFFF80];
	[tilespmem:s3+$0x90] =	vst v11;
	v11 =	vmul.f32 v49, v63;
	v10 =	vadd.f32 v12, v10  }
0x23d: {  	v62 =	vmul.f32 v42, v40;
	v13 =	vld [tilespmem:s3+$0xFFFFFF90];
	[tilespmem:s3+$0xA0] =	vst v14;
	v12 =	vmul.f32 v48, v49  }
0x23e: {  	v5 =	vld [tilespmem:s3+$0xFFFFFF20];
	v18 =	vmul.f32 v37, v36;
	[tilespmem:s3+$0xB0] =	vst v11;
	v11 =	vmul.f32 v50, v49;
	v9 =	vadd.f32 v10, v9  }
0x23f: {  	v6 =	vld [tilespmem:s3+$0xFFFFFF30];
	v14 =	vmul.f32 v53, v52;
	[tilespmem:s3+$0xC0] =	vst v12;
	v12 =	vmul.f32 v51, v49  }
0x240: {  	v59 =	vld [tilespmem:s3+$0xFFFFFFD0];
	[tilespmem:s3+$0xD0] =	vst v11;
	v11 =	vmul.f32 v54, v17;
	v17 =	vmul.f32 v56, v55;
	(xrf2) =	vadd.scan.msk.f32 $0xffff, v9;
	v19 =	vpop (erf)  }
0x241: {  	v20 =	vld [tilespmem:s3+$0xFFFFFFC0];
	[tilespmem:s3+$0xE0] =	vst v12;
	v12 =	vmul.f32 v58, v57;
	v9 =	vmul.f32 v19, v15  }
0x242: {  	v3 =	vld [tilespmem:s3+$0xFFFFFF00];
	v15 =	vmul.f32 v35, v34;
	v13 =	vmul.f32 v19, v13  }
0x243: {  	v2 =	vld [tilespmem:s3+$0xFFFFFF40];
	v14 =	vadd.f32 v11, v14;
	v17 =	vadd.f32 v12, v17  }
0x244: {  	v16 =	vld [tilespmem:s3+$0xFFFFFFA0];
	[tilespmem:s3+$0xFFFFFF90] =	vst v13;
	v13 =	vadd.f32 v18, v15;
	v18 =	vadd.f32 v62, v61  }
0x245: {  	v60 =	vld [tilespmem:s3+$0xFFFFFFE0]  }
0x246: {  	v10 =	vld [tilespmem:s3+$0xFFFFFFB0];
	v17 =	vadd.f32 v17, v14;
	v18 =	vadd.f32 v18, v13  }
0x247: {  	v7 =	vld [tilespmem:s3+$0xFFFFFF50]  }
0x248: {  	v63 =	vld [tilespmem:s3+$0xFFFFFFF0];
	v17 =	vadd.f32 v18, v17  }
0x249: {  	s4 =	simm.s32 $0x7C00;
	v8 =	vld [tilespmem:s3+$0xFFFFFF60]  }
0x24a: {  	[tilespmem:s4+$0x80] =	vst v49;
	v16 =	vmul.f32 v19, v16;
	v11 =	vld [tilespmem:s3+$0x0];
	v18, _, _ =	vpop (xrf2);
	(xrf2) =	vadd.scan.msk.f32 $0xffff, v17  }
0x24b: {  	v12 =	vld [tilespmem:s3+$0x20];
	v10 =	vmul.f32 v19, v10;
	[tilespmem:s3+$0xFFFFFF80] =	vst v9  }
0x24c: {  	v9 =	vld [tilespmem:s3+$0xFFFFFF70];
	[tilespmem:s3+$0xFFFFFFA0] =	vst v16;
	v16 =	vmul.f32 v20, v19  }
0x24d: {  	v15 =	vld [tilespmem:s3+$0x10];
	v20 =	vmul.f32 v63, v19;
	[tilespmem:s3+$0xFFFFFFB0] =	vst v10  }
0x24e: {  	v14 =	vld [tilespmem:s3+$0x40];
	v10 =	vmul.f32 v59, v19;
	[tilespmem:s3+$0xFFFFFFC0] =	vst v16  }
0x24f: {  	v16 =	vmul.f32 v60, v19;
	v13 =	vld [tilespmem:s3+$0x30];
	[tilespmem:s3+$0xFFFFFFF0] =	vst v20  }
0x250: {  	[tilespmem:s3+$0xFFFFFFD0] =	vst v10;
	v10 =	vld [tilespmem:s3+$0x50]  }
0x251: {  	[tilespmem:s3+$0xFFFFFFE0] =	vst v16;
	v16 =	vld [tilespmem:s3+$0x60]  }
0x252: {  	s5 =	simm.s32 $0x0;
	s6 =	simm.s32 $0x1A00;
	[tilespmem:s4+$0xFFFFFF80] =	vst v19;
	v17 =	vld [tilespmem:s3+$0x70];
	v18 =	vmul.f32 $1.442695020e+00, v18  }
.LBB2_11:
0x253: {  	v19 =	vld [tilespmem:s6+$0x80];
	s2 =	sadd.s32 $0x200, s2  }
0x254: {  	v20 =	vld [tilespmem:s2+$0x80];
	v18 =	vbroadcast v18, $0xF;
	v21, _, _ =	vpop (xrf2)  }
0x255: {  	v22 =	vld [tilespmem:s6+$0x90];
	v21 =	vmul.f32 $1.442695020e+00, v21  }
0x256: {  	v23 =	vld [tilespmem:s2+$0x90];
	(erf) = vpow2.f32 v18  }
0x257: {  	v18 =	vld [tilespmem:s6+$0xA0];
	v21 =	vbroadcast v21, $0xF  }
0x258: {  	v24 =	vld [tilespmem:s2+$0xA0]  }
0x259: {  	v25 =	vld [tilespmem:s6+$0xB0];
	(erf) = vpow2.f32 v21  }
0x25a: {  	v21 =	vld [tilespmem:s2+$0xB0]  }
0x25b: {  	v26 =	vld [tilespmem:s6+$0xC0]  }
0x25c: {  	v27 =	vld [tilespmem:s2+$0xC0]  }
0x25d: {  	v28 =	vld [tilespmem:s6+$0xD0]  }
0x25e: {  	v29 =	vld [tilespmem:s2+$0xD0]  }
0x25f: {  	v30 =	vld [tilespmem:s6+$0xE0];
	v31 =	vpop (erf)  }
0x260: {  	v32 =	vld [tilespmem:s2+$0xE0];
	v3 =	vmul.f32 v31, v3;
	v4 =	vmul.f32 v31, v4  }
0x261: {  	v5 =	vmul.f32 v31, v5;
	v6 =	vmul.f32 v31, v6;
	v33 =	vld [tilespmem:s6+$0xF0]  }
0x262: {  	v7 =	vmul.f32 v7, v31;
	v34 =	vld [tilespmem:s2+$0xF0];
	[tilespmem:s3+$0xFFFFFF00] =	vst v3;
	v3 =	vmul.f32 v2, v31;
	v35 =	vpop (erf)  }
0x263: {  	v2 =	vld [tilespmem:s2+$0xFFFFFF00];
	[tilespmem:s3+$0xFFFFFF10] =	vst v4;
	v4 =	vmul.f32 v8, v31;
	v8 =	vmul.f32 v9, v31  }
0x264: {  	v19 =	vmul.f32 v20, v19;
	v20 =	vmul.f32 v23, v22;
	v9 =	vld [tilespmem:s6+$0xFFFFFF10];
	[tilespmem:s3+$0xFFFFFF20] =	vst v5  }
0x265: {  	v18 =	vmul.f32 v24, v18;
	v21 =	vmul.f32 v21, v25;
	v5 =	vld [tilespmem:s2+$0xFFFFFF10];
	[tilespmem:s3+$0xFFFFFF30] =	vst v6  }
0x266: {  	v22 =	vmul.f32 v27, v26;
	v23 =	vmul.f32 v29, v28;
	v6 =	vld [tilespmem:s6+$0xFFFFFF20];
	[tilespmem:s3+$0xFFFFFF40] =	vst v3  }
0x267: {  	v24 =	vmul.f32 v32, v30;
	v3 =	vld [tilespmem:s2+$0xFFFFFF20];
	v25 =	vmul.f32 v34, v33;
	[tilespmem:s3+$0xFFFFFF50] =	vst v7  }
0x268: {  	v19 =	vadd.f32 v20, v19;
	v18 =	vadd.f32 v21, v18;
	v7 =	vld [tilespmem:s6+$0xFFFFFF30];
	[tilespmem:s3+$0xFFFFFF60] =	vst v4;
	v4 =	vmul.f32 v35, v11  }
0x269: {  	v15 =	vmul.f32 v35, v15;
	v20 =	vadd.f32 v23, v22;
	v11 =	vld [tilespmem:s2+$0xFFFFFF30];
	v21 =	vadd.f32 v25, v24;
	[tilespmem:s3+$0xFFFFFF70] =	vst v8  }
0x26a: {  	s5 =	sadd.s32 $0x4, s5;
	v8 =	vmul.f32 v5, v9;
	v5 =	vld [tilespmem:s6+$0xFFFFFF40];
	[tilespmem:s4+$0xFFFFFF00] =	vst v31;
	v9 =	vmul.f32 v35, v12  }
0x26b: {  	p1 =	slt.u32 s5, $0x24;
	v18 =	vadd.f32 v18, v19;
	v12 =	vld [tilespmem:s2+$0xFFFFFF40];
	v19 =	vadd.f32 v21, v20;
	[tilespmem:s3+$0x0] =	vst v4;
	v4 =	vmul.f32 v35, v13  }
0x26c: {  	v13 =	vmul.f32 v14, v35;
	v3 =	vmul.f32 v3, v6;
	v6 =	vld [tilespmem:s6+$0xFFFFFF50];
	[tilespmem:s3+$0x10] =	vst v15  }
0x26d: {  	v16 =	vmul.f32 v16, v35;
	v14 =	vld [tilespmem:s2+$0xFFFFFF50];
	v15 =	vadd.f32 v19, v18;
	[tilespmem:s3+$0x20] =	vst v9;
	v9 =	vmul.f32 v10, v35  }
0x26e: {  	v7 =	vmul.f32 v11, v7;
	v11 =	vld [tilespmem:s6+$0xFFFFFF60];
	[tilespmem:s3+$0x30] =	vst v4;
	v4 =	vmul.f32 v17, v35  }
0x26f: {  	v17 =	vld [tilespmem:s2+$0xFFFFFF60];
	(xrf2) =	vadd.scan.msk.f32 $0xffff, v15;
	[tilespmem:s3+$0x40] =	vst v13  }
0x270: {  	v5 =	vmul.f32 v12, v5;
	v12 =	vld [tilespmem:s6+$0xFFFFFF70];
	v10 =	vadd.f32 v7, v3;
	[tilespmem:s3+$0x50] =	vst v9  }
0x271: {  	v3 =	vld [tilespmem:s2+$0xFFFFFF70];
	[tilespmem:s3+$0x60] =	vst v16  }
0x272: {  	v6 =	vmul.f32 v14, v6;
	v7 =	vld [tilespmem:s6+$0xFFFFFF80];
	[tilespmem:s3+$0x70] =	vst v4  }
0x273: {  	v4 =	vld [tilespmem:s2+$0xFFFFFF80];
	[tilespmem:s4+$0x0] =	vst v35  }
0x274: {  	v9 =	vmul.f32 v17, v11;
	v5 =	vadd.f32 v6, v5;
	v6 =	vld [tilespmem:s6+$0xFFFFFF90]  }
0x275: {  	v13 =	vld [tilespmem:s2+$0xFFFFFF90]  }
0x276: {  	v3 =	vmul.f32 v3, v12;
	v12 =	vld [tilespmem:s6+$0xFFFFFFA0]  }
0x277: {  	v14 =	vld [tilespmem:s2+$0xFFFFFFA0]  }
0x278: {  	v3 =	vadd.f32 v3, v9;
	v4 =	vmul.f32 v4, v7;
	v7 =	vld [tilespmem:s6+$0xFFFFFFB0]  }
0x279: {  	v9 =	vld [tilespmem:s2+$0xFFFFFFB0];
	v15, _, _ =	vpop (xrf2)  }
0x27a: {  	v11 =	vadd.f32 v3, v5;
	v3 =	vmul.f32 v13, v6;
	v5 =	vld [tilespmem:s6+$0xFFFFFFC0];
	v6 =	vmul.f32 $1.442695020e+00, v15  }
0x27b: {  	v13 =	vld [tilespmem:s2+$0xFFFFFFC0]  }
0x27c: {  	v12 =	vmul.f32 v14, v12;
	v14 =	vld [tilespmem:s6+$0xFFFFFFD0];
	v3 =	vadd.f32 v3, v4;
	v4 =	vbroadcast v6, $0xF  }
0x27d: {  	v6 =	vld [tilespmem:s2+$0xFFFFFFD0]  }
0x27e: {  	v7 =	vmul.f32 v9, v7;
	v9 =	vld [tilespmem:s6+$0xFFFFFFE0];
	(erf) = vpow2.f32 v4  }
0x27f: {  	v4 =	vld [tilespmem:s2+$0xFFFFFFE0]  }
0x280: {  	v5 =	vmul.f32 v13, v5;
	v13 =	vld [tilespmem:s6+$0xFFFFFFF0];
	v7 =	vadd.f32 v7, v12  }
0x281: {  	v12 =	vld [tilespmem:s2+$0xFFFFFFF0]  }
0x282: {  	s3 =	sadd.s32 $0x200, s3;
	v6 =	vmul.f32 v6, v14;
	v3 =	vadd.f32 v7, v3;
	v7 =	vld [tilespmem:s6+$0x0]  }
0x283: {  	v14 =	vld [tilespmem:s3+$0x80]  }
0x284: {  	v4 =	vmul.f32 v4, v9;
	v5 =	vadd.f32 v6, v5;
	v6 =	vld [tilespmem:s3+$0x90]  }
0x285: {  	v9 =	vld [tilespmem:s3+$0xA0]  }
0x286: {  	v12 =	vmul.f32 v12, v13;
	v13 =	vld [tilespmem:s3+$0xB0]  }
0x287: {  	v15 =	vld [tilespmem:s3+$0xC0];
	v16 =	vpop (erf)  }
0x288: {  	v4 =	vadd.f32 v12, v4;
	v12 =	vmul.f32 v16, v14;
	v14 =	vld [tilespmem:s3+$0xD0]  }
0x289: {  	v6 =	vmul.f32 v16, v6;
	v17 =	vld [tilespmem:s3+$0xE0]  }
0x28a: {  	v4 =	vadd.f32 v4, v5;
	[tilespmem:s3+$0x80] =	vst v12;
	v5 =	vmul.f32 v16, v9;
	v9 =	vld [tilespmem:s3+$0xF0]  }
0x28b: {  	v12 =	vld [tilespmem:s2+$0x0];
	[tilespmem:s3+$0x90] =	vst v6;
	v6 =	vmul.f32 v16, v13  }
0x28c: {  	v3 =	vadd.f32 v4, v3;
	v4 =	vld [tilespmem:s6+$0x10];
	[tilespmem:s3+$0xA0] =	vst v5;
	v5 =	vmul.f32 v15, v16  }
0x28d: {  	v13 =	vld [tilespmem:s2+$0x10];
	[tilespmem:s3+$0xB0] =	vst v6;
	v6 =	vmul.f32 v14, v16  }
0x28e: {  	v14 =	vld [tilespmem:s6+$0x20];
	[tilespmem:s3+$0xC0] =	vst v5;
	v5 =	vmul.f32 v17, v16;
	(xrf2) =	vadd.scan.msk.f32 $0xffff, v3  }
0x28f: {  	v3 =	vld [tilespmem:s2+$0x20];
	[tilespmem:s3+$0xD0] =	vst v6;
	v6 =	vmul.f32 v9, v16  }
0x290: {  	v7 =	vmul.f32 v12, v7;
	v9 =	vld [tilespmem:s6+$0x30];
	[tilespmem:s3+$0xE0] =	vst v5  }
0x291: {  	s4 =	sadd.s32 $0x200, s4;
	v5 =	vld [tilespmem:s2+$0x30];
	[tilespmem:s3+$0xF0] =	vst v6  }
0x292: {  	s7 =	simm.s32 $0x7B00;
	v4 =	vmul.f32 v13, v4;
	v6 =	vld [tilespmem:s6+$0x40];
	[tilespmem:s4+$0x80] =	vst v16  }
0x293: {  	v12 =	vld [tilespmem:s2+$0x40]  }
0x294: {  	v3 =	vmul.f32 v3, v14;
	v13 =	vld [tilespmem:s6+$0x50];
	v4 =	vadd.f32 v4, v7  }
0x295: {  	v7 =	vld [tilespmem:s2+$0x50]  }
0x296: {  	v15 =	vmul.f32 v5, v9;
	v9 =	vld [tilespmem:s6+$0x60]  }
0x297: {  	v14 =	vld [tilespmem:s2+$0x60]  }
0x298: {  	v6 =	vmul.f32 v12, v6;
	v12 =	vld [tilespmem:s6+$0x70];
	v3 =	vadd.f32 v15, v3;
	v5, _, _ =	vpop (xrf2)  }
0x299: {  	v5 =	vmul.f32 $1.442695020e+00, v5;
	v15 =	vld [tilespmem:s2+$0x70]  }
0x29a: {  	v16 =	vld [tilespmem:s6+$0xFFFFFF00];
	v7 =	vmul.f32 v7, v13;
	v13 =	vadd.f32 v3, v4  }
0x29b: {  	v3 =	vld [tilespmem:s3+$0xFFFFFF00];
	v17 =	vbroadcast v5, $0xF  }
0x29c: {  	v4 =	vld [tilespmem:s3+$0xFFFFFF10];
	v9 =	vmul.f32 v14, v9;
	v14 =	vadd.f32 v7, v6  }
0x29d: {  	v5 =	vld [tilespmem:s3+$0xFFFFFF20];
	(erf) = vpow2.f32 v17  }
0x29e: {  	v6 =	vld [tilespmem:s3+$0xFFFFFF30];
	v12 =	vmul.f32 v15, v12  }
0x29f: {  	v15 =	vmul.f32 v2, v16;
	v2 =	vld [tilespmem:s3+$0xFFFFFF40]  }
0x2a0: {  	v7 =	vld [tilespmem:s3+$0xFFFFFF50];
	v12 =	vadd.f32 v12, v9  }
0x2a1: {  	v15 =	vadd.f32 v8, v15;
	v8 =	vld [tilespmem:s3+$0xFFFFFF60]  }
0x2a2: {  	v9 =	vld [tilespmem:s3+$0xFFFFFF70];
	v12 =	vadd.f32 v12, v14  }
0x2a3: {  	v10 =	vadd.f32 v10, v15;
	v14 =	vld [tilespmem:s3+$0xFFFFFF80]  }
0x2a4: {  	v15 =	vld [tilespmem:s3+$0xFFFFFF90];
	v12 =	vadd.f32 v12, v13  }
0x2a5: {  	v10 =	vadd.f32 v11, v10;
	v11 =	vld [tilespmem:s3+$0xFFFFFFA0]  }
0x2a6: {  	v13 =	vld [tilespmem:s3+$0xFFFFFFB0];
	v17 =	vpop (erf)  }
0x2a7: {  	v16 =	vld [tilespmem:s3+$0xFFFFFFC0];
	(xrf2) =	vadd.scan.msk.f32 $0xffff, v10  }
0x2a8: {  	v10 =	vmul.f32 v17, v14;
	v14 =	vld [tilespmem:s3+$0xFFFFFFD0]  }
0x2a9: {  	v15 =	vmul.f32 v17, v15;
	v18 =	vld [tilespmem:s3+$0xFFFFFFE0]  }
0x2aa: {  	[tilespmem:s3+$0xFFFFFF80] =	vst v10;
	v10 =	vmul.f32 v17, v11;
	v19 =	vld [tilespmem:s3+$0xFFFFFFF0];
	(xrf2) =	vadd.scan.msk.f32 $0xffff, v12  }
0x2ab: {  	[tilespmem:s3+$0xFFFFFF90] =	vst v15;
	v12 =	vmul.f32 v17, v13;
	v11 =	vld [tilespmem:s3+$0x0]  }
0x2ac: {  	[tilespmem:s3+$0xFFFFFFA0] =	vst v10;
	v10 =	vmul.f32 v16, v17;
	v15 =	vld [tilespmem:s3+$0x10]  }
0x2ad: {  	[tilespmem:s3+$0xFFFFFFB0] =	vst v12;
	v14 =	vmul.f32 v14, v17;
	v12 =	vld [tilespmem:s3+$0x20]  }
.Ltmp4:
0x2ae: {  	[tilespmem:s3+$0xFFFFFFC0] =	vst v10;
	v10 =	vmul.f32 v18, v17;
	v13 =	vld [tilespmem:s3+$0x30];
	(pc) =	sbr.rel @p1 .LBB2_11-.Ltmp4, $4  }
0x2af: {  	[tilespmem:s3+$0xFFFFFFD0] =	vst v14;
	v16 =	vmul.f32 v19, v17;
	v14 =	vld [tilespmem:s3+$0x40]  }
0x2b0: {  	[tilespmem:s3+$0xFFFFFFE0] =	vst v10;
	v10 =	vld [tilespmem:s3+$0x50]  }
0x2b1: {  	[tilespmem:s3+$0xFFFFFFF0] =	vst v16;
	v16 =	vld [tilespmem:s3+$0x60];
	v18, _, _ =	vpop (xrf2)  }
0x2b2: {  	s6 =	sadd.s32 $0x200, s6;
	v18 =	vmul.f32 $1.442695020e+00, v18;
	[tilespmem:s4+$0xFFFFFF80] =	vst v17;
	v17 =	vld [tilespmem:s3+$0x70]  }
0x2b3: {  	_ = 	snop  }
0x2b4: {  	v18 =	vbroadcast v18, $0xF;
	_ =	sdelay $0x1  }
0x2b5: {  	(erf) = vpow2.f32 v18;
	_ =	sdelay $0x2  }
0x2b6: {  	v58, _, _ =	vpop (xrf2)  }
0x2b7: {  	v18 =	vmul.f32 $1.442695020e+00, v58;
	_ =	sdelay $0x1  }
0x2b8: {  	v18 =	vbroadcast v18, $0xF;
	_ =	sdelay $0x1  }
0x2b9: {  	(erf) = vpow2.f32 v18  }
0x2ba: {  	v59 =	vpop (erf)  }
0x2bb: {  	v3 =	vmul.f32 v59, v3  }
0x2bc: {  	v4 =	vmul.f32 v59, v4  }
0x2bd: {  	v5 =	vmul.f32 v59, v5;
	[tilespmem:s3+$0xFFFFFF00] =	vst v3  }
0x2be: {  	v2 =	vmul.f32 v2, v59;
	[tilespmem:s3+$0xFFFFFF10] =	vst v4  }
0x2bf: {  	v60 =	vmul.f32 v7, v59;
	[tilespmem:s3+$0xFFFFFF20] =	vst v5  }
0x2c0: {  	v3 =	vmul.f32 v59, v6;
	[tilespmem:s3+$0xFFFFFF40] =	vst v2  }
0x2c1: {  	v2 =	vmul.f32 v9, v59;
	[tilespmem:s3+$0xFFFFFF50] =	vst v60  }
0x2c2: {  	v61 =	vpop (erf);
	[tilespmem:s3+$0xFFFFFF30] =	vst v3;
	v3 =	vmul.f32 v8, v59  }
0x2c3: {  	[tilespmem:s3+$0xFFFFFF70] =	vst v2;
	v2 =	vmul.f32 v61, v15  }
0x2c4: {  	v62 =	vmul.f32 v61, v12;
	[tilespmem:s3+$0xFFFFFF60] =	vst v3  }
0x2c5: {  	v63 =	vmul.f32 v10, v61;
	[tilespmem:s3+$0x10] =	vst v2  }
0x2c6: {  	[tilespmem:s3+$0x20] =	vst v62  }
0x2c7: {  	v3 =	vmul.f32 v61, v11;
	[tilespmem:s3+$0x50] =	vst v63  }
0x2c8: {  	v2 =	vmul.f32 v14, v61;
	[tilespmem:s4+$0xFFFFFF00] =	vst v59  }
0x2c9: {  	[tilespmem:s3+$0x0] =	vst v3;
	v3 =	vmul.f32 v61, v13  }
0x2ca: {  	[tilespmem:s3+$0x40] =	vst v2;
	v2 =	vmul.f32 v17, v61  }
0x2cb: {  	[tilespmem:s3+$0x30] =	vst v3;
	v3 =	vmul.f32 v16, v61  }
0x2cc: {  	[tilespmem:s3+$0x70] =	vst v2  }
0x2cd: {  	[tilespmem:s3+$0x60] =	vst v3  }
0x2ce: {  	s2 =	simm.s32 $0x0;
	[tilespmem:s4+$0x0] =	vst v61  }
0x2cf: {  	v2 =	vld [tilespmem:s2+$0xA8];
	_ =	sdelay $0x4  }
0x2d0: {  	(v2sf) =	vpush v2, $0x0;
	_ =	sdelay $0xd  }
0x2d1: {  	v2 =	vld [tilespmem:s7+$0x0]  }
0x2d2: {  	s24 =	spop (v2sf)  }
0x2d3: {  	v3 =	vld [tilespmem:s24+$0x8F00];
	_ =	sdelay $0x2  }
0x2d4: {  	v2 =	vmul.f32 v1, v2;
	_ =	sdelay $0x1  }
0x2d5: {  	v2 =	vadd.f32 v3, v2;
	_ =	sdelay $0x1  }
0x2d6: {  	s3 =	simm.s32 $0x1;
	s2 =	simm.s32 $0x8;
	[tilespmem:s24+$0x8F00] =	vst v2  }
.LBB2_13:
0x2d7: {  	p1 =	sne.s32 s2, $0x9C;
	v2 =	vld [tilespmem:s3+$0xA8];
	_ =	sdelay $0x4  }
0x2d8: {  	(v2sf) =	vpush v2, $0x0;
	_ =	sdelay $0xc  }
0x2d9: {  	s7 =	sadd.s32 $0x80, s7  }
0x2da: {  	v2 =	vld [tilespmem:s7+$0x0]  }
0x2db: {  	s4 =	spop (v2sf)  }
0x2dc: {  	v3 =	vld [tilespmem:s4+$0x8F00];
	_ =	sdelay $0x2  }
.Ltmp5:
0x2dd: {  	v2 =	vmul.f32 v1, v2;
	(pc) =	sbr.rel @p1 .LBB2_13-.Ltmp5, $3  }
0x2de: {  	_ = 	snop  }
0x2df: {  	v2 =	vadd.f32 v3, v2;
	_ =	sdelay $0x1  }
0x2e0: {  	s3 =	sshra.s32 s2, $0x2;
	s2 =	sadd.s32 $0x4, s2;
	[tilespmem:s4+$0x8F00] =	vst v2  }
0x2e1: {  	v2 =	vld [tilespmem:s3+$0xA8];
	_ =	sdelay $0x4  }
0x2e2: {  	(v2sf) =	vpush v2, $0x0;
	_ =	sdelay $0xc  }
0x2e3: {  	s2 =	sadd.s32 $0x80, s7  }
0x2e4: {  	v2 =	vld [tilespmem:s2+$0x0]  }
0x2e5: {  	s24 =	spop (v2sf)  }
0x2e6: {  	v3 =	vld [tilespmem:s24+$0x8F00];
	_ =	sdelay $0x2  }
0x2e7: {  	v2 =	vmul.f32 v1, v2;
	_ =	sdelay $0x1  }
0x2e8: {  	s0 =	sadd.s32 $0x1, s0;
	v2 =	vadd.f32 v3, v2  }
0x2e9: {  	p1 =	sne.s32 s0, $0x7D  }
.Ltmp6:
0x2ea: {  	[tilespmem:s24+$0x8F00] =	vst v2;
	(pc) =	sbr.rel @p1 .LBB2_6-.Ltmp6, $4  }
0x2eb: {  	[spmem:s20] =	stream.indirect.scatter.add.f32 [tilespmem:s29], [sflag:$0x3], $0x80, s16, s13, $0xb8;
	[tilespmem:$0x1EF00] =	vst v63  }
0x2ec: {  	_ =	swait.ge [sflag:s12], $0x1400  }
0x2ed: {  	[sflag:s12] =	ssyncset.done $0x0  }
0x2ee: {  	[sflag:s12] =	ssyncadd.s32 $0xFFFFEC00  }
0x2ef: {  	s0 =	sld [smem:$0x7F6];
	_ =	sdelay $0x1  }
0x2f0: {  	s2 =	simm.s32 $0x400;
	s3 =	simm.s32 $0x8F00  }
0x2f1: {  	[hbm4b:s0+s15] =	stream.strided.scatter [tilespmem:s3], [sflag:$0x3], $0x2780, s2, s15, $0x38;
	[tilespmem:$0x1EF00] =	vst v63  }
0x2f2: {  	_ =	swait.ge [sflag:s12], $0x2780  }
0x2f3: {  	[sflag:s12] =	ssyncset.done $0x0  }
0x2f4: {  	[sflag:s12] =	ssyncadd.s32 $0xFFFFD880  }
0x2f5: {  	s2 =	stileid.u32;
	[bflag:$0x0] =	sbarrier.arrive $0xFFFF  }
0x2f6: {  	s0 =	sshll.u32 s2, $0x6;
	s3 =	rddreg [dreg:$0x14]  }
0x2f7: {  	s0 =	sor.u32 $0x1C03, s0;
	s4 =	rddreg [dreg:$0x4];
	s2 =	sshrl.u32 s3, $0x3  }
0x2f8: {  	[hbm:s4], [sflag:s0] =	dma.local [spmem:s2], $0x280  }
0x2f9: {  	_ =	swait.ge [sflag:s12], $0x280  }
0x2fa: {  	[sflag:s12] =	ssyncset.done $0x0  }
0x2fb: {  	s5 =	sshrl.u32 s8, $0x3;
	s6 =	rddreg [dreg:$0x5];
	[sflag:s12] =	ssyncadd.s32 $0xFFFFFD80  }
0x2fc: {  	[hbm:s6], [sflag:s0] =	dma.local [spmem:s5], $0x280  }
0x2fd: {  	_ =	swait.ge [sflag:s12], $0x280  }
0x2fe: {  	s7 =	sshrl.u32 s19, $0x3;
	[sflag:s12] =	ssyncset.done $0x0  }
0x2ff: {  	s4 =	smov.u32 s8;
	s8 =	rddreg [dreg:$0x6];
	[sflag:s12] =	ssyncadd.s32 $0xFFFFFD80  }
0x300: {  	[hbm:s8], [sflag:s0] =	dma.local [spmem:s7], $0x280  }
0x301: {  	_ =	swait.ge [sflag:s12], $0x280  }
0x302: {  	s5 =	smov.u32 s19;
	[sflag:s12] =	ssyncset.done $0x0;
	s6 =	rddreg [dreg:$0x15]  }
0x303: {  	s24 =	rddreg [dreg:$0x7];
	[sflag:s12] =	ssyncadd.s32 $0xFFFFFD80;
	s19 =	sshrl.u32 s6, $0x3  }
0x304: {  	[hbm:s24], [sflag:s0] =	dma.local [spmem:s19], $0x280  }
0x305: {  	_ =	swait.ge [sflag:s12], $0x280  }
0x306: {  	[sflag:s12] =	ssyncset.done $0x0;
	s7 =	rddreg [dreg:$0x16]  }
0x307: {  	s8 =	rddreg [dreg:$0x8];
	[sflag:s12] =	ssyncadd.s32 $0xFFFFFD80;
	s3 =	sshrl.u32 s7, $0x3  }
0x308: {  	[hbm:s8], [sflag:s0] =	dma.local [spmem:s3], $0x280  }
0x309: {  	_ =	swait.ge [sflag:s12], $0x280  }
0x30a: {  	[sflag:s12] =	ssyncset.done $0x0;
	s19 =	rddreg [dreg:$0x17]  }
0x30b: {  	s24 =	rddreg [dreg:$0x9];
	[sflag:s12] =	ssyncadd.s32 $0xFFFFFD80;
	s2 =	sshrl.u32 s19, $0x3  }
0x30c: {  	[hbm:s24], [sflag:s0] =	dma.local [spmem:s2], $0x280  }
0x30d: {  	_ =	swait.ge [sflag:s12], $0x280  }
0x30e: {  	[sflag:s12] =	ssyncset.done $0x0;
	s3 =	rddreg [dreg:$0x18]  }
0x30f: {  	s8 =	rddreg [dreg:$0xa];
	[sflag:s12] =	ssyncadd.s32 $0xFFFFFD80;
	s2 =	sshrl.u32 s3, $0x3  }
0x310: {  	[hbm:s8], [sflag:s0] =	dma.local [spmem:s2], $0x280  }
0x311: {  	_ =	swait.ge [sflag:s12], $0x280  }
0x312: {  	[sflag:s12] =	ssyncset.done $0x0;
	s19 =	rddreg [dreg:$0x19]  }
0x313: {  	s24 =	rddreg [dreg:$0xb];
	[sflag:s12] =	ssyncadd.s32 $0xFFFFFD80;
	s2 =	sshrl.u32 s19, $0x3  }
0x314: {  	[hbm:s24], [sflag:s0] =	dma.local [spmem:s2], $0x280  }
0x315: {  	_ =	swait.ge [sflag:s12], $0x280  }
0x316: {  	[sflag:s12] =	ssyncset.done $0x0;
	s3 =	rddreg [dreg:$0x1a]  }
0x317: {  	s8 =	rddreg [dreg:$0xc];
	[sflag:s12] =	ssyncadd.s32 $0xFFFFFD80;
	s2 =	sshrl.u32 s3, $0x3  }
0x318: {  	[hbm:s8], [sflag:s0] =	dma.local [spmem:s2], $0x280  }
0x319: {  	_ =	swait.ge [sflag:s12], $0x280  }
0x31a: {  	[sflag:s12] =	ssyncset.done $0x0;
	s19 =	rddreg [dreg:$0x1b]  }
0x31b: {  	s24 =	rddreg [dreg:$0xd];
	[sflag:s12] =	ssyncadd.s32 $0xFFFFFD80;
	s2 =	sshrl.u32 s19, $0x3  }
0x31c: {  	[hbm:s24], [sflag:s0] =	dma.local [spmem:s2], $0x280  }
0x31d: {  	_ =	swait.ge [sflag:s12], $0x280  }
0x31e: {  	[sflag:s12] =	ssyncset.done $0x0;
	s3 =	rddreg [dreg:$0x1c]  }
0x31f: {  	s8 =	rddreg [dreg:$0xe];
	[sflag:s12] =	ssyncadd.s32 $0xFFFFFD80;
	s2 =	sshrl.u32 s3, $0x3  }
0x320: {  	[hbm:s8], [sflag:s0] =	dma.local [spmem:s2], $0x280  }
0x321: {  	_ =	swait.ge [sflag:s12], $0x280  }
0x322: {  	[sflag:s12] =	ssyncset.done $0x0;
	s19 =	rddreg [dreg:$0x1d]  }
0x323: {  	s24 =	rddreg [dreg:$0xf];
	[sflag:s12] =	ssyncadd.s32 $0xFFFFFD80;
	s2 =	sshrl.u32 s19, $0x3  }
0x324: {  	[hbm:s24], [sflag:s0] =	dma.local [spmem:s2], $0x280  }
0x325: {  	_ =	swait.ge [sflag:s12], $0x280  }
0x326: {  	[sflag:s12] =	ssyncset.done $0x0;
	s3 =	rddreg [dreg:$0x1e]  }
0x327: {  	s8 =	rddreg [dreg:$0x10];
	[sflag:s12] =	ssyncadd.s32 $0xFFFFFD80;
	s2 =	sshrl.u32 s3, $0x3  }
0x328: {  	[hbm:s8], [sflag:s0] =	dma.local [spmem:s2], $0x280  }
0x329: {  	_ =	swait.ge [sflag:s12], $0x280  }
0x32a: {  	[sflag:s12] =	ssyncset.done $0x0;
	s19 =	rddreg [dreg:$0x1f]  }
0x32b: {  	s24 =	rddreg [dreg:$0x11];
	[sflag:s12] =	ssyncadd.s32 $0xFFFFFD80;
	s2 =	sshrl.u32 s19, $0x3  }
0x32c: {  	[hbm:s24], [sflag:s0] =	dma.local [spmem:s2], $0x280  }
0x32d: {  	_ =	swait.ge [sflag:s12], $0x280  }
0x32e: {  	s8 =	sld [smem:$0x7F4];
	_ =	sdelay $0x1  }
0x32f: {  	[sflag:s12] =	ssyncset.done $0x0  }
0x330: {  	s19 =	rddreg [dreg:$0x12];
	[sflag:s12] =	ssyncadd.s32 $0xFFFFFD80;
	s2 =	sshrl.u32 s8, $0x3  }
0x331: {  	[hbm:s19], [sflag:s0] =	dma.local [spmem:s2], $0x280  }
0x332: {  	_ =	swait.ge [sflag:s12], $0x280  }
0x333: {  	s2 =	sld [smem:$0x7FC]  }
0x334: {  	s3 =	sld [smem:$0x7F7]  }
0x335: {  	[sflag:s12] =	ssyncset.done $0x0  }
0x336: {  	[sflag:s12] =	ssyncadd.s32 $0xFFFFFD80;
	s2 =	sshrl.u32 @p0 s2, $0x3  }
0x337: {  	[hbm:s3], [sflag:s0] =	dma.local @p0 [spmem:s2], $0x180  }
0x338: {  	s2 =	simm.s32 @p0 $0x3  }
0x339: {  	_ =	swait.ge @p0 [sflag:s2], $0x180  }
0x33a: {  	s3 =	sld [smem:$0x7FD]  }
0x33b: {  	s8 =	sld [smem:$0x7F8]  }
0x33c: {  	[sflag:s2] =	ssyncset.done @p0 $0x0  }
0x33d: {  	[sflag:s2] =	ssyncadd.s32 @p0 $0xFFFFFE80;
	s3 =	sshrl.u32 @p0 s3, $0x3  }
0x33e: {  	[hbm:s8], [sflag:s0] =	dma.local @p0 [spmem:s3], $0x100  }
0x33f: {  	_ =	swait.ge @p0 [sflag:s2], $0x100  }
0x340: {  	s3 =	sld [smem:$0x7FA]  }
0x341: {  	[sflag:s2] =	ssyncset.done @p0 $0x0  }
0x342: {  	[sflag:s2] =	ssyncadd.s32 @p0 $0xFFFFFF00;
	s2 =	rddreg [dreg:$0x13]  }
0x343: {  	[hbm:s2], [sflag:s0] =	dma.local @!p0 [spmem:s3], $0x180  }
0x344: {  	s0 =	simm.s32 @!p0 $0x3  }
0x345: {  	_ =	swait.ge @!p0 [sflag:s0], $0x180  }
0x346: {  	s24 =	sld [smem:$0x7F9];
	_ =	sdelay $0x1  }
0x347: {  	s17 =	sadd.s32 $0x1, s17  }
0x348: {  	p1 =	sne.s32 s17, s24  }
.Ltmp7:
0x349: {  	_ = 	snop;
	(pc) =	sbr.rel @p1 .LBB2_1-.Ltmp7, $3  }
0x34a: {  	_ =	sdelay $0x1  }
0x34b: {  	[sflag:s0] =	ssyncset.done @!p0 $0x0  }
0x34c: {  	[sflag:s0] =	ssyncadd.s32 @!p0 $0xFFFFFE80  }
0x34d: {  	_ =	sfence.sel $0x180000  }
0x34e: {  	[bflag:$0x0] =	sbarrier.arrive $0xFFFF  }
0x34f: {  	_ =	strace $0x90000047  }
0x350: {  	s0 =	stileid.u32;
	[bflag:$0x2] =	sbarrier.arrive $0xFFFF  }
0x351: {  	p0 =	sne.s32 s0, $0x0;
	s0 =	rddreg [dreg:$0x3]  }
0x352: {  	s0 =	sadd.s32 @!p0 $0x100000, s0  }
0x353: {  	[sflag:s0] =	ssyncadd.tile.s32 @!p0 $0x1;
	_ =	shalt  }
.Lfunc_end2:
_tile_overlayer_lowered:
.L_overlay_start_2:
0x354: {  	(tag) =	ssettag $0x2  }
0x355: {  	s0 =	rddreg [dreg:$0x0];
	s2 =	stileid.u32  }
0x356: {  	s1 =	rddreg [dreg:$0x1];
	p0 =	sne.s32 s2, $0x0  }
0x357: {  	s3 =	rddreg [dreg:$0x2];
	[bflag:$0x3] =	sbarrier.arrive $0xFFFF;
	s2 =	simm.s32 @!p0 $0x1C03  }
0x358: {  	[timem:s3], [sflag:s2] =	dma.local @!p0 [hbm:s0], s1  }
0x359: {  	s0 =	simm.s32 @!p0 $0x3  }
0x35a: {  	_ =	swait.ge @!p0 [sflag:s0], s1  }
0x35b: {  	s1 =	ssub.s32 @!p0 $0x0, s1;
	[sflag:s0] =	ssyncset.done @!p0 $0x0  }
0x35c: {  	[sflag:s0] =	ssyncadd.s32 @!p0 s1  }
0x35d: {  	[bflag:$0x3] =	sbarrier.arrive $0xFFFF  }
0x35e: {  	_ =	shalt  }

</sc_bundles>
